<compile_context>
chip_gen: v7x
topology: tpu7x:2x2x1
jax: 0.10.2.dev20260603
libtpu: 0.0.44.dev20260713+nightly
codegen_flags: <defaults>
</compile_context>

<pallas_src>
import functools

import jax
import jax.numpy as jnp
from jax.experimental import pallas as pl
from jax.experimental.pallas import tpu as pltpu
from jax.experimental.pallas import tpu_sc as plsc

B, S, D, H = 2, 2048, 768, 12
FFN, INTER, E, ND = 3072, 768, 8, 4
DH = D // H
T = B * S
SCALE = DH ** -0.5

TB_QKV = 512
BQ = 2048
TB = 256
NTB = T // TB

TBS = 128
NB = 40
PAD_T = NB * TBS

TROWS = T // 128


def _gelu(x):
    return x * 0.5 * (1.0 + jax.lax.erf(x * (2.0 ** -0.5)))


def _layernorm(t, g, b):
    m = jnp.mean(t, axis=-1, keepdims=True)
    v = jnp.mean((t - m) ** 2, axis=-1, keepdims=True)
    return (t - m) / jnp.sqrt(v + 1e-5) * g + b


def _qkv_body(x_ref, wq_ref, wk_ref, wv_ref, b_ref, q_ref, k_ref, v_ref):
    x = x_ref[...]
    cn = (((1,), (1,)), ((), ()))
    q = (jax.lax.dot_general(x, wq_ref[...], cn,
                             preferred_element_type=jnp.float32)
         + b_ref[:, :D]) * SCALE
    k = (jax.lax.dot_general(x, wk_ref[...], cn,
                             preferred_element_type=jnp.float32)
         + b_ref[:, D:2 * D])
    v = (jax.lax.dot_general(x, wv_ref[...], cn,
                             preferred_element_type=jnp.float32)
         + b_ref[:, 2 * D:])
    q_ref[0] = jnp.stack([q[:, h * DH:(h + 1) * DH] for h in range(H)], 0)
    k_ref[0] = jnp.stack([k[:, h * DH:(h + 1) * DH] for h in range(H)], 0)
    v_ref[0] = jnp.stack([v[:, h * DH:(h + 1) * DH] for h in range(H)], 0)


def _attn_body(q_ref, k_ref, v_ref, o_ref):
    q = q_ref[0, 0]
    k = k_ref[0, 0]
    v = v_ref[0, 0]
    s = jax.lax.dot_general(q, k, (((1,), (1,)), ((), ())),
                            preferred_element_type=jnp.float32)
    m = jnp.max(s, axis=-1, keepdims=True)
    p = jnp.exp(s - m)
    p = p / jnp.sum(p, axis=-1, keepdims=True)
    o_ref[0, 0] = jnp.dot(p, v, preferred_element_type=jnp.float32)


def _oproj_ln_body(o_ref, w_ref, b_ref, hs_ref, g_ref, bb_ref, x_ref):
    o = jnp.concatenate([o_ref[0, h] for h in range(H)], axis=-1)
    t = (jax.lax.dot_general(o, w_ref[...], (((1,), (1,)), ((), ())),
                             preferred_element_type=jnp.float32)
         + b_ref[...] + hs_ref[...])
    x_ref[...] = _layernorm(t, g_ref[...], bb_ref[...])


def _gate_body(idx_ref, x_ref, gw_ref, gb_ref, gate_ref, gval_ref):
    del idx_ref
    x = x_ref[...]
    gw = gw_ref[0]
    logits = jax.lax.dot_general(x, gw, (((1,), (1,)), ((), ())),
                                 preferred_element_type=jnp.float32)
    logits = logits + gb_ref[0]
    m = jnp.max(logits, axis=-1, keepdims=True)
    p = jnp.exp(logits - m)
    sp = jnp.sum(p, axis=-1)
    gate_ref[0, 0] = jnp.argmax(logits, axis=-1).astype(jnp.int32)
    gval_ref[0, 0] = jnp.max(p, axis=-1) / sp


def _route_body(gate_ref, dst_ref, bex_ref):
    g = gate_ref[...]
    l0 = jax.lax.broadcasted_iota(jnp.int32, (128, 128), 0)
    l1 = jax.lax.broadcasted_iota(jnp.int32, (128, 128), 1)
    slt_lane = (l0 < l1).astype(jnp.float32)
    r0 = jax.lax.broadcasted_iota(jnp.int32, (TROWS, TROWS), 0)
    r1 = jax.lax.broadcasted_iota(jnp.int32, (TROWS, TROWS), 1)
    slt_row = (r1 < r0).astype(jnp.float32)

    dst = jnp.zeros((TROWS, 128), jnp.float32)
    bpos = (jax.lax.broadcasted_iota(jnp.int32, (1, NB), 1)
            * TBS).astype(jnp.float32)
    bex = jnp.zeros((1, NB), jnp.float32)
    base = jnp.float32(0.0)
    for e in range(E):
        oh = (g == e).astype(jnp.float32)
        cs = jnp.dot(oh, slt_lane, preferred_element_type=jnp.float32)
        rs = jnp.sum(oh, axis=1, keepdims=True)
        rp = jnp.dot(slt_row, rs, preferred_element_type=jnp.float32)
        dst = dst + oh * (cs + rp + base)
        cnt = jnp.sum(oh)
        pc = jnp.ceil(cnt * (1.0 / TBS)) * TBS
        bex = bex + jnp.float32(e) * ((bpos >= base) &
                                      (bpos < base + pc)).astype(jnp.float32)
        base = base + pc
    dst_ref[...] = dst.astype(jnp.int32)
    bex_ref[...] = bex.astype(jnp.int32)


def _expert_body(bex_ref, xs_ref, e1w_ref, e1b_ref, e2w_ref, ys_ref):
    del bex_ref
    xs = xs_ref[...]
    he = jax.lax.dot_general(xs, e1w_ref[0], (((1,), (1,)), ((), ())),
                             preferred_element_type=jnp.float32)
    he = _gelu(he + e1b_ref[0])
    ys_ref[...] = jax.lax.dot_general(he, e2w_ref[0], (((1,), (1,)), ((), ())),
                                      preferred_element_type=jnp.float32)


def _shared_body(x_ref, w1_ref, b1_ref, w2_ref, o_ref):
    cn = (((1,), (1,)), ((), ()))
    h = jax.lax.dot_general(x_ref[...], w1_ref[...], cn,
                            preferred_element_type=jnp.float32)
    h = _gelu(h + b1_ref[...])
    o_ref[...] = jax.lax.dot_general(h, w2_ref[...], cn,
                                     preferred_element_type=jnp.float32)


def _combine_body(ysh_ref, ye_ref, b2_ref, gval_ref, x_ref, g_ref, bb_ref,
                  o_ref):
    x = x_ref[...]
    y = ysh_ref[...] + ye_ref[...] + b2_ref[...]
    t = y * gval_ref[0, 0][:, None] + x
    o_ref[...] = _layernorm(t, g_ref[...], bb_ref[...])


def _sc_scatter(table, idx, n_rows_out):
    info = plsc.get_sparse_core_info()
    nc, ns = info.num_cores, info.num_subcores
    nw = nc * ns
    n_rows_in = table.shape[0]
    per_w = n_rows_in // nw
    n_ch = 4
    ch = per_w // n_ch
    mesh = plsc.VectorSubcoreMesh(core_axis_name="c", subcore_axis_name="s")

    @functools.partial(
        pl.kernel, mesh=mesh,
        out_type=jax.ShapeDtypeStruct((n_rows_out, D), jnp.float32),
        scratch_types=[pltpu.VMEM((n_ch, ch), jnp.int32)]
        + [pltpu.VMEM((ch, D), jnp.float32) for _ in range(4)]
        + [pltpu.SemaphoreType.DMA, pltpu.SemaphoreType.DMA])
    def sk(table_hbm, idx_hbm, out_hbm, idx_v, b0, b1, b2, b3, lsem, ssem):
        bufs = [b0, b1, b2, b3]
        wid = jax.lax.axis_index("s") * nc + jax.lax.axis_index("c")
        base = wid * per_w
        loads = []
        for c in range(n_ch):
            pltpu.sync_copy(idx_hbm.at[pl.ds(base + c * ch, ch)], idx_v.at[c])
            loads.append(pltpu.async_copy(
                table_hbm.at[pl.ds(base + c * ch, ch)], bufs[c], lsem))
        stores = []
        for c in range(n_ch):
            loads[c].wait()
            stores.append(pltpu.async_copy(
                bufs[c], out_hbm.at[idx_v.at[c]], ssem))
        for cp in stores:
            cp.wait()

    return sk(table, idx)


def _sc_gather(table, idx, n_rows):
    info = plsc.get_sparse_core_info()
    nc, ns = info.num_cores, info.num_subcores
    nw = nc * ns
    per_w = n_rows // nw
    n_ch = 4
    ch = per_w // n_ch
    mesh = plsc.VectorSubcoreMesh(core_axis_name="c", subcore_axis_name="s")

    @functools.partial(
        pl.kernel, mesh=mesh,
        out_type=jax.ShapeDtypeStruct((n_rows, D), jnp.float32),
        scratch_types=[pltpu.VMEM((per_w,), jnp.int32)]
        + [pltpu.VMEM((ch, D), jnp.float32) for _ in range(4)]
        + [pltpu.SemaphoreType.DMA, pltpu.SemaphoreType.DMA])
    def gk(table_hbm, idx_hbm, out_hbm, idx_v, b0, b1, b2, b3, gsem, ssem):
        bufs = [b0, b1, b2, b3]
        wid = jax.lax.axis_index("s") * nc + jax.lax.axis_index("c")
        base = wid * per_w
        pltpu.sync_copy(idx_hbm.at[pl.ds(base, per_w)], idx_v)
        gathers = [pltpu.async_copy(
            table_hbm.at[idx_v.at[pl.ds(c * ch, ch)]], bufs[c], gsem)
            for c in range(n_ch)]
        stores = []
        for c in range(n_ch):
            gathers[c].wait()
            stores.append(pltpu.async_copy(
                bufs[c], out_hbm.at[pl.ds(base + c * ch, ch)], ssem))
        for cp in stores:
            cp.wait()

    return gk(table, idx)


def kernel(hidden_states, idxes, Wq, bq, Wk, bk, Wv, bv, Wo, bo, ln1_g, ln1_b,
           fc1_W, fc1_b, fc2_W, fc2_b, exp1_W, exp1_b, exp2_W, gate_W, gate_b,
           fln_g, fln_b):
    xf = hidden_states.reshape(T, D)
    bqkv = jnp.concatenate([bq, bk, bv]).reshape(1, 3 * D)
    sb = S // TB_QKV

    hspec = pl.BlockSpec((1, H, TB_QKV, DH), lambda i: (i // sb, 0, i % sb, 0))
    q, k, v = pl.pallas_call(
        _qkv_body,
        grid=(T // TB_QKV,),
        in_specs=[pl.BlockSpec((TB_QKV, D), lambda i: (i, 0)),
                  pl.BlockSpec((D, D), lambda i: (0, 0)),
                  pl.BlockSpec((D, D), lambda i: (0, 0)),
                  pl.BlockSpec((D, D), lambda i: (0, 0)),
                  pl.BlockSpec((1, 3 * D), lambda i: (0, 0))],
        out_specs=[hspec, hspec, hspec],
        out_shape=[jax.ShapeDtypeStruct((B, H, S, DH), jnp.float32)] * 3,
    )(xf, Wq, Wk, Wv, bqkv)

    o = pl.pallas_call(
        _attn_body,
        grid=(B, H, S // BQ),
        in_specs=[pl.BlockSpec((1, 1, BQ, DH), lambda b, h, i: (b, h, i, 0)),
                  pl.BlockSpec((1, 1, S, DH), lambda b, h, i: (b, h, 0, 0)),
                  pl.BlockSpec((1, 1, S, DH), lambda b, h, i: (b, h, 0, 0))],
        out_specs=pl.BlockSpec((1, 1, BQ, DH), lambda b, h, i: (b, h, i, 0)),
        out_shape=jax.ShapeDtypeStruct((B, H, S, DH), jnp.float32),
    )(q, k, v)

    stb = S // TB
    x = pl.pallas_call(
        _oproj_ln_body,
        grid=(NTB,),
        in_specs=[pl.BlockSpec((1, H, TB, DH),
                               lambda i: (i // stb, 0, i % stb, 0)),
                  pl.BlockSpec((D, D), lambda i: (0, 0)),
                  pl.BlockSpec((1, D), lambda i: (0, 0)),
                  pl.BlockSpec((TB, D), lambda i: (i, 0)),
                  pl.BlockSpec((1, D), lambda i: (0, 0)),
                  pl.BlockSpec((1, D), lambda i: (0, 0))],
        out_specs=pl.BlockSpec((TB, D), lambda i: (i, 0)),
        out_shape=jax.ShapeDtypeStruct((T, D), jnp.float32),
    )(o, Wo, bo.reshape(1, D), xf,
      ln1_g.reshape(1, D), ln1_b.reshape(1, D))

    y_sh = pl.pallas_call(
        _shared_body,
        grid=(NTB,),
        in_specs=[pl.BlockSpec((TB, D), lambda i: (i, 0)),
                  pl.BlockSpec((FFN, D), lambda i: (0, 0)),
                  pl.BlockSpec((1, FFN), lambda i: (0, 0)),
                  pl.BlockSpec((D, FFN), lambda i: (0, 0))],
        out_specs=pl.BlockSpec((TB, D), lambda i: (i, 0)),
        out_shape=jax.ShapeDtypeStruct((T, D), jnp.float32),
    )(x, fc1_W, fc1_b.reshape(1, FFN), fc2_W)

    gate_spec = pltpu.PrefetchScalarGridSpec(
        num_scalar_prefetch=1,
        grid=(B,),
        in_specs=[pl.BlockSpec((S, D), lambda b, idx: (b, 0)),
                  pl.BlockSpec((1, E, D), lambda b, idx: (idx[b], 0, 0)),
                  pl.BlockSpec((1, 1, E), lambda b, idx: (idx[b], 0, 0))],
        out_specs=[pl.BlockSpec((1, 1, S), lambda b, idx: (b, 0, 0)),
                   pl.BlockSpec((1, 1, S), lambda b, idx: (b, 0, 0))],
    )
    gate, gval = pl.pallas_call(
        _gate_body,
        grid_spec=gate_spec,
        out_shape=[jax.ShapeDtypeStruct((B, 1, S), jnp.int32),
                   jax.ShapeDtypeStruct((B, 1, S), jnp.float32)],
    )(idxes, x, gate_W, gate_b.reshape(ND, 1, E))

    gate_flat = gate.reshape(TROWS, 128)
    dst, bex = pl.pallas_call(
        _route_body,
        grid=(1,),
        in_specs=[pl.BlockSpec((TROWS, 128), lambda j: (0, 0))],
        out_specs=[pl.BlockSpec((TROWS, 128), lambda j: (0, 0)),
                   pl.BlockSpec((1, NB), lambda j: (0, 0))],
        out_shape=[jax.ShapeDtypeStruct((TROWS, 128), jnp.int32),
                   jax.ShapeDtypeStruct((1, NB), jnp.int32)],
    )(gate_flat)

    xs = _sc_scatter(x, dst.reshape(T), PAD_T)

    expert_spec = pltpu.PrefetchScalarGridSpec(
        num_scalar_prefetch=1,
        grid=(NB,),
        in_specs=[pl.BlockSpec((TBS, D), lambda i, bx: (i, 0)),
                  pl.BlockSpec((1, INTER, D), lambda i, bx: (bx[i], 0, 0)),
                  pl.BlockSpec((1, 1, INTER), lambda i, bx: (bx[i], 0, 0)),
                  pl.BlockSpec((1, D, INTER), lambda i, bx: (bx[i], 0, 0))],
        out_specs=pl.BlockSpec((TBS, D), lambda i, bx: (i, 0)),
    )
    ys = pl.pallas_call(
        _expert_body,
        grid_spec=expert_spec,
        out_shape=jax.ShapeDtypeStruct((PAD_T, D), jnp.float32),
    )(bex.reshape(NB), xs, exp1_W,
      exp1_b.reshape(E, 1, INTER), exp2_W)

    ye = _sc_gather(ys, dst.reshape(T), T)

    gval_r = gval.reshape(NTB, 1, TB)
    out = pl.pallas_call(
        _combine_body,
        grid=(NTB,),
        in_specs=[pl.BlockSpec((TB, D), lambda i: (i, 0)),
                  pl.BlockSpec((TB, D), lambda i: (i, 0)),
                  pl.BlockSpec((1, D), lambda i: (0, 0)),
                  pl.BlockSpec((1, 1, TB), lambda i: (i, 0, 0)),
                  pl.BlockSpec((TB, D), lambda i: (i, 0)),
                  pl.BlockSpec((1, D), lambda i: (0, 0)),
                  pl.BlockSpec((1, D), lambda i: (0, 0))],
        out_specs=pl.BlockSpec((TB, D), lambda i: (i, 0)),
        out_shape=jax.ShapeDtypeStruct((T, D), jnp.float32),
    )(y_sh, ye, fc2_b.reshape(1, D), gval_r, x,
      fln_g.reshape(1, D), fln_b.reshape(1, D))

    return out.reshape(B, S, D)

# --- scband reference (transcript-rebuilt; emitter-appended) ---
"""Pipeline reference for scband-my-moe-decoder-layer-72043781423420 (READ-ONLY COPY).

The authoritative reference and input builder live on the scoring server;
editing this copy changes nothing except your own understanding.
"""

import jax, jax.numpy as jnp
import numpy as np

B, S, D, H = 2, 2048, 768, 12
FFN, INTER, E, ND = 3072, 768, 8, 4


def _ln(x, g, b):
    m = jnp.mean(x, axis=-1, keepdims=True)
    v = jnp.mean((x - m) ** 2, axis=-1, keepdims=True)
    return (x - m) / jnp.sqrt(v + 1e-5) * g + b


def setup_inputs(seed: int = 0):
    key = jax.random.key(seed)
    ks = jax.random.split(key, 16)
    w = lambda k, shp: jax.random.normal(k, shp, dtype=jnp.float32) * 0.02
    return {
        "hidden_states": jax.random.normal(ks[0], (B, S, D), dtype=jnp.float32),
        "idxes": jax.random.randint(ks[1], (B,), 0, ND, dtype=jnp.int32),
        "Wq": w(ks[2], (D, D)), "bq": jnp.zeros((D,), jnp.float32),
        "Wk": w(ks[3], (D, D)), "bk": jnp.zeros((D,), jnp.float32),
        "Wv": w(ks[4], (D, D)), "bv": jnp.zeros((D,), jnp.float32),
        "Wo": w(ks[5], (D, D)), "bo": jnp.zeros((D,), jnp.float32),
        "ln1_g": jnp.ones((D,), jnp.float32), "ln1_b": jnp.zeros((D,), jnp.float32),
        "fc1_W": w(ks[6], (FFN, D)), "fc1_b": jnp.zeros((FFN,), jnp.float32),
        "fc2_W": w(ks[7], (D, FFN)), "fc2_b": jnp.zeros((D,), jnp.float32),
        "exp1_W": w(ks[8], (E, INTER, D)), "exp1_b": jnp.zeros((E, INTER), jnp.float32),
        "exp2_W": w(ks[9], (E, D, INTER)),
        "gate_W": w(ks[10], (ND, E, D)), "gate_b": jnp.zeros((ND, E), jnp.float32),
        "fln_g": jnp.ones((D,), jnp.float32), "fln_b": jnp.zeros((D,), jnp.float32),
    }


def _attn(x, Wq, bq, Wk, bk, Wv, bv, Wo, bo):
    dh = D // H
    q = (x @ Wq.T + bq) * (dh ** -0.5)
    k = x @ Wk.T + bk
    v = x @ Wv.T + bv
    sp = lambda t: t.reshape(B, S, H, dh).transpose(0, 2, 1, 3)
    q, k, v = sp(q), sp(k), sp(v)
    a = jax.nn.softmax(q @ k.transpose(0, 1, 3, 2), axis=-1)
    o = (a @ v).transpose(0, 2, 1, 3).reshape(B, S, D)
    return o @ Wo.T + bo


def reference(hidden_states, idxes, Wq, bq, Wk, bk, Wv, bv, Wo, bo, ln1_g, ln1_b,
              fc1_W, fc1_b, fc2_W, fc2_b, exp1_W, exp1_b, exp2_W, gate_W, gate_b,
              fln_g, fln_b):
    # self-attention block (attention_mask=None, eval mode -> no dropout)
    x = hidden_states
    x = _ln(x + _attn(x, Wq, bq, Wk, bk, Wv, bv, Wo, bo), ln1_g, ln1_b)
    # feed_forward: per-dataset top-1 gating over experts.
    # The torch code sorts tokens by dataset, gates per group, then unsorts;
    # that is mathematically identical to per-token gating with gathered gate weights.
    xf = x.reshape(B * S, D)
    ds = jnp.repeat(idxes, S)  # token -> dataset id
    logits = jnp.einsum('td,ted->te', xf, gate_W[ds]) + gate_b[ds]
    probs = jax.nn.softmax(logits, axis=-1)
    gate = jnp.argmax(probs, axis=-1)
    gval = jnp.max(probs, axis=-1)
    # expert FFN: effective W1 = concat(fc1, expert_fc1) rows, W2 = concat(fc2, expert_fc2) cols.
    # torch dispatches via sort/split; here we compute each expert densely and
    # select per-token with the gate mask (same math, same result order).
    out = jnp.zeros_like(xf)
    for i in range(E):
        W1 = jnp.concatenate([fc1_W, exp1_W[i]], axis=0)
        b1 = jnp.concatenate([fc1_b, exp1_b[i]], axis=0)
        W2 = jnp.concatenate([fc2_W, exp2_W[i]], axis=1)
        h = jax.nn.gelu(xf @ W1.T + b1, approximate=False)
        h = h @ W2.T + fc2_b
        h = h * gval[:, None] + xf  # keep_resident: gate-scaled + residual
        h = _ln(h, fln_g, fln_b)
        out = out + jnp.where(gate == i, 1.0, 0.0)[:, None] * h
    return out.reshape(B, S, D)

if __name__ == "__main__":
    import jax
    _d = setup_inputs()
    print(jax.jit(kernel)(*tuple(_d.values())))

</pallas_src>

<mosaic_0001>
#map = affine_map<(d0, d1) -> (0, 0)>
#map1 = affine_map<(d0, d1) -> (0)>
module attributes {stable_mosaic.version = 14 : i64} {
  func.func @sk(%arg0: i32, %arg1: i32, %arg2: memref<4096x768xf32, #tpu.memory_space<hbm>>, %arg3: memref<4096xi32, #tpu.memory_space<hbm>>, %arg4: memref<5120x768xf32, #tpu.memory_space<hbm>>, %arg5: memref<4x32xi32, #tpu.memory_space<vmem>>, %arg6: memref<32x768xf32, #tpu.memory_space<vmem>>, %arg7: memref<32x768xf32, #tpu.memory_space<vmem>>, %arg8: memref<32x768xf32, #tpu.memory_space<vmem>>, %arg9: memref<32x768xf32, #tpu.memory_space<vmem>>, %arg10: memref<!tpu.dma_semaphore, #tpu.memory_space<semaphore_mem>>, %arg11: memref<!tpu.dma_semaphore, #tpu.memory_space<semaphore_mem>>) attributes {dimension_semantics = [#tpu.dimension_semantics<core_parallel>, #tpu.dimension_semantics<subcore_parallel>], iteration_bounds = array<i64: 2, 16>, scalar_prefetch = 0 : i64, scratch_operands = 7 : i64, tpu.core_type = #tpu.core_type<sc_vector_subcore>, window_params = [{transform_indices = #map}, {transform_indices = #map1}, {transform_indices = #map}]} {
    %mul3A = arith.constant 2 : i32
    %mul3A_0 = arith.muli %arg1, %mul3A : i32
    %add3A = arith.addi %mul3A_0, %arg0 : i32
    %mul3A_1 = arith.constant 128 : i32
    %mul3A_2 = arith.muli %add3A, %mul3A_1 : i32
    %add3A_3 = arith.constant 0 : i32
    %add3A_4 = arith.addi %mul3A_2, %add3A_3 : i32
    %run_scoped3A = arith.constant 0 : i32
    "tpu.region"() ({
      %run_scoped3A_108 = tpu.sem_alloc : memref<!tpu.dma_semaphore, #tpu.memory_space<semaphore_mem>>
      %dma_start3A_109 = arith.constant 0 : i32
      %dma_start3A_110 = tpu.memref_slice %arg5[%run_scoped3A, %dma_start3A_109] : memref<4x32xi32, #tpu.memory_space<vmem>> -> memref<1x32xi32, #tpu.memory_space<vmem>>
      %dma_start3A_111 = tpu.memref_squeeze %dma_start3A_110 : memref<1x32xi32, #tpu.memory_space<vmem>> -> memref<32xi32, #tpu.memory_space<vmem>>
      %dma_start3A_112 = tpu.memref_slice %arg3[%add3A_4] : memref<4096xi32, #tpu.memory_space<hbm>> -> memref<32xi32, #tpu.memory_space<hbm>>
      %dma_start3A_113 = arith.constant 0 : i32
      %dma_start3A_114 = tpu.memref_slice %arg5[%run_scoped3A, %dma_start3A_113] : memref<4x32xi32, #tpu.memory_space<vmem>> -> memref<1x32xi32, #tpu.memory_space<vmem>>
      %dma_start3A_115 = tpu.memref_squeeze %dma_start3A_114 : memref<1x32xi32, #tpu.memory_space<vmem>> -> memref<32xi32, #tpu.memory_space<vmem>>
      %dma_start3A_116 = tpu.memref_slice %arg3[%add3A_4] : memref<4096xi32, #tpu.memory_space<hbm>> -> memref<32xi32, #tpu.memory_space<hbm>>
      tpu.enqueue_dma source(%dma_start3A_116 : memref<32xi32, #tpu.memory_space<hbm>>) target(%dma_start3A_115 : memref<32xi32, #tpu.memory_space<vmem>>) target_semaphore(%run_scoped3A_108 : memref<!tpu.dma_semaphore, #tpu.memory_space<semaphore_mem>>)
      %dma_wait3A_117 = arith.constant 0 : i32
      %dma_wait3A_118 = tpu.memref_slice %arg5[%run_scoped3A, %dma_wait3A_117] : memref<4x32xi32, #tpu.memory_space<vmem>> -> memref<1x32xi32, #tpu.memory_space<vmem>>
      %dma_wait3A_119 = tpu.memref_squeeze %dma_wait3A_118 : memref<1x32xi32, #tpu.memory_space<vmem>> -> memref<32xi32, #tpu.memory_space<vmem>>
      %dma_wait3A_120 = tpu.memref_slice %arg3[%add3A_4] : memref<4096xi32, #tpu.memory_space<hbm>> -> memref<32xi32, #tpu.memory_space<hbm>>
      %dma_wait3A_121 = arith.constant 0 : i32
      %dma_wait3A_122 = tpu.memref_slice %arg5[%run_scoped3A, %dma_wait3A_121] : memref<4x32xi32, #tpu.memory_space<vmem>> -> memref<1x32xi32, #tpu.memory_space<vmem>>
      %dma_wait3A_123 = tpu.memref_squeeze %dma_wait3A_122 : memref<1x32xi32, #tpu.memory_space<vmem>> -> memref<32xi32, #tpu.memory_space<vmem>>
      %dma_wait3A_124 = tpu.memref_slice %arg3[%add3A_4] : memref<4096xi32, #tpu.memory_space<hbm>> -> memref<32xi32, #tpu.memory_space<hbm>>
      tpu.wait_dma2 semaphore(%run_scoped3A_108 : memref<!tpu.dma_semaphore, #tpu.memory_space<semaphore_mem>>) src(%dma_wait3A_124 : memref<32xi32, #tpu.memory_space<hbm>>) dst(%dma_wait3A_123 : memref<32xi32, #tpu.memory_space<vmem>>)
      tpu.yield
    }) : () -> ()
    %add3A_5 = arith.constant 0 : i32
    %add3A_6 = arith.addi %mul3A_2, %add3A_5 : i32
    %dma_start3A = arith.constant 0 : i32
    %dma_start3A_7 = tpu.memref_slice %arg2[%add3A_6, %dma_start3A] : memref<4096x768xf32, #tpu.memory_space<hbm>> -> memref<32x768xf32, #tpu.memory_space<hbm>>
    %dma_start3A_8 = arith.constant 0 : i32
    %dma_start3A_9 = tpu.memref_slice %arg2[%add3A_6, %dma_start3A_8] : memref<4096x768xf32, #tpu.memory_space<hbm>> -> memref<32x768xf32, #tpu.memory_space<hbm>>
    tpu.enqueue_dma source(%dma_start3A_9 : memref<32x768xf32, #tpu.memory_space<hbm>>) target(%arg6 : memref<32x768xf32, #tpu.memory_space<vmem>>) target_semaphore(%arg10 : memref<!tpu.dma_semaphore, #tpu.memory_space<semaphore_mem>>)
    %add3A_10 = arith.constant 32 : i32
    %add3A_11 = arith.addi %mul3A_2, %add3A_10 : i32
    %run_scoped3A_12 = arith.constant 1 : i32
    "tpu.region"() ({
      %run_scoped3A_108 = tpu.sem_alloc : memref<!tpu.dma_semaphore, #tpu.memory_space<semaphore_mem>>
      %dma_start3A_109 = arith.constant 0 : i32
      %dma_start3A_110 = tpu.memref_slice %arg5[%run_scoped3A_12, %dma_start3A_109] : memref<4x32xi32, #tpu.memory_space<vmem>> -> memref<1x32xi32, #tpu.memory_space<vmem>>
      %dma_start3A_111 = tpu.memref_squeeze %dma_start3A_110 : memref<1x32xi32, #tpu.memory_space<vmem>> -> memref<32xi32, #tpu.memory_space<vmem>>
      %dma_start3A_112 = tpu.memref_slice %arg3[%add3A_11] : memref<4096xi32, #tpu.memory_space<hbm>> -> memref<32xi32, #tpu.memory_space<hbm>>
      %dma_start3A_113 = arith.constant 0 : i32
      %dma_start3A_114 = tpu.memref_slice %arg5[%run_scoped3A_12, %dma_start3A_113] : memref<4x32xi32, #tpu.memory_space<vmem>> -> memref<1x32xi32, #tpu.memory_space<vmem>>
      %dma_start3A_115 = tpu.memref_squeeze %dma_start3A_114 : memref<1x32xi32, #tpu.memory_space<vmem>> -> memref<32xi32, #tpu.memory_space<vmem>>
      %dma_start3A_116 = tpu.memref_slice %arg3[%add3A_11] : memref<4096xi32, #tpu.memory_space<hbm>> -> memref<32xi32, #tpu.memory_space<hbm>>
      tpu.enqueue_dma source(%dma_start3A_116 : memref<32xi32, #tpu.memory_space<hbm>>) target(%dma_start3A_115 : memref<32xi32, #tpu.memory_space<vmem>>) target_semaphore(%run_scoped3A_108 : memref<!tpu.dma_semaphore, #tpu.memory_space<semaphore_mem>>)
      %dma_wait3A_117 = arith.constant 0 : i32
      %dma_wait3A_118 = tpu.memref_slice %arg5[%run_scoped3A_12, %dma_wait3A_117] : memref<4x32xi32, #tpu.memory_space<vmem>> -> memref<1x32xi32, #tpu.memory_space<vmem>>
      %dma_wait3A_119 = tpu.memref_squeeze %dma_wait3A_118 : memref<1x32xi32, #tpu.memory_space<vmem>> -> memref<32xi32, #tpu.memory_space<vmem>>
      %dma_wait3A_120 = tpu.memref_slice %arg3[%add3A_11] : memref<4096xi32, #tpu.memory_space<hbm>> -> memref<32xi32, #tpu.memory_space<hbm>>
      %dma_wait3A_121 = arith.constant 0 : i32
      %dma_wait3A_122 = tpu.memref_slice %arg5[%run_scoped3A_12, %dma_wait3A_121] : memref<4x32xi32, #tpu.memory_space<vmem>> -> memref<1x32xi32, #tpu.memory_space<vmem>>
      %dma_wait3A_123 = tpu.memref_squeeze %dma_wait3A_122 : memref<1x32xi32, #tpu.memory_space<vmem>> -> memref<32xi32, #tpu.memory_space<vmem>>
      %dma_wait3A_124 = tpu.memref_slice %arg3[%add3A_11] : memref<4096xi32, #tpu.memory_space<hbm>> -> memref<32xi32, #tpu.memory_space<hbm>>
      tpu.wait_dma2 semaphore(%run_scoped3A_108 : memref<!tpu.dma_semaphore, #tpu.memory_space<semaphore_mem>>) src(%dma_wait3A_124 : memref<32xi32, #tpu.memory_space<hbm>>) dst(%dma_wait3A_123 : memref<32xi32, #tpu.memory_space<vmem>>)
      tpu.yield
    }) : () -> ()
    %add3A_13 = arith.constant 32 : i32
    %add3A_14 = arith.addi %mul3A_2, %add3A_13 : i32
    %dma_start3A_15 = arith.constant 0 : i32
    %dma_start3A_16 = tpu.memref_slice %arg2[%add3A_14, %dma_start3A_15] : memref<4096x768xf32, #tpu.memory_space<hbm>> -> memref<32x768xf32, #tpu.memory_space<hbm>>
    %dma_start3A_17 = arith.constant 0 : i32
    %dma_start3A_18 = tpu.memref_slice %arg2[%add3A_14, %dma_start3A_17] : memref<4096x768xf32, #tpu.memory_space<hbm>> -> memref<32x768xf32, #tpu.memory_space<hbm>>
    tpu.enqueue_dma source(%dma_start3A_18 : memref<32x768xf32, #tpu.memory_space<hbm>>) target(%arg7 : memref<32x768xf32, #tpu.memory_space<vmem>>) target_semaphore(%arg10 : memref<!tpu.dma_semaphore, #tpu.memory_space<semaphore_mem>>)
    %add3A_19 = arith.constant 64 : i32
    %add3A_20 = arith.addi %mul3A_2, %add3A_19 : i32
    %run_scoped3A_21 = arith.constant 2 : i32
    "tpu.region"() ({
      %run_scoped3A_108 = tpu.sem_alloc : memref<!tpu.dma_semaphore, #tpu.memory_space<semaphore_mem>>
      %dma_start3A_109 = arith.constant 0 : i32
      %dma_start3A_110 = tpu.memref_slice %arg5[%run_scoped3A_21, %dma_start3A_109] : memref<4x32xi32, #tpu.memory_space<vmem>> -> memref<1x32xi32, #tpu.memory_space<vmem>>
      %dma_start3A_111 = tpu.memref_squeeze %dma_start3A_110 : memref<1x32xi32, #tpu.memory_space<vmem>> -> memref<32xi32, #tpu.memory_space<vmem>>
      %dma_start3A_112 = tpu.memref_slice %arg3[%add3A_20] : memref<4096xi32, #tpu.memory_space<hbm>> -> memref<32xi32, #tpu.memory_space<hbm>>
      %dma_start3A_113 = arith.constant 0 : i32
      %dma_start3A_114 = tpu.memref_slice %arg5[%run_scoped3A_21, %dma_start3A_113] : memref<4x32xi32, #tpu.memory_space<vmem>> -> memref<1x32xi32, #tpu.memory_space<vmem>>
      %dma_start3A_115 = tpu.memref_squeeze %dma_start3A_114 : memref<1x32xi32, #tpu.memory_space<vmem>> -> memref<32xi32, #tpu.memory_space<vmem>>
      %dma_start3A_116 = tpu.memref_slice %arg3[%add3A_20] : memref<4096xi32, #tpu.memory_space<hbm>> -> memref<32xi32, #tpu.memory_space<hbm>>
      tpu.enqueue_dma source(%dma_start3A_116 : memref<32xi32, #tpu.memory_space<hbm>>) target(%dma_start3A_115 : memref<32xi32, #tpu.memory_space<vmem>>) target_semaphore(%run_scoped3A_108 : memref<!tpu.dma_semaphore, #tpu.memory_space<semaphore_mem>>)
      %dma_wait3A_117 = arith.constant 0 : i32
      %dma_wait3A_118 = tpu.memref_slice %arg5[%run_scoped3A_21, %dma_wait3A_117] : memref<4x32xi32, #tpu.memory_space<vmem>> -> memref<1x32xi32, #tpu.memory_space<vmem>>
      %dma_wait3A_119 = tpu.memref_squeeze %dma_wait3A_118 : memref<1x32xi32, #tpu.memory_space<vmem>> -> memref<32xi32, #tpu.memory_space<vmem>>
      %dma_wait3A_120 = tpu.memref_slice %arg3[%add3A_20] : memref<4096xi32, #tpu.memory_space<hbm>> -> memref<32xi32, #tpu.memory_space<hbm>>
      %dma_wait3A_121 = arith.constant 0 : i32
      %dma_wait3A_122 = tpu.memref_slice %arg5[%run_scoped3A_21, %dma_wait3A_121] : memref<4x32xi32, #tpu.memory_space<vmem>> -> memref<1x32xi32, #tpu.memory_space<vmem>>
      %dma_wait3A_123 = tpu.memref_squeeze %dma_wait3A_122 : memref<1x32xi32, #tpu.memory_space<vmem>> -> memref<32xi32, #tpu.memory_space<vmem>>
      %dma_wait3A_124 = tpu.memref_slice %arg3[%add3A_20] : memref<4096xi32, #tpu.memory_space<hbm>> -> memref<32xi32, #tpu.memory_space<hbm>>
      tpu.wait_dma2 semaphore(%run_scoped3A_108 : memref<!tpu.dma_semaphore, #tpu.memory_space<semaphore_mem>>) src(%dma_wait3A_124 : memref<32xi32, #tpu.memory_space<hbm>>) dst(%dma_wait3A_123 : memref<32xi32, #tpu.memory_space<vmem>>)
      tpu.yield
    }) : () -> ()
    %add3A_22 = arith.constant 64 : i32
    %add3A_23 = arith.addi %mul3A_2, %add3A_22 : i32
    %dma_start3A_24 = arith.constant 0 : i32
    %dma_start3A_25 = tpu.memref_slice %arg2[%add3A_23, %dma_start3A_24] : memref<4096x768xf32, #tpu.memory_space<hbm>> -> memref<32x768xf32, #tpu.memory_space<hbm>>
    %dma_start3A_26 = arith.constant 0 : i32
    %dma_start3A_27 = tpu.memref_slice %arg2[%add3A_23, %dma_start3A_26] : memref<4096x768xf32, #tpu.memory_space<hbm>> -> memref<32x768xf32, #tpu.memory_space<hbm>>
    tpu.enqueue_dma source(%dma_start3A_27 : memref<32x768xf32, #tpu.memory_space<hbm>>) target(%arg8 : memref<32x768xf32, #tpu.memory_space<vmem>>) target_semaphore(%arg10 : memref<!tpu.dma_semaphore, #tpu.memory_space<semaphore_mem>>)
    %add3A_28 = arith.constant 96 : i32
    %add3A_29 = arith.addi %mul3A_2, %add3A_28 : i32
    %run_scoped3A_30 = arith.constant 3 : i32
    "tpu.region"() ({
      %run_scoped3A_108 = tpu.sem_alloc : memref<!tpu.dma_semaphore, #tpu.memory_space<semaphore_mem>>
      %dma_start3A_109 = arith.constant 0 : i32
      %dma_start3A_110 = tpu.memref_slice %arg5[%run_scoped3A_30, %dma_start3A_109] : memref<4x32xi32, #tpu.memory_space<vmem>> -> memref<1x32xi32, #tpu.memory_space<vmem>>
      %dma_start3A_111 = tpu.memref_squeeze %dma_start3A_110 : memref<1x32xi32, #tpu.memory_space<vmem>> -> memref<32xi32, #tpu.memory_space<vmem>>
      %dma_start3A_112 = tpu.memref_slice %arg3[%add3A_29] : memref<4096xi32, #tpu.memory_space<hbm>> -> memref<32xi32, #tpu.memory_space<hbm>>
      %dma_start3A_113 = arith.constant 0 : i32
      %dma_start3A_114 = tpu.memref_slice %arg5[%run_scoped3A_30, %dma_start3A_113] : memref<4x32xi32, #tpu.memory_space<vmem>> -> memref<1x32xi32, #tpu.memory_space<vmem>>
      %dma_start3A_115 = tpu.memref_squeeze %dma_start3A_114 : memref<1x32xi32, #tpu.memory_space<vmem>> -> memref<32xi32, #tpu.memory_space<vmem>>
      %dma_start3A_116 = tpu.memref_slice %arg3[%add3A_29] : memref<4096xi32, #tpu.memory_space<hbm>> -> memref<32xi32, #tpu.memory_space<hbm>>
      tpu.enqueue_dma source(%dma_start3A_116 : memref<32xi32, #tpu.memory_space<hbm>>) target(%dma_start3A_115 : memref<32xi32, #tpu.memory_space<vmem>>) target_semaphore(%run_scoped3A_108 : memref<!tpu.dma_semaphore, #tpu.memory_space<semaphore_mem>>)
      %dma_wait3A_117 = arith.constant 0 : i32
      %dma_wait3A_118 = tpu.memref_slice %arg5[%run_scoped3A_30, %dma_wait3A_117] : memref<4x32xi32, #tpu.memory_space<vmem>> -> memref<1x32xi32, #tpu.memory_space<vmem>>
      %dma_wait3A_119 = tpu.memref_squeeze %dma_wait3A_118 : memref<1x32xi32, #tpu.memory_space<vmem>> -> memref<32xi32, #tpu.memory_space<vmem>>
      %dma_wait3A_120 = tpu.memref_slice %arg3[%add3A_29] : memref<4096xi32, #tpu.memory_space<hbm>> -> memref<32xi32, #tpu.memory_space<hbm>>
      %dma_wait3A_121 = arith.constant 0 : i32
      %dma_wait3A_122 = tpu.memref_slice %arg5[%run_scoped3A_30, %dma_wait3A_121] : memref<4x32xi32, #tpu.memory_space<vmem>> -> memref<1x32xi32, #tpu.memory_space<vmem>>
      %dma_wait3A_123 = tpu.memref_squeeze %dma_wait3A_122 : memref<1x32xi32, #tpu.memory_space<vmem>> -> memref<32xi32, #tpu.memory_space<vmem>>
      %dma_wait3A_124 = tpu.memref_slice %arg3[%add3A_29] : memref<4096xi32, #tpu.memory_space<hbm>> -> memref<32xi32, #tpu.memory_space<hbm>>
      tpu.wait_dma2 semaphore(%run_scoped3A_108 : memref<!tpu.dma_semaphore, #tpu.memory_space<semaphore_mem>>) src(%dma_wait3A_124 : memref<32xi32, #tpu.memory_space<hbm>>) dst(%dma_wait3A_123 : memref<32xi32, #tpu.memory_space<vmem>>)
      tpu.yield
    }) : () -> ()
    %add3A_31 = arith.constant 96 : i32
    %add3A_32 = arith.addi %mul3A_2, %add3A_31 : i32
    %dma_start3A_33 = arith.constant 0 : i32
    %dma_start3A_34 = tpu.memref_slice %arg2[%add3A_32, %dma_start3A_33] : memref<4096x768xf32, #tpu.memory_space<hbm>> -> memref<32x768xf32, #tpu.memory_space<hbm>>
    %dma_start3A_35 = arith.constant 0 : i32
    %dma_start3A_36 = tpu.memref_slice %arg2[%add3A_32, %dma_start3A_35] : memref<4096x768xf32, #tpu.memory_space<hbm>> -> memref<32x768xf32, #tpu.memory_space<hbm>>
    tpu.enqueue_dma source(%dma_start3A_36 : memref<32x768xf32, #tpu.memory_space<hbm>>) target(%arg9 : memref<32x768xf32, #tpu.memory_space<vmem>>) target_semaphore(%arg10 : memref<!tpu.dma_semaphore, #tpu.memory_space<semaphore_mem>>)
    %dma_wait3A = arith.constant 0 : i32
    %dma_wait3A_37 = tpu.memref_slice %arg2[%add3A_6, %dma_wait3A] : memref<4096x768xf32, #tpu.memory_space<hbm>> -> memref<32x768xf32, #tpu.memory_space<hbm>>
    %dma_wait3A_38 = arith.constant 0 : i32
    %dma_wait3A_39 = tpu.memref_slice %arg2[%add3A_6, %dma_wait3A_38] : memref<4096x768xf32, #tpu.memory_space<hbm>> -> memref<32x768xf32, #tpu.memory_space<hbm>>
    tpu.wait_dma2 semaphore(%arg10 : memref<!tpu.dma_semaphore, #tpu.memory_space<semaphore_mem>>) src(%dma_wait3A_39 : memref<32x768xf32, #tpu.memory_space<hbm>>) dst(%arg6 : memref<32x768xf32, #tpu.memory_space<vmem>>)
    %dma_start3A_40 = arith.constant 0 : i32
    %dma_start3A_41 = arith.constant 0 : i32
    %dma_start3A_42 = tpu.memref_slice %arg5[%dma_start3A_40, %dma_start3A_41] : memref<4x32xi32, #tpu.memory_space<vmem>> -> memref<1x32xi32, #tpu.memory_space<vmem>>
    %dma_start3A_43 = tpu.memref_squeeze %dma_start3A_42 : memref<1x32xi32, #tpu.memory_space<vmem>> -> memref<32xi32, #tpu.memory_space<vmem>>
    %dma_start3A_44 = arith.constant 0 : i32
    %dma_start3A_45 = arith.constant 0 : i32
    %dma_start3A_46 = tpu.memref_slice %arg4[%dma_start3A_44, %dma_start3A_45] : memref<5120x768xf32, #tpu.memory_space<hbm>> -> memref<5120x768xf32, #tpu.memory_space<hbm>>
    tpu.enqueue_indirect_dma source(%arg6 : memref<32x768xf32, #tpu.memory_space<vmem>>) target(%dma_start3A_46 : memref<5120x768xf32, #tpu.memory_space<hbm>>) offsets(%dma_start3A_43 : memref<32xi32, #tpu.memory_space<vmem>>) semaphore(%arg11 : memref<!tpu.dma_semaphore, #tpu.memory_space<semaphore_mem>>)
    %dma_wait3A_47 = arith.constant 0 : i32
    %dma_wait3A_48 = tpu.memref_slice %arg2[%add3A_14, %dma_wait3A_47] : memref<4096x768xf32, #tpu.memory_space<hbm>> -> memref<32x768xf32, #tpu.memory_space<hbm>>
    %dma_wait3A_49 = arith.constant 0 : i32
    %dma_wait3A_50 = tpu.memref_slice %arg2[%add3A_14, %dma_wait3A_49] : memref<4096x768xf32, #tpu.memory_space<hbm>> -> memref<32x768xf32, #tpu.memory_space<hbm>>
    tpu.wait_dma2 semaphore(%arg10 : memref<!tpu.dma_semaphore, #tpu.memory_space<semaphore_mem>>) src(%dma_wait3A_50 : memref<32x768xf32, #tpu.memory_space<hbm>>) dst(%arg7 : memref<32x768xf32, #tpu.memory_space<vmem>>)
    %dma_start3A_51 = arith.constant 1 : i32
    %dma_start3A_52 = arith.constant 0 : i32
    %dma_start3A_53 = tpu.memref_slice %arg5[%dma_start3A_51, %dma_start3A_52] : memref<4x32xi32, #tpu.memory_space<vmem>> -> memref<1x32xi32, #tpu.memory_space<vmem>>
    %dma_start3A_54 = tpu.memref_squeeze %dma_start3A_53 : memref<1x32xi32, #tpu.memory_space<vmem>> -> memref<32xi32, #tpu.memory_space<vmem>>
    %dma_start3A_55 = arith.constant 0 : i32
    %dma_start3A_56 = arith.constant 0 : i32
    %dma_start3A_57 = tpu.memref_slice %arg4[%dma_start3A_55, %dma_start3A_56] : memref<5120x768xf32, #tpu.memory_space<hbm>> -> memref<5120x768xf32, #tpu.memory_space<hbm>>
    tpu.enqueue_indirect_dma source(%arg7 : memref<32x768xf32, #tpu.memory_space<vmem>>) target(%dma_start3A_57 : memref<5120x768xf32, #tpu.memory_space<hbm>>) offsets(%dma_start3A_54 : memref<32xi32, #tpu.memory_space<vmem>>) semaphore(%arg11 : memref<!tpu.dma_semaphore, #tpu.memory_space<semaphore_mem>>)
    %dma_wait3A_58 = arith.constant 0 : i32
    %dma_wait3A_59 = tpu.memref_slice %arg2[%add3A_23, %dma_wait3A_58] : memref<4096x768xf32, #tpu.memory_space<hbm>> -> memref<32x768xf32, #tpu.memory_space<hbm>>
    %dma_wait3A_60 = arith.constant 0 : i32
    %dma_wait3A_61 = tpu.memref_slice %arg2[%add3A_23, %dma_wait3A_60] : memref<4096x768xf32, #tpu.memory_space<hbm>> -> memref<32x768xf32, #tpu.memory_space<hbm>>
    tpu.wait_dma2 semaphore(%arg10 : memref<!tpu.dma_semaphore, #tpu.memory_space<semaphore_mem>>) src(%dma_wait3A_61 : memref<32x768xf32, #tpu.memory_space<hbm>>) dst(%arg8 : memref<32x768xf32, #tpu.memory_space<vmem>>)
    %dma_start3A_62 = arith.constant 2 : i32
    %dma_start3A_63 = arith.constant 0 : i32
    %dma_start3A_64 = tpu.memref_slice %arg5[%dma_start3A_62, %dma_start3A_63] : memref<4x32xi32, #tpu.memory_space<vmem>> -> memref<1x32xi32, #tpu.memory_space<vmem>>
    %dma_start3A_65 = tpu.memref_squeeze %dma_start3A_64 : memref<1x32xi32, #tpu.memory_space<vmem>> -> memref<32xi32, #tpu.memory_space<vmem>>
    %dma_start3A_66 = arith.constant 0 : i32
    %dma_start3A_67 = arith.constant 0 : i32
    %dma_start3A_68 = tpu.memref_slice %arg4[%dma_start3A_66, %dma_start3A_67] : memref<5120x768xf32, #tpu.memory_space<hbm>> -> memref<5120x768xf32, #tpu.memory_space<hbm>>
    tpu.enqueue_indirect_dma source(%arg8 : memref<32x768xf32, #tpu.memory_space<vmem>>) target(%dma_start3A_68 : memref<5120x768xf32, #tpu.memory_space<hbm>>) offsets(%dma_start3A_65 : memref<32xi32, #tpu.memory_space<vmem>>) semaphore(%arg11 : memref<!tpu.dma_semaphore, #tpu.memory_space<semaphore_mem>>)
    %dma_wait3A_69 = arith.constant 0 : i32
    %dma_wait3A_70 = tpu.memref_slice %arg2[%add3A_32, %dma_wait3A_69] : memref<4096x768xf32, #tpu.memory_space<hbm>> -> memref<32x768xf32, #tpu.memory_space<hbm>>
    %dma_wait3A_71 = arith.constant 0 : i32
    %dma_wait3A_72 = tpu.memref_slice %arg2[%add3A_32, %dma_wait3A_71] : memref<4096x768xf32, #tpu.memory_space<hbm>> -> memref<32x768xf32, #tpu.memory_space<hbm>>
    tpu.wait_dma2 semaphore(%arg10 : memref<!tpu.dma_semaphore, #tpu.memory_space<semaphore_mem>>) src(%dma_wait3A_72 : memref<32x768xf32, #tpu.memory_space<hbm>>) dst(%arg9 : memref<32x768xf32, #tpu.memory_space<vmem>>)
    %dma_start3A_73 = arith.constant 3 : i32
    %dma_start3A_74 = arith.constant 0 : i32
    %dma_start3A_75 = tpu.memref_slice %arg5[%dma_start3A_73, %dma_start3A_74] : memref<4x32xi32, #tpu.memory_space<vmem>> -> memref<1x32xi32, #tpu.memory_space<vmem>>
    %dma_start3A_76 = tpu.memref_squeeze %dma_start3A_75 : memref<1x32xi32, #tpu.memory_space<vmem>> -> memref<32xi32, #tpu.memory_space<vmem>>
    %dma_start3A_77 = arith.constant 0 : i32
    %dma_start3A_78 = arith.constant 0 : i32
    %dma_start3A_79 = tpu.memref_slice %arg4[%dma_start3A_77, %dma_start3A_78] : memref<5120x768xf32, #tpu.memory_space<hbm>> -> memref<5120x768xf32, #tpu.memory_space<hbm>>
    tpu.enqueue_indirect_dma source(%arg9 : memref<32x768xf32, #tpu.memory_space<vmem>>) target(%dma_start3A_79 : memref<5120x768xf32, #tpu.memory_space<hbm>>) offsets(%dma_start3A_76 : memref<32xi32, #tpu.memory_space<vmem>>) semaphore(%arg11 : memref<!tpu.dma_semaphore, #tpu.memory_space<semaphore_mem>>)
    %dma_wait3A_80 = arith.constant 0 : i32
    %dma_wait3A_81 = arith.constant 0 : i32
    %dma_wait3A_82 = tpu.memref_slice %arg5[%dma_wait3A_80, %dma_wait3A_81] : memref<4x32xi32, #tpu.memory_space<vmem>> -> memref<1x32xi32, #tpu.memory_space<vmem>>
    %dma_wait3A_83 = tpu.memref_squeeze %dma_wait3A_82 : memref<1x32xi32, #tpu.memory_space<vmem>> -> memref<32xi32, #tpu.memory_space<vmem>>
    %dma_wait3A_84 = arith.constant 0 : i32
    %dma_wait3A_85 = arith.constant 0 : i32
    %dma_wait3A_86 = tpu.memref_slice %arg4[%dma_wait3A_84, %dma_wait3A_85] : memref<5120x768xf32, #tpu.memory_space<hbm>> -> memref<5120x768xf32, #tpu.memory_space<hbm>>
    tpu.wait_indirect_dma semaphore(%arg11 : memref<!tpu.dma_semaphore, #tpu.memory_space<semaphore_mem>>) src(%arg6 : memref<32x768xf32, #tpu.memory_space<vmem>>) dst(%dma_wait3A_86 : memref<5120x768xf32, #tpu.memory_space<hbm>>)
    %dma_wait3A_87 = arith.constant 1 : i32
    %dma_wait3A_88 = arith.constant 0 : i32
    %dma_wait3A_89 = tpu.memref_slice %arg5[%dma_wait3A_87, %dma_wait3A_88] : memref<4x32xi32, #tpu.memory_space<vmem>> -> memref<1x32xi32, #tpu.memory_space<vmem>>
    %dma_wait3A_90 = tpu.memref_squeeze %dma_wait3A_89 : memref<1x32xi32, #tpu.memory_space<vmem>> -> memref<32xi32, #tpu.memory_space<vmem>>
    %dma_wait3A_91 = arith.constant 0 : i32
    %dma_wait3A_92 = arith.constant 0 : i32
    %dma_wait3A_93 = tpu.memref_slice %arg4[%dma_wait3A_91, %dma_wait3A_92] : memref<5120x768xf32, #tpu.memory_space<hbm>> -> memref<5120x768xf32, #tpu.memory_space<hbm>>
    tpu.wait_indirect_dma semaphore(%arg11 : memref<!tpu.dma_semaphore, #tpu.memory_space<semaphore_mem>>) src(%arg7 : memref<32x768xf32, #tpu.memory_space<vmem>>) dst(%dma_wait3A_93 : memref<5120x768xf32, #tpu.memory_space<hbm>>)
    %dma_wait3A_94 = arith.constant 2 : i32
    %dma_wait3A_95 = arith.constant 0 : i32
    %dma_wait3A_96 = tpu.memref_slice %arg5[%dma_wait3A_94, %dma_wait3A_95] : memref<4x32xi32, #tpu.memory_space<vmem>> -> memref<1x32xi32, #tpu.memory_space<vmem>>
    %dma_wait3A_97 = tpu.memref_squeeze %dma_wait3A_96 : memref<1x32xi32, #tpu.memory_space<vmem>> -> memref<32xi32, #tpu.memory_space<vmem>>
    %dma_wait3A_98 = arith.constant 0 : i32
    %dma_wait3A_99 = arith.constant 0 : i32
    %dma_wait3A_100 = tpu.memref_slice %arg4[%dma_wait3A_98, %dma_wait3A_99] : memref<5120x768xf32, #tpu.memory_space<hbm>> -> memref<5120x768xf32, #tpu.memory_space<hbm>>
    tpu.wait_indirect_dma semaphore(%arg11 : memref<!tpu.dma_semaphore, #tpu.memory_space<semaphore_mem>>) src(%arg8 : memref<32x768xf32, #tpu.memory_space<vmem>>) dst(%dma_wait3A_100 : memref<5120x768xf32, #tpu.memory_space<hbm>>)
    %dma_wait3A_101 = arith.constant 3 : i32
    %dma_wait3A_102 = arith.constant 0 : i32
    %dma_wait3A_103 = tpu.memref_slice %arg5[%dma_wait3A_101, %dma_wait3A_102] : memref<4x32xi32, #tpu.memory_space<vmem>> -> memref<1x32xi32, #tpu.memory_space<vmem>>
    %dma_wait3A_104 = tpu.memref_squeeze %dma_wait3A_103 : memref<1x32xi32, #tpu.memory_space<vmem>> -> memref<32xi32, #tpu.memory_space<vmem>>
    %dma_wait3A_105 = arith.constant 0 : i32
    %dma_wait3A_106 = arith.constant 0 : i32
    %dma_wait3A_107 = tpu.memref_slice %arg4[%dma_wait3A_105, %dma_wait3A_106] : memref<5120x768xf32, #tpu.memory_space<hbm>> -> memref<5120x768xf32, #tpu.memory_space<hbm>>
    tpu.wait_indirect_dma semaphore(%arg11 : memref<!tpu.dma_semaphore, #tpu.memory_space<semaphore_mem>>) src(%arg9 : memref<32x768xf32, #tpu.memory_space<vmem>>) dst(%dma_wait3A_107 : memref<5120x768xf32, #tpu.memory_space<hbm>>)
    return
  }
}

#map = affine_map<(d0, d1) -> (0, 0)>
#map1 = affine_map<(d0, d1) -> (0)>
module attributes {stable_mosaic.version = 14 : i64} {
  func.func @gk(%arg0: i32, %arg1: i32, %arg2: memref<5120x768xf32, #tpu.memory_space<hbm>>, %arg3: memref<4096xi32, #tpu.memory_space<hbm>>, %arg4: memref<4096x768xf32, #tpu.memory_space<hbm>>, %arg5: memref<128xi32, #tpu.memory_space<vmem>>, %arg6: memref<32x768xf32, #tpu.memory_space<vmem>>, %arg7: memref<32x768xf32, #tpu.memory_space<vmem>>, %arg8: memref<32x768xf32, #tpu.memory_space<vmem>>, %arg9: memref<32x768xf32, #tpu.memory_space<vmem>>, %arg10: memref<!tpu.dma_semaphore, #tpu.memory_space<semaphore_mem>>, %arg11: memref<!tpu.dma_semaphore, #tpu.memory_space<semaphore_mem>>) attributes {dimension_semantics = [#tpu.dimension_semantics<core_parallel>, #tpu.dimension_semantics<subcore_parallel>], iteration_bounds = array<i64: 2, 16>, scalar_prefetch = 0 : i64, scratch_operands = 7 : i64, tpu.core_type = #tpu.core_type<sc_vector_subcore>, window_params = [{transform_indices = #map}, {transform_indices = #map1}, {transform_indices = #map}]} {
    %mul3A = arith.constant 2 : i32
    %mul3A_0 = arith.muli %arg1, %mul3A : i32
    %add3A = arith.addi %mul3A_0, %arg0 : i32
    %mul3A_1 = arith.constant 128 : i32
    %mul3A_2 = arith.muli %add3A, %mul3A_1 : i32
    "tpu.region"() ({
      %run_scoped3A = tpu.sem_alloc : memref<!tpu.dma_semaphore, #tpu.memory_space<semaphore_mem>>
      %dma_start3A_81 = tpu.memref_slice %arg3[%mul3A_2] : memref<4096xi32, #tpu.memory_space<hbm>> -> memref<128xi32, #tpu.memory_space<hbm>>
      %dma_start3A_82 = tpu.memref_slice %arg3[%mul3A_2] : memref<4096xi32, #tpu.memory_space<hbm>> -> memref<128xi32, #tpu.memory_space<hbm>>
      tpu.enqueue_dma source(%dma_start3A_82 : memref<128xi32, #tpu.memory_space<hbm>>) target(%arg5 : memref<128xi32, #tpu.memory_space<vmem>>) target_semaphore(%run_scoped3A : memref<!tpu.dma_semaphore, #tpu.memory_space<semaphore_mem>>)
      %dma_wait3A_83 = tpu.memref_slice %arg3[%mul3A_2] : memref<4096xi32, #tpu.memory_space<hbm>> -> memref<128xi32, #tpu.memory_space<hbm>>
      %dma_wait3A_84 = tpu.memref_slice %arg3[%mul3A_2] : memref<4096xi32, #tpu.memory_space<hbm>> -> memref<128xi32, #tpu.memory_space<hbm>>
      tpu.wait_dma2 semaphore(%run_scoped3A : memref<!tpu.dma_semaphore, #tpu.memory_space<semaphore_mem>>) src(%dma_wait3A_84 : memref<128xi32, #tpu.memory_space<hbm>>) dst(%arg5 : memref<128xi32, #tpu.memory_space<vmem>>)
      tpu.yield
    }) : () -> ()
    %dma_start3A = arith.constant 0 : i32
    %dma_start3A_3 = tpu.memref_slice %arg5[%dma_start3A] : memref<128xi32, #tpu.memory_space<vmem>> -> memref<32xi32, #tpu.memory_space<vmem>>
    %dma_start3A_4 = arith.constant 0 : i32
    %dma_start3A_5 = arith.constant 0 : i32
    %dma_start3A_6 = tpu.memref_slice %arg2[%dma_start3A_4, %dma_start3A_5] : memref<5120x768xf32, #tpu.memory_space<hbm>> -> memref<5120x768xf32, #tpu.memory_space<hbm>>
    tpu.enqueue_indirect_dma source(%dma_start3A_6 : memref<5120x768xf32, #tpu.memory_space<hbm>>) target(%arg6 : memref<32x768xf32, #tpu.memory_space<vmem>>) offsets(%dma_start3A_3 : memref<32xi32, #tpu.memory_space<vmem>>) semaphore(%arg10 : memref<!tpu.dma_semaphore, #tpu.memory_space<semaphore_mem>>)
    %dma_start3A_7 = arith.constant 32 : i32
    %dma_start3A_8 = tpu.memref_slice %arg5[%dma_start3A_7] : memref<128xi32, #tpu.memory_space<vmem>> -> memref<32xi32, #tpu.memory_space<vmem>>
    %dma_start3A_9 = arith.constant 0 : i32
    %dma_start3A_10 = arith.constant 0 : i32
    %dma_start3A_11 = tpu.memref_slice %arg2[%dma_start3A_9, %dma_start3A_10] : memref<5120x768xf32, #tpu.memory_space<hbm>> -> memref<5120x768xf32, #tpu.memory_space<hbm>>
    tpu.enqueue_indirect_dma source(%dma_start3A_11 : memref<5120x768xf32, #tpu.memory_space<hbm>>) target(%arg7 : memref<32x768xf32, #tpu.memory_space<vmem>>) offsets(%dma_start3A_8 : memref<32xi32, #tpu.memory_space<vmem>>) semaphore(%arg10 : memref<!tpu.dma_semaphore, #tpu.memory_space<semaphore_mem>>)
    %dma_start3A_12 = arith.constant 64 : i32
    %dma_start3A_13 = tpu.memref_slice %arg5[%dma_start3A_12] : memref<128xi32, #tpu.memory_space<vmem>> -> memref<32xi32, #tpu.memory_space<vmem>>
    %dma_start3A_14 = arith.constant 0 : i32
    %dma_start3A_15 = arith.constant 0 : i32
    %dma_start3A_16 = tpu.memref_slice %arg2[%dma_start3A_14, %dma_start3A_15] : memref<5120x768xf32, #tpu.memory_space<hbm>> -> memref<5120x768xf32, #tpu.memory_space<hbm>>
    tpu.enqueue_indirect_dma source(%dma_start3A_16 : memref<5120x768xf32, #tpu.memory_space<hbm>>) target(%arg8 : memref<32x768xf32, #tpu.memory_space<vmem>>) offsets(%dma_start3A_13 : memref<32xi32, #tpu.memory_space<vmem>>) semaphore(%arg10 : memref<!tpu.dma_semaphore, #tpu.memory_space<semaphore_mem>>)
    %dma_start3A_17 = arith.constant 96 : i32
    %dma_start3A_18 = tpu.memref_slice %arg5[%dma_start3A_17] : memref<128xi32, #tpu.memory_space<vmem>> -> memref<32xi32, #tpu.memory_space<vmem>>
    %dma_start3A_19 = arith.constant 0 : i32
    %dma_start3A_20 = arith.constant 0 : i32
    %dma_start3A_21 = tpu.memref_slice %arg2[%dma_start3A_19, %dma_start3A_20] : memref<5120x768xf32, #tpu.memory_space<hbm>> -> memref<5120x768xf32, #tpu.memory_space<hbm>>
    tpu.enqueue_indirect_dma source(%dma_start3A_21 : memref<5120x768xf32, #tpu.memory_space<hbm>>) target(%arg9 : memref<32x768xf32, #tpu.memory_space<vmem>>) offsets(%dma_start3A_18 : memref<32xi32, #tpu.memory_space<vmem>>) semaphore(%arg10 : memref<!tpu.dma_semaphore, #tpu.memory_space<semaphore_mem>>)
    %dma_wait3A = arith.constant 0 : i32
    %dma_wait3A_22 = tpu.memref_slice %arg5[%dma_wait3A] : memref<128xi32, #tpu.memory_space<vmem>> -> memref<32xi32, #tpu.memory_space<vmem>>
    %dma_wait3A_23 = arith.constant 0 : i32
    %dma_wait3A_24 = arith.constant 0 : i32
    %dma_wait3A_25 = tpu.memref_slice %arg2[%dma_wait3A_23, %dma_wait3A_24] : memref<5120x768xf32, #tpu.memory_space<hbm>> -> memref<5120x768xf32, #tpu.memory_space<hbm>>
    tpu.wait_indirect_dma semaphore(%arg10 : memref<!tpu.dma_semaphore, #tpu.memory_space<semaphore_mem>>) src(%dma_wait3A_25 : memref<5120x768xf32, #tpu.memory_space<hbm>>) dst(%arg6 : memref<32x768xf32, #tpu.memory_space<vmem>>)
    %add3A_26 = arith.constant 0 : i32
    %add3A_27 = arith.addi %mul3A_2, %add3A_26 : i32
    %dma_start3A_28 = arith.constant 0 : i32
    %dma_start3A_29 = tpu.memref_slice %arg4[%add3A_27, %dma_start3A_28] : memref<4096x768xf32, #tpu.memory_space<hbm>> -> memref<32x768xf32, #tpu.memory_space<hbm>>
    %dma_start3A_30 = arith.constant 0 : i32
    %dma_start3A_31 = tpu.memref_slice %arg4[%add3A_27, %dma_start3A_30] : memref<4096x768xf32, #tpu.memory_space<hbm>> -> memref<32x768xf32, #tpu.memory_space<hbm>>
    tpu.enqueue_dma source(%arg6 : memref<32x768xf32, #tpu.memory_space<vmem>>) target(%dma_start3A_31 : memref<32x768xf32, #tpu.memory_space<hbm>>) target_semaphore(%arg11 : memref<!tpu.dma_semaphore, #tpu.memory_space<semaphore_mem>>)
    %dma_wait3A_32 = arith.constant 32 : i32
    %dma_wait3A_33 = tpu.memref_slice %arg5[%dma_wait3A_32] : memref<128xi32, #tpu.memory_space<vmem>> -> memref<32xi32, #tpu.memory_space<vmem>>
    %dma_wait3A_34 = arith.constant 0 : i32
    %dma_wait3A_35 = arith.constant 0 : i32
    %dma_wait3A_36 = tpu.memref_slice %arg2[%dma_wait3A_34, %dma_wait3A_35] : memref<5120x768xf32, #tpu.memory_space<hbm>> -> memref<5120x768xf32, #tpu.memory_space<hbm>>
    tpu.wait_indirect_dma semaphore(%arg10 : memref<!tpu.dma_semaphore, #tpu.memory_space<semaphore_mem>>) src(%dma_wait3A_36 : memref<5120x768xf32, #tpu.memory_space<hbm>>) dst(%arg7 : memref<32x768xf32, #tpu.memory_space<vmem>>)
    %add3A_37 = arith.constant 32 : i32
    %add3A_38 = arith.addi %mul3A_2, %add3A_37 : i32
    %dma_start3A_39 = arith.constant 0 : i32
    %dma_start3A_40 = tpu.memref_slice %arg4[%add3A_38, %dma_start3A_39] : memref<4096x768xf32, #tpu.memory_space<hbm>> -> memref<32x768xf32, #tpu.memory_space<hbm>>
    %dma_start3A_41 = arith.constant 0 : i32
    %dma_start3A_42 = tpu.memref_slice %arg4[%add3A_38, %dma_start3A_41] : memref<4096x768xf32, #tpu.memory_space<hbm>> -> memref<32x768xf32, #tpu.memory_space<hbm>>
    tpu.enqueue_dma source(%arg7 : memref<32x768xf32, #tpu.memory_space<vmem>>) target(%dma_start3A_42 : memref<32x768xf32, #tpu.memory_space<hbm>>) target_semaphore(%arg11 : memref<!tpu.dma_semaphore, #tpu.memory_space<semaphore_mem>>)
    %dma_wait3A_43 = arith.constant 64 : i32
    %dma_wait3A_44 = tpu.memref_slice %arg5[%dma_wait3A_43] : memref<128xi32, #tpu.memory_space<vmem>> -> memref<32xi32, #tpu.memory_space<vmem>>
    %dma_wait3A_45 = arith.constant 0 : i32
    %dma_wait3A_46 = arith.constant 0 : i32
    %dma_wait3A_47 = tpu.memref_slice %arg2[%dma_wait3A_45, %dma_wait3A_46] : memref<5120x768xf32, #tpu.memory_space<hbm>> -> memref<5120x768xf32, #tpu.memory_space<hbm>>
    tpu.wait_indirect_dma semaphore(%arg10 : memref<!tpu.dma_semaphore, #tpu.memory_space<semaphore_mem>>) src(%dma_wait3A_47 : memref<5120x768xf32, #tpu.memory_space<hbm>>) dst(%arg8 : memref<32x768xf32, #tpu.memory_space<vmem>>)
    %add3A_48 = arith.constant 64 : i32
    %add3A_49 = arith.addi %mul3A_2, %add3A_48 : i32
    %dma_start3A_50 = arith.constant 0 : i32
    %dma_start3A_51 = tpu.memref_slice %arg4[%add3A_49, %dma_start3A_50] : memref<4096x768xf32, #tpu.memory_space<hbm>> -> memref<32x768xf32, #tpu.memory_space<hbm>>
    %dma_start3A_52 = arith.constant 0 : i32
    %dma_start3A_53 = tpu.memref_slice %arg4[%add3A_49, %dma_start3A_52] : memref<4096x768xf32, #tpu.memory_space<hbm>> -> memref<32x768xf32, #tpu.memory_space<hbm>>
    tpu.enqueue_dma source(%arg8 : memref<32x768xf32, #tpu.memory_space<vmem>>) target(%dma_start3A_53 : memref<32x768xf32, #tpu.memory_space<hbm>>) target_semaphore(%arg11 : memref<!tpu.dma_semaphore, #tpu.memory_space<semaphore_mem>>)
    %dma_wait3A_54 = arith.constant 96 : i32
    %dma_wait3A_55 = tpu.memref_slice %arg5[%dma_wait3A_54] : memref<128xi32, #tpu.memory_space<vmem>> -> memref<32xi32, #tpu.memory_space<vmem>>
    %dma_wait3A_56 = arith.constant 0 : i32
    %dma_wait3A_57 = arith.constant 0 : i32
    %dma_wait3A_58 = tpu.memref_slice %arg2[%dma_wait3A_56, %dma_wait3A_57] : memref<5120x768xf32, #tpu.memory_space<hbm>> -> memref<5120x768xf32, #tpu.memory_space<hbm>>
    tpu.wait_indirect_dma semaphore(%arg10 : memref<!tpu.dma_semaphore, #tpu.memory_space<semaphore_mem>>) src(%dma_wait3A_58 : memref<5120x768xf32, #tpu.memory_space<hbm>>) dst(%arg9 : memref<32x768xf32, #tpu.memory_space<vmem>>)
    %add3A_59 = arith.constant 96 : i32
    %add3A_60 = arith.addi %mul3A_2, %add3A_59 : i32
    %dma_start3A_61 = arith.constant 0 : i32
    %dma_start3A_62 = tpu.memref_slice %arg4[%add3A_60, %dma_start3A_61] : memref<4096x768xf32, #tpu.memory_space<hbm>> -> memref<32x768xf32, #tpu.memory_space<hbm>>
    %dma_start3A_63 = arith.constant 0 : i32
    %dma_start3A_64 = tpu.memref_slice %arg4[%add3A_60, %dma_start3A_63] : memref<4096x768xf32, #tpu.memory_space<hbm>> -> memref<32x768xf32, #tpu.memory_space<hbm>>
    tpu.enqueue_dma source(%arg9 : memref<32x768xf32, #tpu.memory_space<vmem>>) target(%dma_start3A_64 : memref<32x768xf32, #tpu.memory_space<hbm>>) target_semaphore(%arg11 : memref<!tpu.dma_semaphore, #tpu.memory_space<semaphore_mem>>)
    %dma_wait3A_65 = arith.constant 0 : i32
    %dma_wait3A_66 = tpu.memref_slice %arg4[%add3A_27, %dma_wait3A_65] : memref<4096x768xf32, #tpu.memory_space<hbm>> -> memref<32x768xf32, #tpu.memory_space<hbm>>
    %dma_wait3A_67 = arith.constant 0 : i32
    %dma_wait3A_68 = tpu.memref_slice %arg4[%add3A_27, %dma_wait3A_67] : memref<4096x768xf32, #tpu.memory_space<hbm>> -> memref<32x768xf32, #tpu.memory_space<hbm>>
    tpu.wait_dma2 semaphore(%arg11 : memref<!tpu.dma_semaphore, #tpu.memory_space<semaphore_mem>>) src(%arg6 : memref<32x768xf32, #tpu.memory_space<vmem>>) dst(%dma_wait3A_68 : memref<32x768xf32, #tpu.memory_space<hbm>>)
    %dma_wait3A_69 = arith.constant 0 : i32
    %dma_wait3A_70 = tpu.memref_slice %arg4[%add3A_38, %dma_wait3A_69] : memref<4096x768xf32, #tpu.memory_space<hbm>> -> memref<32x768xf32, #tpu.memory_space<hbm>>
    %dma_wait3A_71 = arith.constant 0 : i32
    %dma_wait3A_72 = tpu.memref_slice %arg4[%add3A_38, %dma_wait3A_71] : memref<4096x768xf32, #tpu.memory_space<hbm>> -> memref<32x768xf32, #tpu.memory_space<hbm>>
    tpu.wait_dma2 semaphore(%arg11 : memref<!tpu.dma_semaphore, #tpu.memory_space<semaphore_mem>>) src(%arg7 : memref<32x768xf32, #tpu.memory_space<vmem>>) dst(%dma_wait3A_72 : memref<32x768xf32, #tpu.memory_space<hbm>>)
    %dma_wait3A_73 = arith.constant 0 : i32
    %dma_wait3A_74 = tpu.memref_slice %arg4[%add3A_49, %dma_wait3A_73] : memref<4096x768xf32, #tpu.memory_space<hbm>> -> memref<32x768xf32, #tpu.memory_space<hbm>>
    %dma_wait3A_75 = arith.constant 0 : i32
    %dma_wait3A_76 = tpu.memref_slice %arg4[%add3A_49, %dma_wait3A_75] : memref<4096x768xf32, #tpu.memory_space<hbm>> -> memref<32x768xf32, #tpu.memory_space<hbm>>
    tpu.wait_dma2 semaphore(%arg11 : memref<!tpu.dma_semaphore, #tpu.memory_space<semaphore_mem>>) src(%arg8 : memref<32x768xf32, #tpu.memory_space<vmem>>) dst(%dma_wait3A_76 : memref<32x768xf32, #tpu.memory_space<hbm>>)
    %dma_wait3A_77 = arith.constant 0 : i32
    %dma_wait3A_78 = tpu.memref_slice %arg4[%add3A_60, %dma_wait3A_77] : memref<4096x768xf32, #tpu.memory_space<hbm>> -> memref<32x768xf32, #tpu.memory_space<hbm>>
    %dma_wait3A_79 = arith.constant 0 : i32
    %dma_wait3A_80 = tpu.memref_slice %arg4[%add3A_60, %dma_wait3A_79] : memref<4096x768xf32, #tpu.memory_space<hbm>> -> memref<32x768xf32, #tpu.memory_space<hbm>>
    tpu.wait_dma2 semaphore(%arg11 : memref<!tpu.dma_semaphore, #tpu.memory_space<semaphore_mem>>) src(%arg9 : memref<32x768xf32, #tpu.memory_space<vmem>>) dst(%dma_wait3A_80 : memref<32x768xf32, #tpu.memory_space<hbm>>)
    return
  }
}

module attributes {stable_mosaic.version = 14 : i64} {
  func.func @_attn_body(%arg0: i32, %arg1: i32, %arg2: i32, %arg3: memref<1x1x2048x64xf32, #tpu.memory_space<vmem>>, %arg4: memref<1x1x2048x64xf32, #tpu.memory_space<vmem>>, %arg5: memref<1x1x2048x64xf32, #tpu.memory_space<vmem>>, %arg6: memref<1x1x2048x64xf32, #tpu.memory_space<vmem>>) attributes {dimension_semantics = [#tpu.dimension_semantics<arbitrary>, #tpu.dimension_semantics<arbitrary>, #tpu.dimension_semantics<arbitrary>], iteration_bounds = array<i64: 2, 12, 1>, scalar_prefetch = 0 : i64, scratch_operands = 0 : i64, tpu.core_type = #tpu.core_type<tc>, window_params = [{transform_indices = @transform_0, window_bounds = array<i64: 1, 1, 2048, 64>}, {transform_indices = @transform_1, window_bounds = array<i64: 1, 1, 2048, 64>}, {transform_indices = @transform_2, window_bounds = array<i64: 1, 1, 2048, 64>}, {transform_indices = @transform_3, window_bounds = array<i64: 1, 1, 2048, 64>}]} {
    %get3A = arith.constant 0 : index
    %get3A_0 = arith.constant 0 : index
    %get3A_1 = arith.constant 0 : index
    %get3A_2 = arith.constant 0 : index
    %get3A_3 = vector.load %arg3[%get3A, %get3A_0, %get3A_1, %get3A_2] : memref<1x1x2048x64xf32, #tpu.memory_space<vmem>>, vector<1x1x2048x64xf32>
    %get3A_4 = vector.shape_cast %get3A_3 : vector<1x1x2048x64xf32> to vector<2048x64xf32>
    %get3A_5 = arith.constant 0 : index
    %get3A_6 = arith.constant 0 : index
    %get3A_7 = arith.constant 0 : index
    %get3A_8 = arith.constant 0 : index
    %get3A_9 = vector.load %arg4[%get3A_5, %get3A_6, %get3A_7, %get3A_8] : memref<1x1x2048x64xf32, #tpu.memory_space<vmem>>, vector<1x1x2048x64xf32>
    %get3A_10 = vector.shape_cast %get3A_9 : vector<1x1x2048x64xf32> to vector<2048x64xf32>
    %get3A_11 = arith.constant 0 : index
    %get3A_12 = arith.constant 0 : index
    %get3A_13 = arith.constant 0 : index
    %get3A_14 = arith.constant 0 : index
    %get3A_15 = vector.load %arg5[%get3A_11, %get3A_12, %get3A_13, %get3A_14] : memref<1x1x2048x64xf32, #tpu.memory_space<vmem>>, vector<1x1x2048x64xf32>
    %get3A_16 = vector.shape_cast %get3A_15 : vector<1x1x2048x64xf32> to vector<2048x64xf32>
    %dot_general3A = arith.constant dense<0.000000e+00> : vector<2048x2048xf32>
    %dot_general3A_17 = tpu.matmul %get3A_4, %get3A_10, %dot_general3A {dimension_numbers = #tpu.dot_dimension_numbers<[1], [1], [0], [0], [0, 0, 1, 0], [], []>, transpose_lhs_hint = false} : vector<2048x64xf32>, vector<2048x64xf32>, vector<2048x2048xf32> -> vector<2048x2048xf32>
    %reduce_max3A = arith.constant dense<0xFF800000> : vector<2048xf32>
    %reduce_max3A_18 = vector.multi_reduction <maximumf>, %dot_general3A_17, %reduce_max3A [1] : vector<2048x2048xf32> to vector<2048xf32>
    %broadcast_in_dim3A = vector.shape_cast %reduce_max3A_18 : vector<2048xf32> to vector<2048x1xf32>
    %sub3A = vector.broadcast %broadcast_in_dim3A : vector<2048x1xf32> to vector<2048x2048xf32>
    %sub3A_19 = arith.subf %dot_general3A_17, %sub3A : vector<2048x2048xf32>
    %exp3A = math.exp %sub3A_19 : vector<2048x2048xf32>
    %reduce_sum3A = arith.constant dense<0.000000e+00> : vector<2048xf32>
    %reduce_sum3A_20 = vector.multi_reduction <add>, %exp3A, %reduce_sum3A [1] : vector<2048x2048xf32> to vector<2048xf32>
    %broadcast_in_dim3A_21 = vector.shape_cast %reduce_sum3A_20 : vector<2048xf32> to vector<2048x1xf32>
    %div3A = vector.broadcast %broadcast_in_dim3A_21 : vector<2048x1xf32> to vector<2048x2048xf32>
    %div3A_22 = arith.divf %exp3A, %div3A : vector<2048x2048xf32>
    %dot_general3A_23 = arith.constant dense<0.000000e+00> : vector<2048x64xf32>
    %dot_general3A_24 = tpu.matmul %div3A_22, %get3A_16, %dot_general3A_23 {dimension_numbers = #tpu.dot_dimension_numbers<[1], [0], [0], [1], [0, 0, 1, 1], [], []>, transpose_lhs_hint = false} : vector<2048x2048xf32>, vector<2048x64xf32>, vector<2048x64xf32> -> vector<2048x64xf32>
    %swap3A = arith.constant 0 : index
    %swap3A_25 = arith.constant 0 : index
    %swap3A_26 = arith.constant 0 : index
    %swap3A_27 = arith.constant 0 : index
    %swap3A_28 = vector.load %arg6[%swap3A, %swap3A_25, %swap3A_26, %swap3A_27] : memref<1x1x2048x64xf32, #tpu.memory_space<vmem>>, vector<1x1x2048x64xf32>
    %swap3A_29 = vector.shape_cast %swap3A_28 : vector<1x1x2048x64xf32> to vector<2048x64xf32>
    %swap3A_30 = vector.shape_cast %dot_general3A_24 : vector<2048x64xf32> to vector<1x1x2048x64xf32>
    tpu.vector_store %arg6[%swap3A, %swap3A_25, %swap3A_26, %swap3A_27], %swap3A_30 {strides = array<i32>} : memref<1x1x2048x64xf32, #tpu.memory_space<vmem>>, vector<1x1x2048x64xf32>,
    return
  }
  func.func @transform_0(%arg0: i32, %arg1: i32, %arg2: i32) -> (i32, i32, i32, i32) {
    %c0_i32 = arith.constant 0 : i32
    %c0_i32_0 = arith.constant 0 : i32
    return %arg0, %arg1, %arg2, %c0_i32 : i32, i32, i32, i32
  }
  func.func @transform_1(%arg0: i32, %arg1: i32, %arg2: i32) -> (i32, i32, i32, i32) {
    %c0_i32 = arith.constant 0 : i32
    %c0_i32_0 = arith.constant 0 : i32
    %c0_i32_1 = arith.constant 0 : i32
    return %arg0, %arg1, %c0_i32, %c0_i32_0 : i32, i32, i32, i32
  }
  func.func @transform_2(%arg0: i32, %arg1: i32, %arg2: i32) -> (i32, i32, i32, i32) {
    %c0_i32 = arith.constant 0 : i32
    %c0_i32_0 = arith.constant 0 : i32
    %c0_i32_1 = arith.constant 0 : i32
    return %arg0, %arg1, %c0_i32, %c0_i32_0 : i32, i32, i32, i32
  }
  func.func @transform_3(%arg0: i32, %arg1: i32, %arg2: i32) -> (i32, i32, i32, i32) {
    %c0_i32 = arith.constant 0 : i32
    %c0_i32_0 = arith.constant 0 : i32
    return %arg0, %arg1, %arg2, %c0_i32 : i32, i32, i32, i32
  }
}

module attributes {stable_mosaic.version = 14 : i64} {
  func.func @_gate_body(%arg0: i32, %arg1: memref<2xi32, #tpu.memory_space<smem>>, %arg2: memref<2048x768xf32, #tpu.memory_space<vmem>>, %arg3: memref<1x8x768xf32, #tpu.memory_space<vmem>>, %arg4: memref<1x1x8xf32, #tpu.memory_space<vmem>>, %arg5: memref<1x1x2048xi32, #tpu.memory_space<vmem>>, %arg6: memref<1x1x2048xf32, #tpu.memory_space<vmem>>) attributes {dimension_semantics = [#tpu.dimension_semantics<arbitrary>], iteration_bounds = array<i64: 2>, scalar_prefetch = 1 : i64, scratch_operands = 0 : i64, tpu.core_type = #tpu.core_type<tc>, window_params = [{transform_indices = @transform_0, window_bounds = array<i64: 2048, 768>}, {transform_indices = @transform_1, window_bounds = array<i64: 1, 8, 768>}, {transform_indices = @transform_2, window_bounds = array<i64: 1, 1, 8>}, {transform_indices = @transform_3, window_bounds = array<i64: 1, 1, 2048>}, {transform_indices = @transform_4, window_bounds = array<i64: 1, 1, 2048>}]} {
    %get3A = arith.constant 0 : index
    %get3A_0 = arith.constant 0 : index
    %get3A_1 = vector.load %arg2[%get3A, %get3A_0] : memref<2048x768xf32, #tpu.memory_space<vmem>>, vector<2048x768xf32>
    %get3A_2 = arith.constant 0 : index
    %get3A_3 = arith.constant 0 : index
    %get3A_4 = arith.constant 0 : index
    %get3A_5 = vector.load %arg3[%get3A_2, %get3A_3, %get3A_4] : memref<1x8x768xf32, #tpu.memory_space<vmem>>, vector<1x8x768xf32>
    %get3A_6 = vector.shape_cast %get3A_5 : vector<1x8x768xf32> to vector<8x768xf32>
    %dot_general3A = arith.constant dense<0.000000e+00> : vector<2048x8xf32>
    %dot_general3A_7 = tpu.matmul %get3A_1, %get3A_6, %dot_general3A {dimension_numbers = #tpu.dot_dimension_numbers<[1], [1], [0], [0], [0, 0, 1, 0], [], []>, transpose_lhs_hint = false} : vector<2048x768xf32>, vector<8x768xf32>, vector<2048x8xf32> -> vector<2048x8xf32>
    %get3A_8 = arith.constant 0 : index
    %get3A_9 = arith.constant 0 : index
    %get3A_10 = arith.constant 0 : index
    %get3A_11 = vector.load %arg4[%get3A_8, %get3A_9, %get3A_10] : memref<1x1x8xf32, #tpu.memory_space<vmem>>, vector<1x1x8xf32>
    %get3A_12 = vector.shape_cast %get3A_11 : vector<1x1x8xf32> to vector<1x8xf32>
    %add3A = vector.broadcast %get3A_12 : vector<1x8xf32> to vector<2048x8xf32>
    %add3A_13 = arith.addf %dot_general3A_7, %add3A : vector<2048x8xf32>
    %reduce_max3A = arith.constant dense<0xFF800000> : vector<2048xf32>
    %reduce_max3A_14 = vector.multi_reduction <maximumf>, %add3A_13, %reduce_max3A [1] : vector<2048x8xf32> to vector<2048xf32>
    %broadcast_in_dim3A = vector.shape_cast %reduce_max3A_14 : vector<2048xf32> to vector<2048x1xf32>
    %sub3A = vector.broadcast %broadcast_in_dim3A : vector<2048x1xf32> to vector<2048x8xf32>
    %sub3A_15 = arith.subf %add3A_13, %sub3A : vector<2048x8xf32>
    %exp3A = math.exp %sub3A_15 : vector<2048x8xf32>
    %reduce_sum3A = arith.constant dense<0.000000e+00> : vector<2048xf32>
    %reduce_sum3A_16 = vector.multi_reduction <add>, %exp3A, %reduce_sum3A [1] : vector<2048x8xf32> to vector<2048xf32>
    %argmax3A = tpu.reduce_index %add3A_13 {axis = 1 : i32, kind = #tpu.reduction_kind<arg_max>} : vector<2048x8xf32> -> vector<2048xi32>
    %swap3A = arith.constant 0 : index
    %swap3A_17 = arith.constant 0 : index
    %swap3A_18 = arith.constant 0 : index
    %swap3A_19 = vector.load %arg5[%swap3A, %swap3A_17, %swap3A_18] : memref<1x1x2048xi32, #tpu.memory_space<vmem>>, vector<1x1x2048xi32>
    %swap3A_20 = vector.shape_cast %swap3A_19 : vector<1x1x2048xi32> to vector<2048xi32>
    %swap3A_21 = vector.shape_cast %argmax3A : vector<2048xi32> to vector<1x1x2048xi32>
    tpu.vector_store %arg5[%swap3A, %swap3A_17, %swap3A_18], %swap3A_21 {strides = array<i32>} : memref<1x1x2048xi32, #tpu.memory_space<vmem>>, vector<1x1x2048xi32>,
    %reduce_max3A_22 = arith.constant dense<0xFF800000> : vector<2048xf32>
    %reduce_max3A_23 = vector.multi_reduction <maximumf>, %exp3A, %reduce_max3A_22 [1] : vector<2048x8xf32> to vector<2048xf32>
    %div3A = arith.divf %reduce_max3A_23, %reduce_sum3A_16 : vector<2048xf32>
    %swap3A_24 = arith.constant 0 : index
    %swap3A_25 = arith.constant 0 : index
    %swap3A_26 = arith.constant 0 : index
    %swap3A_27 = vector.load %arg6[%swap3A_24, %swap3A_25, %swap3A_26] : memref<1x1x2048xf32, #tpu.memory_space<vmem>>, vector<1x1x2048xf32>
    %swap3A_28 = vector.shape_cast %swap3A_27 : vector<1x1x2048xf32> to vector<2048xf32>
    %swap3A_29 = vector.shape_cast %div3A : vector<2048xf32> to vector<1x1x2048xf32>
    tpu.vector_store %arg6[%swap3A_24, %swap3A_25, %swap3A_26], %swap3A_29 {strides = array<i32>} : memref<1x1x2048xf32, #tpu.memory_space<vmem>>, vector<1x1x2048xf32>,
    return
  }
  func.func @transform_0(%arg0: i32, %arg1: memref<2xi32, #tpu.memory_space<smem>>) -> (i32, i32) {
    %c0_i32 = arith.constant 0 : i32
    %c0_i32_0 = arith.constant 0 : i32
    return %arg0, %c0_i32 : i32, i32
  }
  func.func @transform_1(%arg0: i32, %arg1: memref<2xi32, #tpu.memory_space<smem>>) -> (i32, i32, i32) {
    %get3A = arith.index_cast %arg0 : i32 to index
    %get3A_0 = memref.load %arg1[%get3A] : memref<2xi32, #tpu.memory_space<smem>>
    %c0_i32 = arith.constant 0 : i32
    %c0_i32_1 = arith.constant 0 : i32
    %c0_i32_2 = arith.constant 0 : i32
    return %get3A_0, %c0_i32, %c0_i32_1 : i32, i32, i32
  }
  func.func @transform_2(%arg0: i32, %arg1: memref<2xi32, #tpu.memory_space<smem>>) -> (i32, i32, i32) {
    %get3A = arith.index_cast %arg0 : i32 to index
    %get3A_0 = memref.load %arg1[%get3A] : memref<2xi32, #tpu.memory_space<smem>>
    %c0_i32 = arith.constant 0 : i32
    %c0_i32_1 = arith.constant 0 : i32
    %c0_i32_2 = arith.constant 0 : i32
    return %get3A_0, %c0_i32, %c0_i32_1 : i32, i32, i32
  }
  func.func @transform_3(%arg0: i32, %arg1: memref<2xi32, #tpu.memory_space<smem>>) -> (i32, i32, i32) {
    %c0_i32 = arith.constant 0 : i32
    %c0_i32_0 = arith.constant 0 : i32
    %c0_i32_1 = arith.constant 0 : i32
    return %arg0, %c0_i32, %c0_i32_0 : i32, i32, i32
  }
  func.func @transform_4(%arg0: i32, %arg1: memref<2xi32, #tpu.memory_space<smem>>) -> (i32, i32, i32) {
    %c0_i32 = arith.constant 0 : i32
    %c0_i32_0 = arith.constant 0 : i32
    %c0_i32_1 = arith.constant 0 : i32
    return %arg0, %c0_i32, %c0_i32_0 : i32, i32, i32
  }
}

module attributes {stable_mosaic.version = 14 : i64} {
  func.func @_oproj_ln_body(%arg0: i32, %arg1: memref<1x12x256x64xf32, #tpu.memory_space<vmem>>, %arg2: memref<768x768xf32, #tpu.memory_space<vmem>>, %arg3: memref<1x768xf32, #tpu.memory_space<vmem>>, %arg4: memref<256x768xf32, #tpu.memory_space<vmem>>, %arg5: memref<1x768xf32, #tpu.memory_space<vmem>>, %arg6: memref<1x768xf32, #tpu.memory_space<vmem>>, %arg7: memref<256x768xf32, #tpu.memory_space<vmem>>) attributes {dimension_semantics = [#tpu.dimension_semantics<arbitrary>], iteration_bounds = array<i64: 16>, scalar_prefetch = 0 : i64, scratch_operands = 0 : i64, tpu.core_type = #tpu.core_type<tc>, window_params = [{transform_indices = @transform_0, window_bounds = array<i64: 1, 12, 256, 64>}, {pipeline_mode = #tpu.pipeline_mode<synchronous>, transform_indices = @transform_1, window_bounds = array<i64: 768, 768>}, {pipeline_mode = #tpu.pipeline_mode<synchronous>, transform_indices = @transform_2, window_bounds = array<i64: 1, 768>}, {transform_indices = @transform_3, window_bounds = array<i64: 256, 768>}, {pipeline_mode = #tpu.pipeline_mode<synchronous>, transform_indices = @transform_4, window_bounds = array<i64: 1, 768>}, {pipeline_mode = #tpu.pipeline_mode<synchronous>, transform_indices = @transform_5, window_bounds = array<i64: 1, 768>}, {transform_indices = @transform_6, window_bounds = array<i64: 256, 768>}]} {
    %get3A = arith.constant 0 : index
    %get3A_0 = arith.constant 0 : index
    %get3A_1 = arith.constant 0 : index
    %get3A_2 = arith.constant 0 : index
    %get3A_3 = vector.load %arg1[%get3A, %get3A_0, %get3A_1, %get3A_2] : memref<1x12x256x64xf32, #tpu.memory_space<vmem>>, vector<1x1x256x64xf32>
    %get3A_4 = vector.shape_cast %get3A_3 : vector<1x1x256x64xf32> to vector<256x64xf32>
    %get3A_5 = arith.constant 0 : index
    %get3A_6 = arith.constant 1 : index
    %get3A_7 = arith.constant 0 : index
    %get3A_8 = arith.constant 0 : index
    %get3A_9 = vector.load %arg1[%get3A_5, %get3A_6, %get3A_7, %get3A_8] : memref<1x12x256x64xf32, #tpu.memory_space<vmem>>, vector<1x1x256x64xf32>
    %get3A_10 = vector.shape_cast %get3A_9 : vector<1x1x256x64xf32> to vector<256x64xf32>
    %get3A_11 = arith.constant 0 : index
    %get3A_12 = arith.constant 2 : index
    %get3A_13 = arith.constant 0 : index
    %get3A_14 = arith.constant 0 : index
    %get3A_15 = vector.load %arg1[%get3A_11, %get3A_12, %get3A_13, %get3A_14] : memref<1x12x256x64xf32, #tpu.memory_space<vmem>>, vector<1x1x256x64xf32>
    %get3A_16 = vector.shape_cast %get3A_15 : vector<1x1x256x64xf32> to vector<256x64xf32>
    %get3A_17 = arith.constant 0 : index
    %get3A_18 = arith.constant 3 : index
    %get3A_19 = arith.constant 0 : index
    %get3A_20 = arith.constant 0 : index
    %get3A_21 = vector.load %arg1[%get3A_17, %get3A_18, %get3A_19, %get3A_20] : memref<1x12x256x64xf32, #tpu.memory_space<vmem>>, vector<1x1x256x64xf32>
    %get3A_22 = vector.shape_cast %get3A_21 : vector<1x1x256x64xf32> to vector<256x64xf32>
    %get3A_23 = arith.constant 0 : index
    %get3A_24 = arith.constant 4 : index
    %get3A_25 = arith.constant 0 : index
    %get3A_26 = arith.constant 0 : index
    %get3A_27 = vector.load %arg1[%get3A_23, %get3A_24, %get3A_25, %get3A_26] : memref<1x12x256x64xf32, #tpu.memory_space<vmem>>, vector<1x1x256x64xf32>
    %get3A_28 = vector.shape_cast %get3A_27 : vector<1x1x256x64xf32> to vector<256x64xf32>
    %get3A_29 = arith.constant 0 : index
    %get3A_30 = arith.constant 5 : index
    %get3A_31 = arith.constant 0 : index
    %get3A_32 = arith.constant 0 : index
    %get3A_33 = vector.load %arg1[%get3A_29, %get3A_30, %get3A_31, %get3A_32] : memref<1x12x256x64xf32, #tpu.memory_space<vmem>>, vector<1x1x256x64xf32>
    %get3A_34 = vector.shape_cast %get3A_33 : vector<1x1x256x64xf32> to vector<256x64xf32>
    %get3A_35 = arith.constant 0 : index
    %get3A_36 = arith.constant 6 : index
    %get3A_37 = arith.constant 0 : index
    %get3A_38 = arith.constant 0 : index
    %get3A_39 = vector.load %arg1[%get3A_35, %get3A_36, %get3A_37, %get3A_38] : memref<1x12x256x64xf32, #tpu.memory_space<vmem>>, vector<1x1x256x64xf32>
    %get3A_40 = vector.shape_cast %get3A_39 : vector<1x1x256x64xf32> to vector<256x64xf32>
    %get3A_41 = arith.constant 0 : index
    %get3A_42 = arith.constant 7 : index
    %get3A_43 = arith.constant 0 : index
    %get3A_44 = arith.constant 0 : index
    %get3A_45 = vector.load %arg1[%get3A_41, %get3A_42, %get3A_43, %get3A_44] : memref<1x12x256x64xf32, #tpu.memory_space<vmem>>, vector<1x1x256x64xf32>
    %get3A_46 = vector.shape_cast %get3A_45 : vector<1x1x256x64xf32> to vector<256x64xf32>
    %get3A_47 = arith.constant 0 : index
    %get3A_48 = arith.constant 8 : index
    %get3A_49 = arith.constant 0 : index
    %get3A_50 = arith.constant 0 : index
    %get3A_51 = vector.load %arg1[%get3A_47, %get3A_48, %get3A_49, %get3A_50] : memref<1x12x256x64xf32, #tpu.memory_space<vmem>>, vector<1x1x256x64xf32>
    %get3A_52 = vector.shape_cast %get3A_51 : vector<1x1x256x64xf32> to vector<256x64xf32>
    %get3A_53 = arith.constant 0 : index
    %get3A_54 = arith.constant 9 : index
    %get3A_55 = arith.constant 0 : index
    %get3A_56 = arith.constant 0 : index
    %get3A_57 = vector.load %arg1[%get3A_53, %get3A_54, %get3A_55, %get3A_56] : memref<1x12x256x64xf32, #tpu.memory_space<vmem>>, vector<1x1x256x64xf32>
    %get3A_58 = vector.shape_cast %get3A_57 : vector<1x1x256x64xf32> to vector<256x64xf32>
    %get3A_59 = arith.constant 0 : index
    %get3A_60 = arith.constant 10 : index
    %get3A_61 = arith.constant 0 : index
    %get3A_62 = arith.constant 0 : index
    %get3A_63 = vector.load %arg1[%get3A_59, %get3A_60, %get3A_61, %get3A_62] : memref<1x12x256x64xf32, #tpu.memory_space<vmem>>, vector<1x1x256x64xf32>
    %get3A_64 = vector.shape_cast %get3A_63 : vector<1x1x256x64xf32> to vector<256x64xf32>
    %get3A_65 = arith.constant 0 : index
    %get3A_66 = arith.constant 11 : index
    %get3A_67 = arith.constant 0 : index
    %get3A_68 = arith.constant 0 : index
    %get3A_69 = vector.load %arg1[%get3A_65, %get3A_66, %get3A_67, %get3A_68] : memref<1x12x256x64xf32, #tpu.memory_space<vmem>>, vector<1x1x256x64xf32>
    %get3A_70 = vector.shape_cast %get3A_69 : vector<1x1x256x64xf32> to vector<256x64xf32>
    %concatenate3A = tpu.concatenate %get3A_4, %get3A_10, %get3A_16, %get3A_22, %get3A_28, %get3A_34, %get3A_40, %get3A_46, %get3A_52, %get3A_58, %get3A_64, %get3A_70 in 1 : vector<256x64xf32>, vector<256x64xf32>, vector<256x64xf32>, vector<256x64xf32>, vector<256x64xf32>, vector<256x64xf32>, vector<256x64xf32>, vector<256x64xf32>, vector<256x64xf32>, vector<256x64xf32>, vector<256x64xf32>, vector<256x64xf32> -> vector<256x768xf32>
    %get3A_71 = arith.constant 0 : index
    %get3A_72 = arith.constant 0 : index
    %get3A_73 = vector.load %arg2[%get3A_71, %get3A_72] : memref<768x768xf32, #tpu.memory_space<vmem>>, vector<768x768xf32>
    %dot_general3A = arith.constant dense<0.000000e+00> : vector<256x768xf32>
    %dot_general3A_74 = tpu.matmul %concatenate3A, %get3A_73, %dot_general3A {dimension_numbers = #tpu.dot_dimension_numbers<[1], [1], [0], [0], [0, 0, 1, 0], [], []>, transpose_lhs_hint = false} : vector<256x768xf32>, vector<768x768xf32>, vector<256x768xf32> -> vector<256x768xf32>
    %get3A_75 = arith.constant 0 : index
    %get3A_76 = arith.constant 0 : index
    %get3A_77 = vector.load %arg3[%get3A_75, %get3A_76] : memref<1x768xf32, #tpu.memory_space<vmem>>, vector<1x768xf32>
    %add3A = vector.broadcast %get3A_77 : vector<1x768xf32> to vector<256x768xf32>
    %add3A_78 = arith.addf %dot_general3A_74, %add3A : vector<256x768xf32>
    %get3A_79 = arith.constant 0 : index
    %get3A_80 = arith.constant 0 : index
    %get3A_81 = vector.load %arg4[%get3A_79, %get3A_80] : memref<256x768xf32, #tpu.memory_space<vmem>>, vector<256x768xf32>
    %add3A_82 = arith.addf %add3A_78, %get3A_81 : vector<256x768xf32>
    %get3A_83 = arith.constant 0 : index
    %get3A_84 = arith.constant 0 : index
    %get3A_85 = vector.load %arg5[%get3A_83, %get3A_84] : memref<1x768xf32, #tpu.memory_space<vmem>>, vector<1x768xf32>
    %get3A_86 = arith.constant 0 : index
    %get3A_87 = arith.constant 0 : index
    %get3A_88 = vector.load %arg6[%get3A_86, %get3A_87] : memref<1x768xf32, #tpu.memory_space<vmem>>, vector<1x768xf32>
    %reduce_sum3A = arith.constant dense<0.000000e+00> : vector<256xf32>
    %reduce_sum3A_89 = vector.multi_reduction <add>, %add3A_82, %reduce_sum3A [1] : vector<256x768xf32> to vector<256xf32>
    %broadcast_in_dim3A = vector.shape_cast %reduce_sum3A_89 : vector<256xf32> to vector<256x1xf32>
    %div3A = arith.constant 7.680000e+02 : f32
    %div3A_90 = vector.broadcast %div3A : f32 to vector<256x1xf32>
    %div3A_91 = arith.divf %broadcast_in_dim3A, %div3A_90 : vector<256x1xf32>
    %sub3A = vector.broadcast %div3A_91 : vector<256x1xf32> to vector<256x768xf32>
    %sub3A_92 = arith.subf %add3A_82, %sub3A : vector<256x768xf32>
    %integer_pow3A = arith.mulf %sub3A_92, %sub3A_92 : vector<256x768xf32>
    %reduce_sum3A_93 = arith.constant dense<0.000000e+00> : vector<256xf32>
    %reduce_sum3A_94 = vector.multi_reduction <add>, %integer_pow3A, %reduce_sum3A_93 [1] : vector<256x768xf32> to vector<256xf32>
    %broadcast_in_dim3A_95 = vector.shape_cast %reduce_sum3A_94 : vector<256xf32> to vector<256x1xf32>
    %div3A_96 = arith.constant 7.680000e+02 : f32
    %div3A_97 = vector.broadcast %div3A_96 : f32 to vector<256x1xf32>
    %div3A_98 = arith.divf %broadcast_in_dim3A_95, %div3A_97 : vector<256x1xf32>
    %sub3A_99 = vector.broadcast %div3A_91 : vector<256x1xf32> to vector<256x768xf32>
    %sub3A_100 = arith.subf %add3A_82, %sub3A_99 : vector<256x768xf32>
    %add3A_101 = arith.constant 9.99999974E-6 : f32
    %add3A_102 = vector.broadcast %add3A_101 : f32 to vector<256x1xf32>
    %add3A_103 = arith.addf %div3A_98, %add3A_102 : vector<256x1xf32>
    %sqrt3A = math.sqrt %add3A_103 : vector<256x1xf32>
    %div3A_104 = vector.broadcast %sqrt3A : vector<256x1xf32> to vector<256x768xf32>
    %div3A_105 = arith.divf %sub3A_100, %div3A_104 : vector<256x768xf32>
    %mul3A = vector.broadcast %get3A_85 : vector<1x768xf32> to vector<256x768xf32>
    %mul3A_106 = arith.mulf %div3A_105, %mul3A : vector<256x768xf32>
    %add3A_107 = vector.broadcast %get3A_88 : vector<1x768xf32> to vector<256x768xf32>
    %add3A_108 = arith.addf %mul3A_106, %add3A_107 : vector<256x768xf32>
    %swap3A = arith.constant 0 : index
    %swap3A_109 = arith.constant 0 : index
    %swap3A_110 = vector.load %arg7[%swap3A, %swap3A_109] : memref<256x768xf32, #tpu.memory_space<vmem>>, vector<256x768xf32>
    tpu.vector_store %arg7[%swap3A, %swap3A_109], %add3A_108 {strides = array<i32>} : memref<256x768xf32, #tpu.memory_space<vmem>>, vector<256x768xf32>,
    return
  }
  func.func @transform_0(%arg0: i32) -> (i32, i32, i32, i32) {
    %jit3A = arith.constant 8 : i32
    %div3A = arith.divsi %arg0, %jit3A : i32
    %sign3A = arith.constant 0 : i32
    %sign3A_0 = arith.cmpi sgt, %arg0, %sign3A : i32
    %sign3A_1 = arith.extui %sign3A_0 : i1 to i32
    %sign3A_2 = arith.constant 0 : i32
    %sign3A_3 = arith.cmpi slt, %arg0, %sign3A_2 : i32
    %sign3A_4 = arith.extui %sign3A_3 : i1 to i32
    %sign3A_5 = arith.subi %sign3A_1, %sign3A_4 : i32
    %sign3A_6 = arith.constant 0 : i32
    %sign3A_7 = arith.cmpi sgt, %jit3A, %sign3A_6 : i32
    %sign3A_8 = arith.extui %sign3A_7 : i1 to i32
    %sign3A_9 = arith.constant 0 : i32
    %sign3A_10 = arith.cmpi slt, %jit3A, %sign3A_9 : i32
    %sign3A_11 = arith.extui %sign3A_10 : i1 to i32
    %sign3A_12 = arith.subi %sign3A_8, %sign3A_11 : i32
    %ne3A = arith.cmpi ne, %sign3A_5, %sign3A_12 : i32
    %rem3A = arith.remsi %arg0, %jit3A : i32
    %ne3A_13 = arith.constant 0 : i32
    %ne3A_14 = arith.cmpi ne, %rem3A, %ne3A_13 : i32
    %and3A = arith.andi %ne3A, %ne3A_14 : i1
    %sub3A = arith.constant 1 : i32
    %sub3A_15 = arith.subi %div3A, %sub3A : i32
    %select_n3A = arith.select %and3A, %sub3A_15, %div3A : i32
    %jit3A_16 = arith.constant 8 : i32
    %eq3A = arith.constant 0 : i32
    %eq3A_17 = arith.cmpi eq, %jit3A_16, %eq3A : i32
    %jit3A_18 = arith.constant 1 : i32
    %select_n3A_19 = arith.select %eq3A_17, %jit3A_18, %jit3A_16 : i32
    %rem3A_20 = arith.remsi %arg0, %select_n3A_19 : i32
    %ne3A_21 = arith.constant 0 : i32
    %ne3A_22 = arith.cmpi ne, %rem3A_20, %ne3A_21 : i32
    %lt3A = arith.constant 0 : i32
    %lt3A_23 = arith.cmpi slt, %rem3A_20, %lt3A : i32
    %lt3A_24 = arith.constant 0 : i32
    %lt3A_25 = arith.cmpi slt, %select_n3A_19, %lt3A_24 : i32
    %ne3A_26 = arith.xori %lt3A_23, %lt3A_25 : i1
    %and3A_27 = arith.andi %ne3A_26, %ne3A_22 : i1
    %add3A = arith.addi %rem3A_20, %select_n3A_19 : i32
    %select_n3A_28 = arith.select %and3A_27, %add3A, %rem3A_20 : i32
    %c0_i32 = arith.constant 0 : i32
    %c0_i32_29 = arith.constant 0 : i32
    %c0_i32_30 = arith.constant 0 : i32
    return %select_n3A, %c0_i32, %select_n3A_28, %c0_i32_29 : i32, i32, i32, i32
  }
  func.func @transform_1(%arg0: i32) -> (i32, i32) {
    %c0_i32 = arith.constant 0 : i32
    %c0_i32_0 = arith.constant 0 : i32
    %c0_i32_1 = arith.constant 0 : i32
    return %c0_i32, %c0_i32_0 : i32, i32
  }
  func.func @transform_2(%arg0: i32) -> (i32, i32) {
    %c0_i32 = arith.constant 0 : i32
    %c0_i32_0 = arith.constant 0 : i32
    %c0_i32_1 = arith.constant 0 : i32
    return %c0_i32, %c0_i32_0 : i32, i32
  }
  func.func @transform_3(%arg0: i32) -> (i32, i32) {
    %c0_i32 = arith.constant 0 : i32
    %c0_i32_0 = arith.constant 0 : i32
    return %arg0, %c0_i32 : i32, i32
  }
  func.func @transform_4(%arg0: i32) -> (i32, i32) {
    %c0_i32 = arith.constant 0 : i32
    %c0_i32_0 = arith.constant 0 : i32
    %c0_i32_1 = arith.constant 0 : i32
    return %c0_i32, %c0_i32_0 : i32, i32
  }
  func.func @transform_5(%arg0: i32) -> (i32, i32) {
    %c0_i32 = arith.constant 0 : i32
    %c0_i32_0 = arith.constant 0 : i32
    %c0_i32_1 = arith.constant 0 : i32
    return %c0_i32, %c0_i32_0 : i32, i32
  }
  func.func @transform_6(%arg0: i32) -> (i32, i32) {
    %c0_i32 = arith.constant 0 : i32
    %c0_i32_0 = arith.constant 0 : i32
    return %arg0, %c0_i32 : i32, i32
  }
}

module attributes {stable_mosaic.version = 14 : i64} {
  func.func @_qkv_body(%arg0: i32, %arg1: memref<512x768xf32, #tpu.memory_space<vmem>>, %arg2: memref<768x768xf32, #tpu.memory_space<vmem>>, %arg3: memref<768x768xf32, #tpu.memory_space<vmem>>, %arg4: memref<768x768xf32, #tpu.memory_space<vmem>>, %arg5: memref<1x2304xf32, #tpu.memory_space<vmem>>, %arg6: memref<1x12x512x64xf32, #tpu.memory_space<vmem>>, %arg7: memref<1x12x512x64xf32, #tpu.memory_space<vmem>>, %arg8: memref<1x12x512x64xf32, #tpu.memory_space<vmem>>) attributes {dimension_semantics = [#tpu.dimension_semantics<arbitrary>], iteration_bounds = array<i64: 8>, scalar_prefetch = 0 : i64, scratch_operands = 0 : i64, tpu.core_type = #tpu.core_type<tc>, window_params = [{transform_indices = @transform_0, window_bounds = array<i64: 512, 768>}, {pipeline_mode = #tpu.pipeline_mode<synchronous>, transform_indices = @transform_1, window_bounds = array<i64: 768, 768>}, {pipeline_mode = #tpu.pipeline_mode<synchronous>, transform_indices = @transform_2, window_bounds = array<i64: 768, 768>}, {pipeline_mode = #tpu.pipeline_mode<synchronous>, transform_indices = @transform_3, window_bounds = array<i64: 768, 768>}, {pipeline_mode = #tpu.pipeline_mode<synchronous>, transform_indices = @transform_4, window_bounds = array<i64: 1, 2304>}, {transform_indices = @transform_5, window_bounds = array<i64: 1, 12, 512, 64>}, {transform_indices = @transform_6, window_bounds = array<i64: 1, 12, 512, 64>}, {transform_indices = @transform_7, window_bounds = array<i64: 1, 12, 512, 64>}]} {
    %get3A = arith.constant 0 : index
    %get3A_0 = arith.constant 0 : index
    %get3A_1 = vector.load %arg1[%get3A, %get3A_0] : memref<512x768xf32, #tpu.memory_space<vmem>>, vector<512x768xf32>
    %get3A_2 = arith.constant 0 : index
    %get3A_3 = arith.constant 0 : index
    %get3A_4 = vector.load %arg2[%get3A_2, %get3A_3] : memref<768x768xf32, #tpu.memory_space<vmem>>, vector<768x768xf32>
    %dot_general3A = arith.constant dense<0.000000e+00> : vector<512x768xf32>
    %dot_general3A_5 = tpu.matmul %get3A_1, %get3A_4, %dot_general3A {dimension_numbers = #tpu.dot_dimension_numbers<[1], [1], [0], [0], [0, 0, 1, 0], [], []>, transpose_lhs_hint = false} : vector<512x768xf32>, vector<768x768xf32>, vector<512x768xf32> -> vector<512x768xf32>
    %get3A_6 = arith.constant 0 : index
    %get3A_7 = arith.constant 0 : index
    %get3A_8 = vector.load %arg5[%get3A_6, %get3A_7] : memref<1x2304xf32, #tpu.memory_space<vmem>>, vector<1x768xf32>
    %add3A = vector.broadcast %get3A_8 : vector<1x768xf32> to vector<512x768xf32>
    %add3A_9 = arith.addf %dot_general3A_5, %add3A : vector<512x768xf32>
    %mul3A = arith.constant 1.250000e-01 : f32
    %mul3A_10 = vector.broadcast %mul3A : f32 to vector<512x768xf32>
    %mul3A_11 = arith.mulf %add3A_9, %mul3A_10 : vector<512x768xf32>
    %get3A_12 = arith.constant 0 : index
    %get3A_13 = arith.constant 0 : index
    %get3A_14 = vector.load %arg3[%get3A_12, %get3A_13] : memref<768x768xf32, #tpu.memory_space<vmem>>, vector<768x768xf32>
    %dot_general3A_15 = arith.constant dense<0.000000e+00> : vector<512x768xf32>
    %dot_general3A_16 = tpu.matmul %get3A_1, %get3A_14, %dot_general3A_15 {dimension_numbers = #tpu.dot_dimension_numbers<[1], [1], [0], [0], [0, 0, 1, 0], [], []>, transpose_lhs_hint = false} : vector<512x768xf32>, vector<768x768xf32>, vector<512x768xf32> -> vector<512x768xf32>
    %get3A_17 = arith.constant 0 : index
    %get3A_18 = arith.constant 768 : index
    %get3A_19 = vector.load %arg5[%get3A_17, %get3A_18] : memref<1x2304xf32, #tpu.memory_space<vmem>>, vector<1x768xf32>
    %add3A_20 = vector.broadcast %get3A_19 : vector<1x768xf32> to vector<512x768xf32>
    %add3A_21 = arith.addf %dot_general3A_16, %add3A_20 : vector<512x768xf32>
    %get3A_22 = arith.constant 0 : index
    %get3A_23 = arith.constant 0 : index
    %get3A_24 = vector.load %arg4[%get3A_22, %get3A_23] : memref<768x768xf32, #tpu.memory_space<vmem>>, vector<768x768xf32>
    %dot_general3A_25 = arith.constant dense<0.000000e+00> : vector<512x768xf32>
    %dot_general3A_26 = tpu.matmul %get3A_1, %get3A_24, %dot_general3A_25 {dimension_numbers = #tpu.dot_dimension_numbers<[1], [1], [0], [0], [0, 0, 1, 0], [], []>, transpose_lhs_hint = false} : vector<512x768xf32>, vector<768x768xf32>, vector<512x768xf32> -> vector<512x768xf32>
    %get3A_27 = arith.constant 0 : index
    %get3A_28 = arith.constant 1536 : index
    %get3A_29 = vector.load %arg5[%get3A_27, %get3A_28] : memref<1x2304xf32, #tpu.memory_space<vmem>>, vector<1x768xf32>
    %add3A_30 = vector.broadcast %get3A_29 : vector<1x768xf32> to vector<512x768xf32>
    %add3A_31 = arith.addf %dot_general3A_26, %add3A_30 : vector<512x768xf32>
    %slice3A = vector.extract_strided_slice %mul3A_11 {offsets = [0, 0], sizes = [512, 64], strides = [1, 1]} : vector<512x768xf32> to vector<512x64xf32>
    %slice3A_32 = vector.extract_strided_slice %mul3A_11 {offsets = [0, 64], sizes = [512, 64], strides = [1, 1]} : vector<512x768xf32> to vector<512x64xf32>
    %slice3A_33 = vector.extract_strided_slice %mul3A_11 {offsets = [0, 128], sizes = [512, 64], strides = [1, 1]} : vector<512x768xf32> to vector<512x64xf32>
    %slice3A_34 = vector.extract_strided_slice %mul3A_11 {offsets = [0, 192], sizes = [512, 64], strides = [1, 1]} : vector<512x768xf32> to vector<512x64xf32>
    %slice3A_35 = vector.extract_strided_slice %mul3A_11 {offsets = [0, 256], sizes = [512, 64], strides = [1, 1]} : vector<512x768xf32> to vector<512x64xf32>
    %slice3A_36 = vector.extract_strided_slice %mul3A_11 {offsets = [0, 320], sizes = [512, 64], strides = [1, 1]} : vector<512x768xf32> to vector<512x64xf32>
    %slice3A_37 = vector.extract_strided_slice %mul3A_11 {offsets = [0, 384], sizes = [512, 64], strides = [1, 1]} : vector<512x768xf32> to vector<512x64xf32>
    %slice3A_38 = vector.extract_strided_slice %mul3A_11 {offsets = [0, 448], sizes = [512, 64], strides = [1, 1]} : vector<512x768xf32> to vector<512x64xf32>
    %slice3A_39 = vector.extract_strided_slice %mul3A_11 {offsets = [0, 512], sizes = [512, 64], strides = [1, 1]} : vector<512x768xf32> to vector<512x64xf32>
    %slice3A_40 = vector.extract_strided_slice %mul3A_11 {offsets = [0, 576], sizes = [512, 64], strides = [1, 1]} : vector<512x768xf32> to vector<512x64xf32>
    %slice3A_41 = vector.extract_strided_slice %mul3A_11 {offsets = [0, 640], sizes = [512, 64], strides = [1, 1]} : vector<512x768xf32> to vector<512x64xf32>
    %slice3A_42 = vector.extract_strided_slice %mul3A_11 {offsets = [0, 704], sizes = [512, 64], strides = [1, 1]} : vector<512x768xf32> to vector<512x64xf32>
    %stack3A = vector.shape_cast %slice3A : vector<512x64xf32> to vector<1x512x64xf32>
    %stack3A_43 = vector.shape_cast %slice3A_32 : vector<512x64xf32> to vector<1x512x64xf32>
    %stack3A_44 = vector.shape_cast %slice3A_33 : vector<512x64xf32> to vector<1x512x64xf32>
    %stack3A_45 = vector.shape_cast %slice3A_34 : vector<512x64xf32> to vector<1x512x64xf32>
    %stack3A_46 = vector.shape_cast %slice3A_35 : vector<512x64xf32> to vector<1x512x64xf32>
    %stack3A_47 = vector.shape_cast %slice3A_36 : vector<512x64xf32> to vector<1x512x64xf32>
    %stack3A_48 = vector.shape_cast %slice3A_37 : vector<512x64xf32> to vector<1x512x64xf32>
    %stack3A_49 = vector.shape_cast %slice3A_38 : vector<512x64xf32> to vector<1x512x64xf32>
    %stack3A_50 = vector.shape_cast %slice3A_39 : vector<512x64xf32> to vector<1x512x64xf32>
    %stack3A_51 = vector.shape_cast %slice3A_40 : vector<512x64xf32> to vector<1x512x64xf32>
    %stack3A_52 = vector.shape_cast %slice3A_41 : vector<512x64xf32> to vector<1x512x64xf32>
    %stack3A_53 = vector.shape_cast %slice3A_42 : vector<512x64xf32> to vector<1x512x64xf32>
    %stack3A_54 = tpu.concatenate %stack3A, %stack3A_43, %stack3A_44, %stack3A_45, %stack3A_46, %stack3A_47, %stack3A_48, %stack3A_49, %stack3A_50, %stack3A_51, %stack3A_52, %stack3A_53 in 0 : vector<1x512x64xf32>, vector<1x512x64xf32>, vector<1x512x64xf32>, vector<1x512x64xf32>, vector<1x512x64xf32>, vector<1x512x64xf32>, vector<1x512x64xf32>, vector<1x512x64xf32>, vector<1x512x64xf32>, vector<1x512x64xf32>, vector<1x512x64xf32>, vector<1x512x64xf32> -> vector<12x512x64xf32>
    %swap3A = arith.constant 0 : index
    %swap3A_55 = arith.constant 0 : index
    %swap3A_56 = arith.constant 0 : index
    %swap3A_57 = arith.constant 0 : index
    %swap3A_58 = vector.load %arg6[%swap3A, %swap3A_55, %swap3A_56, %swap3A_57] : memref<1x12x512x64xf32, #tpu.memory_space<vmem>>, vector<1x12x512x64xf32>
    %swap3A_59 = vector.shape_cast %swap3A_58 : vector<1x12x512x64xf32> to vector<12x512x64xf32>
    %swap3A_60 = vector.shape_cast %stack3A_54 : vector<12x512x64xf32> to vector<1x12x512x64xf32>
    tpu.vector_store %arg6[%swap3A, %swap3A_55, %swap3A_56, %swap3A_57], %swap3A_60 {strides = array<i32>} : memref<1x12x512x64xf32, #tpu.memory_space<vmem>>, vector<1x12x512x64xf32>,
    %slice3A_61 = vector.extract_strided_slice %add3A_21 {offsets = [0, 0], sizes = [512, 64], strides = [1, 1]} : vector<512x768xf32> to vector<512x64xf32>
    %slice3A_62 = vector.extract_strided_slice %add3A_21 {offsets = [0, 64], sizes = [512, 64], strides = [1, 1]} : vector<512x768xf32> to vector<512x64xf32>
    %slice3A_63 = vector.extract_strided_slice %add3A_21 {offsets = [0, 128], sizes = [512, 64], strides = [1, 1]} : vector<512x768xf32> to vector<512x64xf32>
    %slice3A_64 = vector.extract_strided_slice %add3A_21 {offsets = [0, 192], sizes = [512, 64], strides = [1, 1]} : vector<512x768xf32> to vector<512x64xf32>
    %slice3A_65 = vector.extract_strided_slice %add3A_21 {offsets = [0, 256], sizes = [512, 64], strides = [1, 1]} : vector<512x768xf32> to vector<512x64xf32>
    %slice3A_66 = vector.extract_strided_slice %add3A_21 {offsets = [0, 320], sizes = [512, 64], strides = [1, 1]} : vector<512x768xf32> to vector<512x64xf32>
    %slice3A_67 = vector.extract_strided_slice %add3A_21 {offsets = [0, 384], sizes = [512, 64], strides = [1, 1]} : vector<512x768xf32> to vector<512x64xf32>
    %slice3A_68 = vector.extract_strided_slice %add3A_21 {offsets = [0, 448], sizes = [512, 64], strides = [1, 1]} : vector<512x768xf32> to vector<512x64xf32>
    %slice3A_69 = vector.extract_strided_slice %add3A_21 {offsets = [0, 512], sizes = [512, 64], strides = [1, 1]} : vector<512x768xf32> to vector<512x64xf32>
    %slice3A_70 = vector.extract_strided_slice %add3A_21 {offsets = [0, 576], sizes = [512, 64], strides = [1, 1]} : vector<512x768xf32> to vector<512x64xf32>
    %slice3A_71 = vector.extract_strided_slice %add3A_21 {offsets = [0, 640], sizes = [512, 64], strides = [1, 1]} : vector<512x768xf32> to vector<512x64xf32>
    %slice3A_72 = vector.extract_strided_slice %add3A_21 {offsets = [0, 704], sizes = [512, 64], strides = [1, 1]} : vector<512x768xf32> to vector<512x64xf32>
    %stack3A_73 = vector.shape_cast %slice3A_61 : vector<512x64xf32> to vector<1x512x64xf32>
    %stack3A_74 = vector.shape_cast %slice3A_62 : vector<512x64xf32> to vector<1x512x64xf32>
    %stack3A_75 = vector.shape_cast %slice3A_63 : vector<512x64xf32> to vector<1x512x64xf32>
    %stack3A_76 = vector.shape_cast %slice3A_64 : vector<512x64xf32> to vector<1x512x64xf32>
    %stack3A_77 = vector.shape_cast %slice3A_65 : vector<512x64xf32> to vector<1x512x64xf32>
    %stack3A_78 = vector.shape_cast %slice3A_66 : vector<512x64xf32> to vector<1x512x64xf32>
    %stack3A_79 = vector.shape_cast %slice3A_67 : vector<512x64xf32> to vector<1x512x64xf32>
    %stack3A_80 = vector.shape_cast %slice3A_68 : vector<512x64xf32> to vector<1x512x64xf32>
    %stack3A_81 = vector.shape_cast %slice3A_69 : vector<512x64xf32> to vector<1x512x64xf32>
    %stack3A_82 = vector.shape_cast %slice3A_70 : vector<512x64xf32> to vector<1x512x64xf32>
    %stack3A_83 = vector.shape_cast %slice3A_71 : vector<512x64xf32> to vector<1x512x64xf32>
    %stack3A_84 = vector.shape_cast %slice3A_72 : vector<512x64xf32> to vector<1x512x64xf32>
    %stack3A_85 = tpu.concatenate %stack3A_73, %stack3A_74, %stack3A_75, %stack3A_76, %stack3A_77, %stack3A_78, %stack3A_79, %stack3A_80, %stack3A_81, %stack3A_82, %stack3A_83, %stack3A_84 in 0 : vector<1x512x64xf32>, vector<1x512x64xf32>, vector<1x512x64xf32>, vector<1x512x64xf32>, vector<1x512x64xf32>, vector<1x512x64xf32>, vector<1x512x64xf32>, vector<1x512x64xf32>, vector<1x512x64xf32>, vector<1x512x64xf32>, vector<1x512x64xf32>, vector<1x512x64xf32> -> vector<12x512x64xf32>
    %swap3A_86 = arith.constant 0 : index
    %swap3A_87 = arith.constant 0 : index
    %swap3A_88 = arith.constant 0 : index
    %swap3A_89 = arith.constant 0 : index
    %swap3A_90 = vector.load %arg7[%swap3A_86, %swap3A_87, %swap3A_88, %swap3A_89] : memref<1x12x512x64xf32, #tpu.memory_space<vmem>>, vector<1x12x512x64xf32>
    %swap3A_91 = vector.shape_cast %swap3A_90 : vector<1x12x512x64xf32> to vector<12x512x64xf32>
    %swap3A_92 = vector.shape_cast %stack3A_85 : vector<12x512x64xf32> to vector<1x12x512x64xf32>
    tpu.vector_store %arg7[%swap3A_86, %swap3A_87, %swap3A_88, %swap3A_89], %swap3A_92 {strides = array<i32>} : memref<1x12x512x64xf32, #tpu.memory_space<vmem>>, vector<1x12x512x64xf32>,
    %slice3A_93 = vector.extract_strided_slice %add3A_31 {offsets = [0, 0], sizes = [512, 64], strides = [1, 1]} : vector<512x768xf32> to vector<512x64xf32>
    %slice3A_94 = vector.extract_strided_slice %add3A_31 {offsets = [0, 64], sizes = [512, 64], strides = [1, 1]} : vector<512x768xf32> to vector<512x64xf32>
    %slice3A_95 = vector.extract_strided_slice %add3A_31 {offsets = [0, 128], sizes = [512, 64], strides = [1, 1]} : vector<512x768xf32> to vector<512x64xf32>
    %slice3A_96 = vector.extract_strided_slice %add3A_31 {offsets = [0, 192], sizes = [512, 64], strides = [1, 1]} : vector<512x768xf32> to vector<512x64xf32>
    %slice3A_97 = vector.extract_strided_slice %add3A_31 {offsets = [0, 256], sizes = [512, 64], strides = [1, 1]} : vector<512x768xf32> to vector<512x64xf32>
    %slice3A_98 = vector.extract_strided_slice %add3A_31 {offsets = [0, 320], sizes = [512, 64], strides = [1, 1]} : vector<512x768xf32> to vector<512x64xf32>
    %slice3A_99 = vector.extract_strided_slice %add3A_31 {offsets = [0, 384], sizes = [512, 64], strides = [1, 1]} : vector<512x768xf32> to vector<512x64xf32>
    %slice3A_100 = vector.extract_strided_slice %add3A_31 {offsets = [0, 448], sizes = [512, 64], strides = [1, 1]} : vector<512x768xf32> to vector<512x64xf32>
    %slice3A_101 = vector.extract_strided_slice %add3A_31 {offsets = [0, 512], sizes = [512, 64], strides = [1, 1]} : vector<512x768xf32> to vector<512x64xf32>
    %slice3A_102 = vector.extract_strided_slice %add3A_31 {offsets = [0, 576], sizes = [512, 64], strides = [1, 1]} : vector<512x768xf32> to vector<512x64xf32>
    %slice3A_103 = vector.extract_strided_slice %add3A_31 {offsets = [0, 640], sizes = [512, 64], strides = [1, 1]} : vector<512x768xf32> to vector<512x64xf32>
    %slice3A_104 = vector.extract_strided_slice %add3A_31 {offsets = [0, 704], sizes = [512, 64], strides = [1, 1]} : vector<512x768xf32> to vector<512x64xf32>
    %stack3A_105 = vector.shape_cast %slice3A_93 : vector<512x64xf32> to vector<1x512x64xf32>
    %stack3A_106 = vector.shape_cast %slice3A_94 : vector<512x64xf32> to vector<1x512x64xf32>
    %stack3A_107 = vector.shape_cast %slice3A_95 : vector<512x64xf32> to vector<1x512x64xf32>
    %stack3A_108 = vector.shape_cast %slice3A_96 : vector<512x64xf32> to vector<1x512x64xf32>
    %stack3A_109 = vector.shape_cast %slice3A_97 : vector<512x64xf32> to vector<1x512x64xf32>
    %stack3A_110 = vector.shape_cast %slice3A_98 : vector<512x64xf32> to vector<1x512x64xf32>
    %stack3A_111 = vector.shape_cast %slice3A_99 : vector<512x64xf32> to vector<1x512x64xf32>
    %stack3A_112 = vector.shape_cast %slice3A_100 : vector<512x64xf32> to vector<1x512x64xf32>
    %stack3A_113 = vector.shape_cast %slice3A_101 : vector<512x64xf32> to vector<1x512x64xf32>
    %stack3A_114 = vector.shape_cast %slice3A_102 : vector<512x64xf32> to vector<1x512x64xf32>
    %stack3A_115 = vector.shape_cast %slice3A_103 : vector<512x64xf32> to vector<1x512x64xf32>
    %stack3A_116 = vector.shape_cast %slice3A_104 : vector<512x64xf32> to vector<1x512x64xf32>
    %stack3A_117 = tpu.concatenate %stack3A_105, %stack3A_106, %stack3A_107, %stack3A_108, %stack3A_109, %stack3A_110, %stack3A_111, %stack3A_112, %stack3A_113, %stack3A_114, %stack3A_115, %stack3A_116 in 0 : vector<1x512x64xf32>, vector<1x512x64xf32>, vector<1x512x64xf32>, vector<1x512x64xf32>, vector<1x512x64xf32>, vector<1x512x64xf32>, vector<1x512x64xf32>, vector<1x512x64xf32>, vector<1x512x64xf32>, vector<1x512x64xf32>, vector<1x512x64xf32>, vector<1x512x64xf32> -> vector<12x512x64xf32>
    %swap3A_118 = arith.constant 0 : index
    %swap3A_119 = arith.constant 0 : index
    %swap3A_120 = arith.constant 0 : index
    %swap3A_121 = arith.constant 0 : index
    %swap3A_122 = vector.load %arg8[%swap3A_118, %swap3A_119, %swap3A_120, %swap3A_121] : memref<1x12x512x64xf32, #tpu.memory_space<vmem>>, vector<1x12x512x64xf32>
    %swap3A_123 = vector.shape_cast %swap3A_122 : vector<1x12x512x64xf32> to vector<12x512x64xf32>
    %swap3A_124 = vector.shape_cast %stack3A_117 : vector<12x512x64xf32> to vector<1x12x512x64xf32>
    tpu.vector_store %arg8[%swap3A_118, %swap3A_119, %swap3A_120, %swap3A_121], %swap3A_124 {strides = array<i32>} : memref<1x12x512x64xf32, #tpu.memory_space<vmem>>, vector<1x12x512x64xf32>,
    return
  }
  func.func @transform_0(%arg0: i32) -> (i32, i32) {
    %c0_i32 = arith.constant 0 : i32
    %c0_i32_0 = arith.constant 0 : i32
    return %arg0, %c0_i32 : i32, i32
  }
  func.func @transform_1(%arg0: i32) -> (i32, i32) {
    %c0_i32 = arith.constant 0 : i32
    %c0_i32_0 = arith.constant 0 : i32
    %c0_i32_1 = arith.constant 0 : i32
    return %c0_i32, %c0_i32_0 : i32, i32
  }
  func.func @transform_2(%arg0: i32) -> (i32, i32) {
    %c0_i32 = arith.constant 0 : i32
    %c0_i32_0 = arith.constant 0 : i32
    %c0_i32_1 = arith.constant 0 : i32
    return %c0_i32, %c0_i32_0 : i32, i32
  }
  func.func @transform_3(%arg0: i32) -> (i32, i32) {
    %c0_i32 = arith.constant 0 : i32
    %c0_i32_0 = arith.constant 0 : i32
    %c0_i32_1 = arith.constant 0 : i32
    return %c0_i32, %c0_i32_0 : i32, i32
  }
  func.func @transform_4(%arg0: i32) -> (i32, i32) {
    %c0_i32 = arith.constant 0 : i32
    %c0_i32_0 = arith.constant 0 : i32
    %c0_i32_1 = arith.constant 0 : i32
    return %c0_i32, %c0_i32_0 : i32, i32
  }
  func.func @transform_5(%arg0: i32) -> (i32, i32, i32, i32) {
    %jit3A = arith.constant 4 : i32
    %div3A = arith.divsi %arg0, %jit3A : i32
    %sign3A = arith.constant 0 : i32
    %sign3A_0 = arith.cmpi sgt, %arg0, %sign3A : i32
    %sign3A_1 = arith.extui %sign3A_0 : i1 to i32
    %sign3A_2 = arith.constant 0 : i32
    %sign3A_3 = arith.cmpi slt, %arg0, %sign3A_2 : i32
    %sign3A_4 = arith.extui %sign3A_3 : i1 to i32
    %sign3A_5 = arith.subi %sign3A_1, %sign3A_4 : i32
    %sign3A_6 = arith.constant 0 : i32
    %sign3A_7 = arith.cmpi sgt, %jit3A, %sign3A_6 : i32
    %sign3A_8 = arith.extui %sign3A_7 : i1 to i32
    %sign3A_9 = arith.constant 0 : i32
    %sign3A_10 = arith.cmpi slt, %jit3A, %sign3A_9 : i32
    %sign3A_11 = arith.extui %sign3A_10 : i1 to i32
    %sign3A_12 = arith.subi %sign3A_8, %sign3A_11 : i32
    %ne3A = arith.cmpi ne, %sign3A_5, %sign3A_12 : i32
    %rem3A = arith.remsi %arg0, %jit3A : i32
    %ne3A_13 = arith.constant 0 : i32
    %ne3A_14 = arith.cmpi ne, %rem3A, %ne3A_13 : i32
    %and3A = arith.andi %ne3A, %ne3A_14 : i1
    %sub3A = arith.constant 1 : i32
    %sub3A_15 = arith.subi %div3A, %sub3A : i32
    %select_n3A = arith.select %and3A, %sub3A_15, %div3A : i32
    %jit3A_16 = arith.constant 4 : i32
    %eq3A = arith.constant 0 : i32
    %eq3A_17 = arith.cmpi eq, %jit3A_16, %eq3A : i32
    %jit3A_18 = arith.constant 1 : i32
    %select_n3A_19 = arith.select %eq3A_17, %jit3A_18, %jit3A_16 : i32
    %rem3A_20 = arith.remsi %arg0, %select_n3A_19 : i32
    %ne3A_21 = arith.constant 0 : i32
    %ne3A_22 = arith.cmpi ne, %rem3A_20, %ne3A_21 : i32
    %lt3A = arith.constant 0 : i32
    %lt3A_23 = arith.cmpi slt, %rem3A_20, %lt3A : i32
    %lt3A_24 = arith.constant 0 : i32
    %lt3A_25 = arith.cmpi slt, %select_n3A_19, %lt3A_24 : i32
    %ne3A_26 = arith.xori %lt3A_23, %lt3A_25 : i1
    %and3A_27 = arith.andi %ne3A_26, %ne3A_22 : i1
    %add3A = arith.addi %rem3A_20, %select_n3A_19 : i32
    %select_n3A_28 = arith.select %and3A_27, %add3A, %rem3A_20 : i32
    %c0_i32 = arith.constant 0 : i32
    %c0_i32_29 = arith.constant 0 : i32
    %c0_i32_30 = arith.constant 0 : i32
    return %select_n3A, %c0_i32, %select_n3A_28, %c0_i32_29 : i32, i32, i32, i32
  }
  func.func @transform_6(%arg0: i32) -> (i32, i32, i32, i32) {
    %jit3A = arith.constant 4 : i32
    %div3A = arith.divsi %arg0, %jit3A : i32
    %sign3A = arith.constant 0 : i32
    %sign3A_0 = arith.cmpi sgt, %arg0, %sign3A : i32
    %sign3A_1 = arith.extui %sign3A_0 : i1 to i32
    %sign3A_2 = arith.constant 0 : i32
    %sign3A_3 = arith.cmpi slt, %arg0, %sign3A_2 : i32
    %sign3A_4 = arith.extui %sign3A_3 : i1 to i32
    %sign3A_5 = arith.subi %sign3A_1, %sign3A_4 : i32
    %sign3A_6 = arith.constant 0 : i32
    %sign3A_7 = arith.cmpi sgt, %jit3A, %sign3A_6 : i32
    %sign3A_8 = arith.extui %sign3A_7 : i1 to i32
    %sign3A_9 = arith.constant 0 : i32
    %sign3A_10 = arith.cmpi slt, %jit3A, %sign3A_9 : i32
    %sign3A_11 = arith.extui %sign3A_10 : i1 to i32
    %sign3A_12 = arith.subi %sign3A_8, %sign3A_11 : i32
    %ne3A = arith.cmpi ne, %sign3A_5, %sign3A_12 : i32
    %rem3A = arith.remsi %arg0, %jit3A : i32
    %ne3A_13 = arith.constant 0 : i32
    %ne3A_14 = arith.cmpi ne, %rem3A, %ne3A_13 : i32
    %and3A = arith.andi %ne3A, %ne3A_14 : i1
    %sub3A = arith.constant 1 : i32
    %sub3A_15 = arith.subi %div3A, %sub3A : i32
    %select_n3A = arith.select %and3A, %sub3A_15, %div3A : i32
    %jit3A_16 = arith.constant 4 : i32
    %eq3A = arith.constant 0 : i32
    %eq3A_17 = arith.cmpi eq, %jit3A_16, %eq3A : i32
    %jit3A_18 = arith.constant 1 : i32
    %select_n3A_19 = arith.select %eq3A_17, %jit3A_18, %jit3A_16 : i32
    %rem3A_20 = arith.remsi %arg0, %select_n3A_19 : i32
    %ne3A_21 = arith.constant 0 : i32
    %ne3A_22 = arith.cmpi ne, %rem3A_20, %ne3A_21 : i32
    %lt3A = arith.constant 0 : i32
    %lt3A_23 = arith.cmpi slt, %rem3A_20, %lt3A : i32
    %lt3A_24 = arith.constant 0 : i32
    %lt3A_25 = arith.cmpi slt, %select_n3A_19, %lt3A_24 : i32
    %ne3A_26 = arith.xori %lt3A_23, %lt3A_25 : i1
    %and3A_27 = arith.andi %ne3A_26, %ne3A_22 : i1
    %add3A = arith.addi %rem3A_20, %select_n3A_19 : i32
    %select_n3A_28 = arith.select %and3A_27, %add3A, %rem3A_20 : i32
    %c0_i32 = arith.constant 0 : i32
    %c0_i32_29 = arith.constant 0 : i32
    %c0_i32_30 = arith.constant 0 : i32
    return %select_n3A, %c0_i32, %select_n3A_28, %c0_i32_29 : i32, i32, i32, i32
  }
  func.func @transform_7(%arg0: i32) -> (i32, i32, i32, i32) {
    %jit3A = arith.constant 4 : i32
    %div3A = arith.divsi %arg0, %jit3A : i32
    %sign3A = arith.constant 0 : i32
    %sign3A_0 = arith.cmpi sgt, %arg0, %sign3A : i32
    %sign3A_1 = arith.extui %sign3A_0 : i1 to i32
    %sign3A_2 = arith.constant 0 : i32
    %sign3A_3 = arith.cmpi slt, %arg0, %sign3A_2 : i32
    %sign3A_4 = arith.extui %sign3A_3 : i1 to i32
    %sign3A_5 = arith.subi %sign3A_1, %sign3A_4 : i32
    %sign3A_6 = arith.constant 0 : i32
    %sign3A_7 = arith.cmpi sgt, %jit3A, %sign3A_6 : i32
    %sign3A_8 = arith.extui %sign3A_7 : i1 to i32
    %sign3A_9 = arith.constant 0 : i32
    %sign3A_10 = arith.cmpi slt, %jit3A, %sign3A_9 : i32
    %sign3A_11 = arith.extui %sign3A_10 : i1 to i32
    %sign3A_12 = arith.subi %sign3A_8, %sign3A_11 : i32
    %ne3A = arith.cmpi ne, %sign3A_5, %sign3A_12 : i32
    %rem3A = arith.remsi %arg0, %jit3A : i32
    %ne3A_13 = arith.constant 0 : i32
    %ne3A_14 = arith.cmpi ne, %rem3A, %ne3A_13 : i32
    %and3A = arith.andi %ne3A, %ne3A_14 : i1
    %sub3A = arith.constant 1 : i32
    %sub3A_15 = arith.subi %div3A, %sub3A : i32
    %select_n3A = arith.select %and3A, %sub3A_15, %div3A : i32
    %jit3A_16 = arith.constant 4 : i32
    %eq3A = arith.constant 0 : i32
    %eq3A_17 = arith.cmpi eq, %jit3A_16, %eq3A : i32
    %jit3A_18 = arith.constant 1 : i32
    %select_n3A_19 = arith.select %eq3A_17, %jit3A_18, %jit3A_16 : i32
    %rem3A_20 = arith.remsi %arg0, %select_n3A_19 : i32
    %ne3A_21 = arith.constant 0 : i32
    %ne3A_22 = arith.cmpi ne, %rem3A_20, %ne3A_21 : i32
    %lt3A = arith.constant 0 : i32
    %lt3A_23 = arith.cmpi slt, %rem3A_20, %lt3A : i32
    %lt3A_24 = arith.constant 0 : i32
    %lt3A_25 = arith.cmpi slt, %select_n3A_19, %lt3A_24 : i32
    %ne3A_26 = arith.xori %lt3A_23, %lt3A_25 : i1
    %and3A_27 = arith.andi %ne3A_26, %ne3A_22 : i1
    %add3A = arith.addi %rem3A_20, %select_n3A_19 : i32
    %select_n3A_28 = arith.select %and3A_27, %add3A, %rem3A_20 : i32
    %c0_i32 = arith.constant 0 : i32
    %c0_i32_29 = arith.constant 0 : i32
    %c0_i32_30 = arith.constant 0 : i32
    return %select_n3A, %c0_i32, %select_n3A_28, %c0_i32_29 : i32, i32, i32, i32
  }
}

module attributes {stable_mosaic.version = 14 : i64} {
  func.func @_route_body(%arg0: i32, %arg1: memref<32x128xi32, #tpu.memory_space<vmem>>, %arg2: memref<32x128xi32, #tpu.memory_space<vmem>>, %arg3: memref<1x40xi32, #tpu.memory_space<vmem>>) attributes {dimension_semantics = [#tpu.dimension_semantics<arbitrary>], iteration_bounds = array<i64: 1>, scalar_prefetch = 0 : i64, scratch_operands = 0 : i64, tpu.core_type = #tpu.core_type<tc>, window_params = [{pipeline_mode = #tpu.pipeline_mode<synchronous>, transform_indices = @transform_0, window_bounds = array<i64: 32, 128>}, {pipeline_mode = #tpu.pipeline_mode<synchronous>, transform_indices = @transform_1, window_bounds = array<i64: 32, 128>}, {pipeline_mode = #tpu.pipeline_mode<synchronous>, transform_indices = @transform_2, window_bounds = array<i64: 1, 40>}]} {
    %get3A = arith.constant 0 : index
    %get3A_0 = arith.constant 0 : index
    %get3A_1 = vector.load %arg1[%get3A, %get3A_0] : memref<32x128xi32, #tpu.memory_space<vmem>>, vector<32x128xi32>
    %iota3A = tpu.iota {dimensions = array<i32: 0>} : vector<128x128xi32>
    %iota3A_2 = tpu.iota {dimensions = array<i32: 1>} : vector<128x128xi32>
    %lt3A = arith.cmpi slt, %iota3A, %iota3A_2 : vector<128x128xi32>
    %convert_element_type3A = arith.extui %lt3A : vector<128x128xi1> to vector<128x128xi32>
    %convert_element_type3A_3 = arith.sitofp %convert_element_type3A : vector<128x128xi32> to vector<128x128xf32>
    %iota3A_4 = tpu.iota {dimensions = array<i32: 0>} : vector<32x32xi32>
    %iota3A_5 = tpu.iota {dimensions = array<i32: 1>} : vector<32x32xi32>
    %lt3A_6 = arith.cmpi slt, %iota3A_5, %iota3A_4 : vector<32x32xi32>
    %convert_element_type3A_7 = arith.extui %lt3A_6 : vector<32x32xi1> to vector<32x32xi32>
    %convert_element_type3A_8 = arith.sitofp %convert_element_type3A_7 : vector<32x32xi32> to vector<32x32xf32>
    %broadcast_in_dim3A = arith.constant 0.000000e+00 : f32
    %broadcast_in_dim3A_9 = vector.broadcast %broadcast_in_dim3A : f32 to vector<32x128xf32>
    %iota3A_10 = tpu.iota {dimensions = array<i32: 1>} : vector<1x40xi32>
    %mul3A = arith.constant 128 : i32
    %mul3A_11 = vector.broadcast %mul3A : i32 to vector<1x40xi32>
    %mul3A_12 = arith.muli %iota3A_10, %mul3A_11 : vector<1x40xi32>
    %convert_element_type3A_13 = arith.sitofp %mul3A_12 : vector<1x40xi32> to vector<1x40xf32>
    %broadcast_in_dim3A_14 = arith.constant 0.000000e+00 : f32
    %broadcast_in_dim3A_15 = vector.broadcast %broadcast_in_dim3A_14 : f32 to vector<1x40xf32>
    %eq3A = arith.constant 0 : i32
    %eq3A_16 = vector.broadcast %eq3A : i32 to vector<32x128xi32>
    %eq3A_17 = arith.cmpi eq, %get3A_1, %eq3A_16 : vector<32x128xi32>
    %convert_element_type3A_18 = arith.extui %eq3A_17 : vector<32x128xi1> to vector<32x128xi32>
    %convert_element_type3A_19 = arith.sitofp %convert_element_type3A_18 : vector<32x128xi32> to vector<32x128xf32>
    %dot_general3A = arith.constant dense<0.000000e+00> : vector<32x128xf32>
    %dot_general3A_20 = tpu.matmul %convert_element_type3A_19, %convert_element_type3A_3, %dot_general3A {dimension_numbers = #tpu.dot_dimension_numbers<[1], [0], [0], [1], [0, 0, 1, 1], [], []>, transpose_lhs_hint = false} : vector<32x128xf32>, vector<128x128xf32>, vector<32x128xf32> -> vector<32x128xf32>
    %reduce_sum3A = arith.constant dense<0.000000e+00> : vector<32xf32>
    %reduce_sum3A_21 = vector.multi_reduction <add>, %convert_element_type3A_19, %reduce_sum3A [1] : vector<32x128xf32> to vector<32xf32>
    %broadcast_in_dim3A_22 = vector.shape_cast %reduce_sum3A_21 : vector<32xf32> to vector<32x1xf32>
    %dot_general3A_23 = arith.constant dense<0.000000e+00> : vector<32x1xf32>
    %dot_general3A_24 = tpu.matmul %convert_element_type3A_8, %broadcast_in_dim3A_22, %dot_general3A_23 {dimension_numbers = #tpu.dot_dimension_numbers<[1], [0], [0], [1], [0, 0, 1, 1], [], []>, transpose_lhs_hint = false} : vector<32x32xf32>, vector<32x1xf32>, vector<32x1xf32> -> vector<32x1xf32>
    %add3A = vector.broadcast %dot_general3A_24 : vector<32x1xf32> to vector<32x128xf32>
    %add3A_25 = arith.addf %dot_general3A_20, %add3A : vector<32x128xf32>
    %add3A_26 = arith.constant 0.000000e+00 : f32
    %add3A_27 = vector.broadcast %add3A_26 : f32 to vector<32x128xf32>
    %add3A_28 = arith.addf %add3A_25, %add3A_27 : vector<32x128xf32>
    %mul3A_29 = arith.mulf %convert_element_type3A_19, %add3A_28 : vector<32x128xf32>
    %add3A_30 = arith.addf %broadcast_in_dim3A_9, %mul3A_29 : vector<32x128xf32>
    %reduce_sum3A_31 = vector.shape_cast %convert_element_type3A_19 : vector<32x128xf32> to vector<1x32x128xf32>
    %reduce_sum3A_32 = arith.constant dense<0.000000e+00> : vector<1xf32>
    %reduce_sum3A_33 = vector.multi_reduction <add>, %reduce_sum3A_31, %reduce_sum3A_32 [1, 2] : vector<1x32x128xf32> to vector<1xf32>
    %reduce_sum3A_34 = vector.shape_cast %reduce_sum3A_33 : vector<1xf32> to vector<1x1x1xf32>
    %reduce_sum3A_35 = vector.extract %reduce_sum3A_34[0, 0, 0] : f32 from vector<1x1x1xf32>
    %mul3A_36 = arith.constant 7.812500e-03 : f32
    %mul3A_37 = arith.mulf %reduce_sum3A_35, %mul3A_36 : f32
    %ceil3A = math.ceil %mul3A_37 : f32
    %mul3A_38 = arith.constant 1.280000e+02 : f32
    %mul3A_39 = arith.mulf %ceil3A, %mul3A_38 : f32
    %ge3A = arith.constant 0.000000e+00 : f32
    %ge3A_40 = vector.broadcast %ge3A : f32 to vector<1x40xf32>
    %ge3A_41 = arith.cmpf oge, %convert_element_type3A_13, %ge3A_40 : vector<1x40xf32>
    %add3A_42 = arith.constant 0.000000e+00 : f32
    %add3A_43 = arith.addf %add3A_42, %mul3A_39 : f32
    %lt3A_44 = vector.broadcast %add3A_43 : f32 to vector<1x40xf32>
    %lt3A_45 = arith.cmpf olt, %convert_element_type3A_13, %lt3A_44 : vector<1x40xf32>
    %and3A = arith.andi %ge3A_41, %lt3A_45 : vector<1x40xi1>
    %convert_element_type3A_46 = arith.extui %and3A : vector<1x40xi1> to vector<1x40xi32>
    %convert_element_type3A_47 = arith.sitofp %convert_element_type3A_46 : vector<1x40xi32> to vector<1x40xf32>
    %mul3A_48 = arith.constant 0.000000e+00 : f32
    %mul3A_49 = vector.broadcast %mul3A_48 : f32 to vector<1x40xf32>
    %mul3A_50 = arith.mulf %mul3A_49, %convert_element_type3A_47 : vector<1x40xf32>
    %add3A_51 = arith.addf %broadcast_in_dim3A_15, %mul3A_50 : vector<1x40xf32>
    %add3A_52 = arith.constant 0.000000e+00 : f32
    %add3A_53 = arith.addf %add3A_52, %mul3A_39 : f32
    %eq3A_54 = arith.constant 1 : i32
    %eq3A_55 = vector.broadcast %eq3A_54 : i32 to vector<32x128xi32>
    %eq3A_56 = arith.cmpi eq, %get3A_1, %eq3A_55 : vector<32x128xi32>
    %convert_element_type3A_57 = arith.extui %eq3A_56 : vector<32x128xi1> to vector<32x128xi32>
    %convert_element_type3A_58 = arith.sitofp %convert_element_type3A_57 : vector<32x128xi32> to vector<32x128xf32>
    %dot_general3A_59 = arith.constant dense<0.000000e+00> : vector<32x128xf32>
    %dot_general3A_60 = tpu.matmul %convert_element_type3A_58, %convert_element_type3A_3, %dot_general3A_59 {dimension_numbers = #tpu.dot_dimension_numbers<[1], [0], [0], [1], [0, 0, 1, 1], [], []>, transpose_lhs_hint = false} : vector<32x128xf32>, vector<128x128xf32>, vector<32x128xf32> -> vector<32x128xf32>
    %reduce_sum3A_61 = arith.constant dense<0.000000e+00> : vector<32xf32>
    %reduce_sum3A_62 = vector.multi_reduction <add>, %convert_element_type3A_58, %reduce_sum3A_61 [1] : vector<32x128xf32> to vector<32xf32>
    %broadcast_in_dim3A_63 = vector.shape_cast %reduce_sum3A_62 : vector<32xf32> to vector<32x1xf32>
    %dot_general3A_64 = arith.constant dense<0.000000e+00> : vector<32x1xf32>
    %dot_general3A_65 = tpu.matmul %convert_element_type3A_8, %broadcast_in_dim3A_63, %dot_general3A_64 {dimension_numbers = #tpu.dot_dimension_numbers<[1], [0], [0], [1], [0, 0, 1, 1], [], []>, transpose_lhs_hint = false} : vector<32x32xf32>, vector<32x1xf32>, vector<32x1xf32> -> vector<32x1xf32>
    %add3A_66 = vector.broadcast %dot_general3A_65 : vector<32x1xf32> to vector<32x128xf32>
    %add3A_67 = arith.addf %dot_general3A_60, %add3A_66 : vector<32x128xf32>
    %add3A_68 = vector.broadcast %add3A_53 : f32 to vector<32x128xf32>
    %add3A_69 = arith.addf %add3A_67, %add3A_68 : vector<32x128xf32>
    %mul3A_70 = arith.mulf %convert_element_type3A_58, %add3A_69 : vector<32x128xf32>
    %add3A_71 = arith.addf %add3A_30, %mul3A_70 : vector<32x128xf32>
    %reduce_sum3A_72 = vector.shape_cast %convert_element_type3A_58 : vector<32x128xf32> to vector<1x32x128xf32>
    %reduce_sum3A_73 = arith.constant dense<0.000000e+00> : vector<1xf32>
    %reduce_sum3A_74 = vector.multi_reduction <add>, %reduce_sum3A_72, %reduce_sum3A_73 [1, 2] : vector<1x32x128xf32> to vector<1xf32>
    %reduce_sum3A_75 = vector.shape_cast %reduce_sum3A_74 : vector<1xf32> to vector<1x1x1xf32>
    %reduce_sum3A_76 = vector.extract %reduce_sum3A_75[0, 0, 0] : f32 from vector<1x1x1xf32>
    %mul3A_77 = arith.constant 7.812500e-03 : f32
    %mul3A_78 = arith.mulf %reduce_sum3A_76, %mul3A_77 : f32
    %ceil3A_79 = math.ceil %mul3A_78 : f32
    %mul3A_80 = arith.constant 1.280000e+02 : f32
    %mul3A_81 = arith.mulf %ceil3A_79, %mul3A_80 : f32
    %ge3A_82 = vector.broadcast %add3A_53 : f32 to vector<1x40xf32>
    %ge3A_83 = arith.cmpf oge, %convert_element_type3A_13, %ge3A_82 : vector<1x40xf32>
    %add3A_84 = arith.addf %add3A_53, %mul3A_81 : f32
    %lt3A_85 = vector.broadcast %add3A_84 : f32 to vector<1x40xf32>
    %lt3A_86 = arith.cmpf olt, %convert_element_type3A_13, %lt3A_85 : vector<1x40xf32>
    %and3A_87 = arith.andi %ge3A_83, %lt3A_86 : vector<1x40xi1>
    %convert_element_type3A_88 = arith.extui %and3A_87 : vector<1x40xi1> to vector<1x40xi32>
    %convert_element_type3A_89 = arith.sitofp %convert_element_type3A_88 : vector<1x40xi32> to vector<1x40xf32>
    %mul3A_90 = arith.constant 1.000000e+00 : f32
    %mul3A_91 = vector.broadcast %mul3A_90 : f32 to vector<1x40xf32>
    %mul3A_92 = arith.mulf %mul3A_91, %convert_element_type3A_89 : vector<1x40xf32>
    %add3A_93 = arith.addf %add3A_51, %mul3A_92 : vector<1x40xf32>
    %add3A_94 = arith.addf %add3A_53, %mul3A_81 : f32
    %eq3A_95 = arith.constant 2 : i32
    %eq3A_96 = vector.broadcast %eq3A_95 : i32 to vector<32x128xi32>
    %eq3A_97 = arith.cmpi eq, %get3A_1, %eq3A_96 : vector<32x128xi32>
    %convert_element_type3A_98 = arith.extui %eq3A_97 : vector<32x128xi1> to vector<32x128xi32>
    %convert_element_type3A_99 = arith.sitofp %convert_element_type3A_98 : vector<32x128xi32> to vector<32x128xf32>
    %dot_general3A_100 = arith.constant dense<0.000000e+00> : vector<32x128xf32>
    %dot_general3A_101 = tpu.matmul %convert_element_type3A_99, %convert_element_type3A_3, %dot_general3A_100 {dimension_numbers = #tpu.dot_dimension_numbers<[1], [0], [0], [1], [0, 0, 1, 1], [], []>, transpose_lhs_hint = false} : vector<32x128xf32>, vector<128x128xf32>, vector<32x128xf32> -> vector<32x128xf32>
    %reduce_sum3A_102 = arith.constant dense<0.000000e+00> : vector<32xf32>
    %reduce_sum3A_103 = vector.multi_reduction <add>, %convert_element_type3A_99, %reduce_sum3A_102 [1] : vector<32x128xf32> to vector<32xf32>
    %broadcast_in_dim3A_104 = vector.shape_cast %reduce_sum3A_103 : vector<32xf32> to vector<32x1xf32>
    %dot_general3A_105 = arith.constant dense<0.000000e+00> : vector<32x1xf32>
    %dot_general3A_106 = tpu.matmul %convert_element_type3A_8, %broadcast_in_dim3A_104, %dot_general3A_105 {dimension_numbers = #tpu.dot_dimension_numbers<[1], [0], [0], [1], [0, 0, 1, 1], [], []>, transpose_lhs_hint = false} : vector<32x32xf32>, vector<32x1xf32>, vector<32x1xf32> -> vector<32x1xf32>
    %add3A_107 = vector.broadcast %dot_general3A_106 : vector<32x1xf32> to vector<32x128xf32>
    %add3A_108 = arith.addf %dot_general3A_101, %add3A_107 : vector<32x128xf32>
    %add3A_109 = vector.broadcast %add3A_94 : f32 to vector<32x128xf32>
    %add3A_110 = arith.addf %add3A_108, %add3A_109 : vector<32x128xf32>
    %mul3A_111 = arith.mulf %convert_element_type3A_99, %add3A_110 : vector<32x128xf32>
    %add3A_112 = arith.addf %add3A_71, %mul3A_111 : vector<32x128xf32>
    %reduce_sum3A_113 = vector.shape_cast %convert_element_type3A_99 : vector<32x128xf32> to vector<1x32x128xf32>
    %reduce_sum3A_114 = arith.constant dense<0.000000e+00> : vector<1xf32>
    %reduce_sum3A_115 = vector.multi_reduction <add>, %reduce_sum3A_113, %reduce_sum3A_114 [1, 2] : vector<1x32x128xf32> to vector<1xf32>
    %reduce_sum3A_116 = vector.shape_cast %reduce_sum3A_115 : vector<1xf32> to vector<1x1x1xf32>
    %reduce_sum3A_117 = vector.extract %reduce_sum3A_116[0, 0, 0] : f32 from vector<1x1x1xf32>
    %mul3A_118 = arith.constant 7.812500e-03 : f32
    %mul3A_119 = arith.mulf %reduce_sum3A_117, %mul3A_118 : f32
    %ceil3A_120 = math.ceil %mul3A_119 : f32
    %mul3A_121 = arith.constant 1.280000e+02 : f32
    %mul3A_122 = arith.mulf %ceil3A_120, %mul3A_121 : f32
    %ge3A_123 = vector.broadcast %add3A_94 : f32 to vector<1x40xf32>
    %ge3A_124 = arith.cmpf oge, %convert_element_type3A_13, %ge3A_123 : vector<1x40xf32>
    %add3A_125 = arith.addf %add3A_94, %mul3A_122 : f32
    %lt3A_126 = vector.broadcast %add3A_125 : f32 to vector<1x40xf32>
    %lt3A_127 = arith.cmpf olt, %convert_element_type3A_13, %lt3A_126 : vector<1x40xf32>
    %and3A_128 = arith.andi %ge3A_124, %lt3A_127 : vector<1x40xi1>
    %convert_element_type3A_129 = arith.extui %and3A_128 : vector<1x40xi1> to vector<1x40xi32>
    %convert_element_type3A_130 = arith.sitofp %convert_element_type3A_129 : vector<1x40xi32> to vector<1x40xf32>
    %mul3A_131 = arith.constant 2.000000e+00 : f32
    %mul3A_132 = vector.broadcast %mul3A_131 : f32 to vector<1x40xf32>
    %mul3A_133 = arith.mulf %mul3A_132, %convert_element_type3A_130 : vector<1x40xf32>
    %add3A_134 = arith.addf %add3A_93, %mul3A_133 : vector<1x40xf32>
    %add3A_135 = arith.addf %add3A_94, %mul3A_122 : f32
    %eq3A_136 = arith.constant 3 : i32
    %eq3A_137 = vector.broadcast %eq3A_136 : i32 to vector<32x128xi32>
    %eq3A_138 = arith.cmpi eq, %get3A_1, %eq3A_137 : vector<32x128xi32>
    %convert_element_type3A_139 = arith.extui %eq3A_138 : vector<32x128xi1> to vector<32x128xi32>
    %convert_element_type3A_140 = arith.sitofp %convert_element_type3A_139 : vector<32x128xi32> to vector<32x128xf32>
    %dot_general3A_141 = arith.constant dense<0.000000e+00> : vector<32x128xf32>
    %dot_general3A_142 = tpu.matmul %convert_element_type3A_140, %convert_element_type3A_3, %dot_general3A_141 {dimension_numbers = #tpu.dot_dimension_numbers<[1], [0], [0], [1], [0, 0, 1, 1], [], []>, transpose_lhs_hint = false} : vector<32x128xf32>, vector<128x128xf32>, vector<32x128xf32> -> vector<32x128xf32>
    %reduce_sum3A_143 = arith.constant dense<0.000000e+00> : vector<32xf32>
    %reduce_sum3A_144 = vector.multi_reduction <add>, %convert_element_type3A_140, %reduce_sum3A_143 [1] : vector<32x128xf32> to vector<32xf32>
    %broadcast_in_dim3A_145 = vector.shape_cast %reduce_sum3A_144 : vector<32xf32> to vector<32x1xf32>
    %dot_general3A_146 = arith.constant dense<0.000000e+00> : vector<32x1xf32>
    %dot_general3A_147 = tpu.matmul %convert_element_type3A_8, %broadcast_in_dim3A_145, %dot_general3A_146 {dimension_numbers = #tpu.dot_dimension_numbers<[1], [0], [0], [1], [0, 0, 1, 1], [], []>, transpose_lhs_hint = false} : vector<32x32xf32>, vector<32x1xf32>, vector<32x1xf32> -> vector<32x1xf32>
    %add3A_148 = vector.broadcast %dot_general3A_147 : vector<32x1xf32> to vector<32x128xf32>
    %add3A_149 = arith.addf %dot_general3A_142, %add3A_148 : vector<32x128xf32>
    %add3A_150 = vector.broadcast %add3A_135 : f32 to vector<32x128xf32>
    %add3A_151 = arith.addf %add3A_149, %add3A_150 : vector<32x128xf32>
    %mul3A_152 = arith.mulf %convert_element_type3A_140, %add3A_151 : vector<32x128xf32>
    %add3A_153 = arith.addf %add3A_112, %mul3A_152 : vector<32x128xf32>
    %reduce_sum3A_154 = vector.shape_cast %convert_element_type3A_140 : vector<32x128xf32> to vector<1x32x128xf32>
    %reduce_sum3A_155 = arith.constant dense<0.000000e+00> : vector<1xf32>
    %reduce_sum3A_156 = vector.multi_reduction <add>, %reduce_sum3A_154, %reduce_sum3A_155 [1, 2] : vector<1x32x128xf32> to vector<1xf32>
    %reduce_sum3A_157 = vector.shape_cast %reduce_sum3A_156 : vector<1xf32> to vector<1x1x1xf32>
    %reduce_sum3A_158 = vector.extract %reduce_sum3A_157[0, 0, 0] : f32 from vector<1x1x1xf32>
    %mul3A_159 = arith.constant 7.812500e-03 : f32
    %mul3A_160 = arith.mulf %reduce_sum3A_158, %mul3A_159 : f32
    %ceil3A_161 = math.ceil %mul3A_160 : f32
    %mul3A_162 = arith.constant 1.280000e+02 : f32
    %mul3A_163 = arith.mulf %ceil3A_161, %mul3A_162 : f32
    %ge3A_164 = vector.broadcast %add3A_135 : f32 to vector<1x40xf32>
    %ge3A_165 = arith.cmpf oge, %convert_element_type3A_13, %ge3A_164 : vector<1x40xf32>
    %add3A_166 = arith.addf %add3A_135, %mul3A_163 : f32
    %lt3A_167 = vector.broadcast %add3A_166 : f32 to vector<1x40xf32>
    %lt3A_168 = arith.cmpf olt, %convert_element_type3A_13, %lt3A_167 : vector<1x40xf32>
    %and3A_169 = arith.andi %ge3A_165, %lt3A_168 : vector<1x40xi1>
    %convert_element_type3A_170 = arith.extui %and3A_169 : vector<1x40xi1> to vector<1x40xi32>
    %convert_element_type3A_171 = arith.sitofp %convert_element_type3A_170 : vector<1x40xi32> to vector<1x40xf32>
    %mul3A_172 = arith.constant 3.000000e+00 : f32
    %mul3A_173 = vector.broadcast %mul3A_172 : f32 to vector<1x40xf32>
    %mul3A_174 = arith.mulf %mul3A_173, %convert_element_type3A_171 : vector<1x40xf32>
    %add3A_175 = arith.addf %add3A_134, %mul3A_174 : vector<1x40xf32>
    %add3A_176 = arith.addf %add3A_135, %mul3A_163 : f32
    %eq3A_177 = arith.constant 4 : i32
    %eq3A_178 = vector.broadcast %eq3A_177 : i32 to vector<32x128xi32>
    %eq3A_179 = arith.cmpi eq, %get3A_1, %eq3A_178 : vector<32x128xi32>
    %convert_element_type3A_180 = arith.extui %eq3A_179 : vector<32x128xi1> to vector<32x128xi32>
    %convert_element_type3A_181 = arith.sitofp %convert_element_type3A_180 : vector<32x128xi32> to vector<32x128xf32>
    %dot_general3A_182 = arith.constant dense<0.000000e+00> : vector<32x128xf32>
    %dot_general3A_183 = tpu.matmul %convert_element_type3A_181, %convert_element_type3A_3, %dot_general3A_182 {dimension_numbers = #tpu.dot_dimension_numbers<[1], [0], [0], [1], [0, 0, 1, 1], [], []>, transpose_lhs_hint = false} : vector<32x128xf32>, vector<128x128xf32>, vector<32x128xf32> -> vector<32x128xf32>
    %reduce_sum3A_184 = arith.constant dense<0.000000e+00> : vector<32xf32>
    %reduce_sum3A_185 = vector.multi_reduction <add>, %convert_element_type3A_181, %reduce_sum3A_184 [1] : vector<32x128xf32> to vector<32xf32>
    %broadcast_in_dim3A_186 = vector.shape_cast %reduce_sum3A_185 : vector<32xf32> to vector<32x1xf32>
    %dot_general3A_187 = arith.constant dense<0.000000e+00> : vector<32x1xf32>
    %dot_general3A_188 = tpu.matmul %convert_element_type3A_8, %broadcast_in_dim3A_186, %dot_general3A_187 {dimension_numbers = #tpu.dot_dimension_numbers<[1], [0], [0], [1], [0, 0, 1, 1], [], []>, transpose_lhs_hint = false} : vector<32x32xf32>, vector<32x1xf32>, vector<32x1xf32> -> vector<32x1xf32>
    %add3A_189 = vector.broadcast %dot_general3A_188 : vector<32x1xf32> to vector<32x128xf32>
    %add3A_190 = arith.addf %dot_general3A_183, %add3A_189 : vector<32x128xf32>
    %add3A_191 = vector.broadcast %add3A_176 : f32 to vector<32x128xf32>
    %add3A_192 = arith.addf %add3A_190, %add3A_191 : vector<32x128xf32>
    %mul3A_193 = arith.mulf %convert_element_type3A_181, %add3A_192 : vector<32x128xf32>
    %add3A_194 = arith.addf %add3A_153, %mul3A_193 : vector<32x128xf32>
    %reduce_sum3A_195 = vector.shape_cast %convert_element_type3A_181 : vector<32x128xf32> to vector<1x32x128xf32>
    %reduce_sum3A_196 = arith.constant dense<0.000000e+00> : vector<1xf32>
    %reduce_sum3A_197 = vector.multi_reduction <add>, %reduce_sum3A_195, %reduce_sum3A_196 [1, 2] : vector<1x32x128xf32> to vector<1xf32>
    %reduce_sum3A_198 = vector.shape_cast %reduce_sum3A_197 : vector<1xf32> to vector<1x1x1xf32>
    %reduce_sum3A_199 = vector.extract %reduce_sum3A_198[0, 0, 0] : f32 from vector<1x1x1xf32>
    %mul3A_200 = arith.constant 7.812500e-03 : f32
    %mul3A_201 = arith.mulf %reduce_sum3A_199, %mul3A_200 : f32
    %ceil3A_202 = math.ceil %mul3A_201 : f32
    %mul3A_203 = arith.constant 1.280000e+02 : f32
    %mul3A_204 = arith.mulf %ceil3A_202, %mul3A_203 : f32
    %ge3A_205 = vector.broadcast %add3A_176 : f32 to vector<1x40xf32>
    %ge3A_206 = arith.cmpf oge, %convert_element_type3A_13, %ge3A_205 : vector<1x40xf32>
    %add3A_207 = arith.addf %add3A_176, %mul3A_204 : f32
    %lt3A_208 = vector.broadcast %add3A_207 : f32 to vector<1x40xf32>
    %lt3A_209 = arith.cmpf olt, %convert_element_type3A_13, %lt3A_208 : vector<1x40xf32>
    %and3A_210 = arith.andi %ge3A_206, %lt3A_209 : vector<1x40xi1>
    %convert_element_type3A_211 = arith.extui %and3A_210 : vector<1x40xi1> to vector<1x40xi32>
    %convert_element_type3A_212 = arith.sitofp %convert_element_type3A_211 : vector<1x40xi32> to vector<1x40xf32>
    %mul3A_213 = arith.constant 4.000000e+00 : f32
    %mul3A_214 = vector.broadcast %mul3A_213 : f32 to vector<1x40xf32>
    %mul3A_215 = arith.mulf %mul3A_214, %convert_element_type3A_212 : vector<1x40xf32>
    %add3A_216 = arith.addf %add3A_175, %mul3A_215 : vector<1x40xf32>
    %add3A_217 = arith.addf %add3A_176, %mul3A_204 : f32
    %eq3A_218 = arith.constant 5 : i32
    %eq3A_219 = vector.broadcast %eq3A_218 : i32 to vector<32x128xi32>
    %eq3A_220 = arith.cmpi eq, %get3A_1, %eq3A_219 : vector<32x128xi32>
    %convert_element_type3A_221 = arith.extui %eq3A_220 : vector<32x128xi1> to vector<32x128xi32>
    %convert_element_type3A_222 = arith.sitofp %convert_element_type3A_221 : vector<32x128xi32> to vector<32x128xf32>
    %dot_general3A_223 = arith.constant dense<0.000000e+00> : vector<32x128xf32>
    %dot_general3A_224 = tpu.matmul %convert_element_type3A_222, %convert_element_type3A_3, %dot_general3A_223 {dimension_numbers = #tpu.dot_dimension_numbers<[1], [0], [0], [1], [0, 0, 1, 1], [], []>, transpose_lhs_hint = false} : vector<32x128xf32>, vector<128x128xf32>, vector<32x128xf32> -> vector<32x128xf32>
    %reduce_sum3A_225 = arith.constant dense<0.000000e+00> : vector<32xf32>
    %reduce_sum3A_226 = vector.multi_reduction <add>, %convert_element_type3A_222, %reduce_sum3A_225 [1] : vector<32x128xf32> to vector<32xf32>
    %broadcast_in_dim3A_227 = vector.shape_cast %reduce_sum3A_226 : vector<32xf32> to vector<32x1xf32>
    %dot_general3A_228 = arith.constant dense<0.000000e+00> : vector<32x1xf32>
    %dot_general3A_229 = tpu.matmul %convert_element_type3A_8, %broadcast_in_dim3A_227, %dot_general3A_228 {dimension_numbers = #tpu.dot_dimension_numbers<[1], [0], [0], [1], [0, 0, 1, 1], [], []>, transpose_lhs_hint = false} : vector<32x32xf32>, vector<32x1xf32>, vector<32x1xf32> -> vector<32x1xf32>
    %add3A_230 = vector.broadcast %dot_general3A_229 : vector<32x1xf32> to vector<32x128xf32>
    %add3A_231 = arith.addf %dot_general3A_224, %add3A_230 : vector<32x128xf32>
    %add3A_232 = vector.broadcast %add3A_217 : f32 to vector<32x128xf32>
    %add3A_233 = arith.addf %add3A_231, %add3A_232 : vector<32x128xf32>
    %mul3A_234 = arith.mulf %convert_element_type3A_222, %add3A_233 : vector<32x128xf32>
    %add3A_235 = arith.addf %add3A_194, %mul3A_234 : vector<32x128xf32>
    %reduce_sum3A_236 = vector.shape_cast %convert_element_type3A_222 : vector<32x128xf32> to vector<1x32x128xf32>
    %reduce_sum3A_237 = arith.constant dense<0.000000e+00> : vector<1xf32>
    %reduce_sum3A_238 = vector.multi_reduction <add>, %reduce_sum3A_236, %reduce_sum3A_237 [1, 2] : vector<1x32x128xf32> to vector<1xf32>
    %reduce_sum3A_239 = vector.shape_cast %reduce_sum3A_238 : vector<1xf32> to vector<1x1x1xf32>
    %reduce_sum3A_240 = vector.extract %reduce_sum3A_239[0, 0, 0] : f32 from vector<1x1x1xf32>
    %mul3A_241 = arith.constant 7.812500e-03 : f32
    %mul3A_242 = arith.mulf %reduce_sum3A_240, %mul3A_241 : f32
    %ceil3A_243 = math.ceil %mul3A_242 : f32
    %mul3A_244 = arith.constant 1.280000e+02 : f32
    %mul3A_245 = arith.mulf %ceil3A_243, %mul3A_244 : f32
    %ge3A_246 = vector.broadcast %add3A_217 : f32 to vector<1x40xf32>
    %ge3A_247 = arith.cmpf oge, %convert_element_type3A_13, %ge3A_246 : vector<1x40xf32>
    %add3A_248 = arith.addf %add3A_217, %mul3A_245 : f32
    %lt3A_249 = vector.broadcast %add3A_248 : f32 to vector<1x40xf32>
    %lt3A_250 = arith.cmpf olt, %convert_element_type3A_13, %lt3A_249 : vector<1x40xf32>
    %and3A_251 = arith.andi %ge3A_247, %lt3A_250 : vector<1x40xi1>
    %convert_element_type3A_252 = arith.extui %and3A_251 : vector<1x40xi1> to vector<1x40xi32>
    %convert_element_type3A_253 = arith.sitofp %convert_element_type3A_252 : vector<1x40xi32> to vector<1x40xf32>
    %mul3A_254 = arith.constant 5.000000e+00 : f32
    %mul3A_255 = vector.broadcast %mul3A_254 : f32 to vector<1x40xf32>
    %mul3A_256 = arith.mulf %mul3A_255, %convert_element_type3A_253 : vector<1x40xf32>
    %add3A_257 = arith.addf %add3A_216, %mul3A_256 : vector<1x40xf32>
    %add3A_258 = arith.addf %add3A_217, %mul3A_245 : f32
    %eq3A_259 = arith.constant 6 : i32
    %eq3A_260 = vector.broadcast %eq3A_259 : i32 to vector<32x128xi32>
    %eq3A_261 = arith.cmpi eq, %get3A_1, %eq3A_260 : vector<32x128xi32>
    %convert_element_type3A_262 = arith.extui %eq3A_261 : vector<32x128xi1> to vector<32x128xi32>
    %convert_element_type3A_263 = arith.sitofp %convert_element_type3A_262 : vector<32x128xi32> to vector<32x128xf32>
    %dot_general3A_264 = arith.constant dense<0.000000e+00> : vector<32x128xf32>
    %dot_general3A_265 = tpu.matmul %convert_element_type3A_263, %convert_element_type3A_3, %dot_general3A_264 {dimension_numbers = #tpu.dot_dimension_numbers<[1], [0], [0], [1], [0, 0, 1, 1], [], []>, transpose_lhs_hint = false} : vector<32x128xf32>, vector<128x128xf32>, vector<32x128xf32> -> vector<32x128xf32>
    %reduce_sum3A_266 = arith.constant dense<0.000000e+00> : vector<32xf32>
    %reduce_sum3A_267 = vector.multi_reduction <add>, %convert_element_type3A_263, %reduce_sum3A_266 [1] : vector<32x128xf32> to vector<32xf32>
    %broadcast_in_dim3A_268 = vector.shape_cast %reduce_sum3A_267 : vector<32xf32> to vector<32x1xf32>
    %dot_general3A_269 = arith.constant dense<0.000000e+00> : vector<32x1xf32>
    %dot_general3A_270 = tpu.matmul %convert_element_type3A_8, %broadcast_in_dim3A_268, %dot_general3A_269 {dimension_numbers = #tpu.dot_dimension_numbers<[1], [0], [0], [1], [0, 0, 1, 1], [], []>, transpose_lhs_hint = false} : vector<32x32xf32>, vector<32x1xf32>, vector<32x1xf32> -> vector<32x1xf32>
    %add3A_271 = vector.broadcast %dot_general3A_270 : vector<32x1xf32> to vector<32x128xf32>
    %add3A_272 = arith.addf %dot_general3A_265, %add3A_271 : vector<32x128xf32>
    %add3A_273 = vector.broadcast %add3A_258 : f32 to vector<32x128xf32>
    %add3A_274 = arith.addf %add3A_272, %add3A_273 : vector<32x128xf32>
    %mul3A_275 = arith.mulf %convert_element_type3A_263, %add3A_274 : vector<32x128xf32>
    %add3A_276 = arith.addf %add3A_235, %mul3A_275 : vector<32x128xf32>
    %reduce_sum3A_277 = vector.shape_cast %convert_element_type3A_263 : vector<32x128xf32> to vector<1x32x128xf32>
    %reduce_sum3A_278 = arith.constant dense<0.000000e+00> : vector<1xf32>
    %reduce_sum3A_279 = vector.multi_reduction <add>, %reduce_sum3A_277, %reduce_sum3A_278 [1, 2] : vector<1x32x128xf32> to vector<1xf32>
    %reduce_sum3A_280 = vector.shape_cast %reduce_sum3A_279 : vector<1xf32> to vector<1x1x1xf32>
    %reduce_sum3A_281 = vector.extract %reduce_sum3A_280[0, 0, 0] : f32 from vector<1x1x1xf32>
    %mul3A_282 = arith.constant 7.812500e-03 : f32
    %mul3A_283 = arith.mulf %reduce_sum3A_281, %mul3A_282 : f32
    %ceil3A_284 = math.ceil %mul3A_283 : f32
    %mul3A_285 = arith.constant 1.280000e+02 : f32
    %mul3A_286 = arith.mulf %ceil3A_284, %mul3A_285 : f32
    %ge3A_287 = vector.broadcast %add3A_258 : f32 to vector<1x40xf32>
    %ge3A_288 = arith.cmpf oge, %convert_element_type3A_13, %ge3A_287 : vector<1x40xf32>
    %add3A_289 = arith.addf %add3A_258, %mul3A_286 : f32
    %lt3A_290 = vector.broadcast %add3A_289 : f32 to vector<1x40xf32>
    %lt3A_291 = arith.cmpf olt, %convert_element_type3A_13, %lt3A_290 : vector<1x40xf32>
    %and3A_292 = arith.andi %ge3A_288, %lt3A_291 : vector<1x40xi1>
    %convert_element_type3A_293 = arith.extui %and3A_292 : vector<1x40xi1> to vector<1x40xi32>
    %convert_element_type3A_294 = arith.sitofp %convert_element_type3A_293 : vector<1x40xi32> to vector<1x40xf32>
    %mul3A_295 = arith.constant 6.000000e+00 : f32
    %mul3A_296 = vector.broadcast %mul3A_295 : f32 to vector<1x40xf32>
    %mul3A_297 = arith.mulf %mul3A_296, %convert_element_type3A_294 : vector<1x40xf32>
    %add3A_298 = arith.addf %add3A_257, %mul3A_297 : vector<1x40xf32>
    %add3A_299 = arith.addf %add3A_258, %mul3A_286 : f32
    %eq3A_300 = arith.constant 7 : i32
    %eq3A_301 = vector.broadcast %eq3A_300 : i32 to vector<32x128xi32>
    %eq3A_302 = arith.cmpi eq, %get3A_1, %eq3A_301 : vector<32x128xi32>
    %convert_element_type3A_303 = arith.extui %eq3A_302 : vector<32x128xi1> to vector<32x128xi32>
    %convert_element_type3A_304 = arith.sitofp %convert_element_type3A_303 : vector<32x128xi32> to vector<32x128xf32>
    %dot_general3A_305 = arith.constant dense<0.000000e+00> : vector<32x128xf32>
    %dot_general3A_306 = tpu.matmul %convert_element_type3A_304, %convert_element_type3A_3, %dot_general3A_305 {dimension_numbers = #tpu.dot_dimension_numbers<[1], [0], [0], [1], [0, 0, 1, 1], [], []>, transpose_lhs_hint = false} : vector<32x128xf32>, vector<128x128xf32>, vector<32x128xf32> -> vector<32x128xf32>
    %reduce_sum3A_307 = arith.constant dense<0.000000e+00> : vector<32xf32>
    %reduce_sum3A_308 = vector.multi_reduction <add>, %convert_element_type3A_304, %reduce_sum3A_307 [1] : vector<32x128xf32> to vector<32xf32>
    %broadcast_in_dim3A_309 = vector.shape_cast %reduce_sum3A_308 : vector<32xf32> to vector<32x1xf32>
    %dot_general3A_310 = arith.constant dense<0.000000e+00> : vector<32x1xf32>
    %dot_general3A_311 = tpu.matmul %convert_element_type3A_8, %broadcast_in_dim3A_309, %dot_general3A_310 {dimension_numbers = #tpu.dot_dimension_numbers<[1], [0], [0], [1], [0, 0, 1, 1], [], []>, transpose_lhs_hint = false} : vector<32x32xf32>, vector<32x1xf32>, vector<32x1xf32> -> vector<32x1xf32>
    %add3A_312 = vector.broadcast %dot_general3A_311 : vector<32x1xf32> to vector<32x128xf32>
    %add3A_313 = arith.addf %dot_general3A_306, %add3A_312 : vector<32x128xf32>
    %add3A_314 = vector.broadcast %add3A_299 : f32 to vector<32x128xf32>
    %add3A_315 = arith.addf %add3A_313, %add3A_314 : vector<32x128xf32>
    %mul3A_316 = arith.mulf %convert_element_type3A_304, %add3A_315 : vector<32x128xf32>
    %add3A_317 = arith.addf %add3A_276, %mul3A_316 : vector<32x128xf32>
    %reduce_sum3A_318 = vector.shape_cast %convert_element_type3A_304 : vector<32x128xf32> to vector<1x32x128xf32>
    %reduce_sum3A_319 = arith.constant dense<0.000000e+00> : vector<1xf32>
    %reduce_sum3A_320 = vector.multi_reduction <add>, %reduce_sum3A_318, %reduce_sum3A_319 [1, 2] : vector<1x32x128xf32> to vector<1xf32>
    %reduce_sum3A_321 = vector.shape_cast %reduce_sum3A_320 : vector<1xf32> to vector<1x1x1xf32>
    %reduce_sum3A_322 = vector.extract %reduce_sum3A_321[0, 0, 0] : f32 from vector<1x1x1xf32>
    %mul3A_323 = arith.constant 7.812500e-03 : f32
    %mul3A_324 = arith.mulf %reduce_sum3A_322, %mul3A_323 : f32
    %ceil3A_325 = math.ceil %mul3A_324 : f32
    %mul3A_326 = arith.constant 1.280000e+02 : f32
    %mul3A_327 = arith.mulf %ceil3A_325, %mul3A_326 : f32
    %ge3A_328 = vector.broadcast %add3A_299 : f32 to vector<1x40xf32>
    %ge3A_329 = arith.cmpf oge, %convert_element_type3A_13, %ge3A_328 : vector<1x40xf32>
    %add3A_330 = arith.addf %add3A_299, %mul3A_327 : f32
    %lt3A_331 = vector.broadcast %add3A_330 : f32 to vector<1x40xf32>
    %lt3A_332 = arith.cmpf olt, %convert_element_type3A_13, %lt3A_331 : vector<1x40xf32>
    %and3A_333 = arith.andi %ge3A_329, %lt3A_332 : vector<1x40xi1>
    %convert_element_type3A_334 = arith.extui %and3A_333 : vector<1x40xi1> to vector<1x40xi32>
    %convert_element_type3A_335 = arith.sitofp %convert_element_type3A_334 : vector<1x40xi32> to vector<1x40xf32>
    %mul3A_336 = arith.constant 7.000000e+00 : f32
    %mul3A_337 = vector.broadcast %mul3A_336 : f32 to vector<1x40xf32>
    %mul3A_338 = arith.mulf %mul3A_337, %convert_element_type3A_335 : vector<1x40xf32>
    %add3A_339 = arith.addf %add3A_298, %mul3A_338 : vector<1x40xf32>
    %convert_element_type3A_340 = arith.fptosi %add3A_317 : vector<32x128xf32> to vector<32x128xi32>
    %swap3A = arith.constant 0 : index
    %swap3A_341 = arith.constant 0 : index
    %swap3A_342 = vector.load %arg2[%swap3A, %swap3A_341] : memref<32x128xi32, #tpu.memory_space<vmem>>, vector<32x128xi32>
    tpu.vector_store %arg2[%swap3A, %swap3A_341], %convert_element_type3A_340 {strides = array<i32>} : memref<32x128xi32, #tpu.memory_space<vmem>>, vector<32x128xi32>,
    %convert_element_type3A_343 = arith.fptosi %add3A_339 : vector<1x40xf32> to vector<1x40xi32>
    %swap3A_344 = arith.constant 0 : index
    %swap3A_345 = arith.constant 0 : index
    %swap3A_346 = vector.load %arg3[%swap3A_344, %swap3A_345] : memref<1x40xi32, #tpu.memory_space<vmem>>, vector<1x40xi32>
    tpu.vector_store %arg3[%swap3A_344, %swap3A_345], %convert_element_type3A_343 {strides = array<i32>} : memref<1x40xi32, #tpu.memory_space<vmem>>, vector<1x40xi32>,
    return
  }
  func.func @transform_0(%arg0: i32) -> (i32, i32) {
    %c0_i32 = arith.constant 0 : i32
    %c0_i32_0 = arith.constant 0 : i32
    %c0_i32_1 = arith.constant 0 : i32
    return %c0_i32, %c0_i32_0 : i32, i32
  }
  func.func @transform_1(%arg0: i32) -> (i32, i32) {
    %c0_i32 = arith.constant 0 : i32
    %c0_i32_0 = arith.constant 0 : i32
    %c0_i32_1 = arith.constant 0 : i32
    return %c0_i32, %c0_i32_0 : i32, i32
  }
  func.func @transform_2(%arg0: i32) -> (i32, i32) {
    %c0_i32 = arith.constant 0 : i32
    %c0_i32_0 = arith.constant 0 : i32
    %c0_i32_1 = arith.constant 0 : i32
    return %c0_i32, %c0_i32_0 : i32, i32
  }
}

module attributes {stable_mosaic.version = 14 : i64} {
  func.func @_expert_body(%arg0: i32, %arg1: memref<40xi32, #tpu.memory_space<smem>>, %arg2: memref<128x768xf32, #tpu.memory_space<vmem>>, %arg3: memref<1x768x768xf32, #tpu.memory_space<vmem>>, %arg4: memref<1x1x768xf32, #tpu.memory_space<vmem>>, %arg5: memref<1x768x768xf32, #tpu.memory_space<vmem>>, %arg6: memref<128x768xf32, #tpu.memory_space<vmem>>) attributes {dimension_semantics = [#tpu.dimension_semantics<arbitrary>], iteration_bounds = array<i64: 40>, scalar_prefetch = 1 : i64, scratch_operands = 0 : i64, tpu.core_type = #tpu.core_type<tc>, window_params = [{transform_indices = @transform_0, window_bounds = array<i64: 128, 768>}, {transform_indices = @transform_1, window_bounds = array<i64: 1, 768, 768>}, {transform_indices = @transform_2, window_bounds = array<i64: 1, 1, 768>}, {transform_indices = @transform_3, window_bounds = array<i64: 1, 768, 768>}, {transform_indices = @transform_4, window_bounds = array<i64: 128, 768>}]} {
    %get3A = arith.constant 0 : index
    %get3A_0 = arith.constant 0 : index
    %get3A_1 = vector.load %arg2[%get3A, %get3A_0] : memref<128x768xf32, #tpu.memory_space<vmem>>, vector<128x768xf32>
    %get3A_2 = arith.constant 0 : index
    %get3A_3 = arith.constant 0 : index
    %get3A_4 = arith.constant 0 : index
    %get3A_5 = vector.load %arg3[%get3A_2, %get3A_3, %get3A_4] : memref<1x768x768xf32, #tpu.memory_space<vmem>>, vector<1x768x768xf32>
    %get3A_6 = vector.shape_cast %get3A_5 : vector<1x768x768xf32> to vector<768x768xf32>
    %dot_general3A = arith.constant dense<0.000000e+00> : vector<128x768xf32>
    %dot_general3A_7 = tpu.matmul %get3A_1, %get3A_6, %dot_general3A {dimension_numbers = #tpu.dot_dimension_numbers<[1], [1], [0], [0], [0, 0, 1, 0], [], []>, transpose_lhs_hint = false} : vector<128x768xf32>, vector<768x768xf32>, vector<128x768xf32> -> vector<128x768xf32>
    %get3A_8 = arith.constant 0 : index
    %get3A_9 = arith.constant 0 : index
    %get3A_10 = arith.constant 0 : index
    %get3A_11 = vector.load %arg4[%get3A_8, %get3A_9, %get3A_10] : memref<1x1x768xf32, #tpu.memory_space<vmem>>, vector<1x1x768xf32>
    %get3A_12 = vector.shape_cast %get3A_11 : vector<1x1x768xf32> to vector<1x768xf32>
    %add3A = vector.broadcast %get3A_12 : vector<1x768xf32> to vector<128x768xf32>
    %add3A_13 = arith.addf %dot_general3A_7, %add3A : vector<128x768xf32>
    %mul3A = arith.constant 5.000000e-01 : f32
    %mul3A_14 = vector.broadcast %mul3A : f32 to vector<128x768xf32>
    %mul3A_15 = arith.mulf %add3A_13, %mul3A_14 : vector<128x768xf32>
    %mul3A_16 = arith.constant 0.707106769 : f32
    %mul3A_17 = vector.broadcast %mul3A_16 : f32 to vector<128x768xf32>
    %mul3A_18 = arith.mulf %add3A_13, %mul3A_17 : vector<128x768xf32>
    %erf3A = math.erf %mul3A_18 : vector<128x768xf32>
    %add3A_19 = arith.constant 1.000000e+00 : f32
    %add3A_20 = vector.broadcast %add3A_19 : f32 to vector<128x768xf32>
    %add3A_21 = arith.addf %add3A_20, %erf3A : vector<128x768xf32>
    %mul3A_22 = arith.mulf %mul3A_15, %add3A_21 : vector<128x768xf32>
    %get3A_23 = arith.constant 0 : index
    %get3A_24 = arith.constant 0 : index
    %get3A_25 = arith.constant 0 : index
    %get3A_26 = vector.load %arg5[%get3A_23, %get3A_24, %get3A_25] : memref<1x768x768xf32, #tpu.memory_space<vmem>>, vector<1x768x768xf32>
    %get3A_27 = vector.shape_cast %get3A_26 : vector<1x768x768xf32> to vector<768x768xf32>
    %dot_general3A_28 = arith.constant dense<0.000000e+00> : vector<128x768xf32>
    %dot_general3A_29 = tpu.matmul %mul3A_22, %get3A_27, %dot_general3A_28 {dimension_numbers = #tpu.dot_dimension_numbers<[1], [1], [0], [0], [0, 0, 1, 0], [], []>, transpose_lhs_hint = false} : vector<128x768xf32>, vector<768x768xf32>, vector<128x768xf32> -> vector<128x768xf32>
    %swap3A = arith.constant 0 : index
    %swap3A_30 = arith.constant 0 : index
    %swap3A_31 = vector.load %arg6[%swap3A, %swap3A_30] : memref<128x768xf32, #tpu.memory_space<vmem>>, vector<128x768xf32>
    tpu.vector_store %arg6[%swap3A, %swap3A_30], %dot_general3A_29 {strides = array<i32>} : memref<128x768xf32, #tpu.memory_space<vmem>>, vector<128x768xf32>,
    return
  }
  func.func @transform_0(%arg0: i32, %arg1: memref<40xi32, #tpu.memory_space<smem>>) -> (i32, i32) {
    %c0_i32 = arith.constant 0 : i32
    %c0_i32_0 = arith.constant 0 : i32
    return %arg0, %c0_i32 : i32, i32
  }
  func.func @transform_1(%arg0: i32, %arg1: memref<40xi32, #tpu.memory_space<smem>>) -> (i32, i32, i32) {
    %get3A = arith.index_cast %arg0 : i32 to index
    %get3A_0 = memref.load %arg1[%get3A] : memref<40xi32, #tpu.memory_space<smem>>
    %c0_i32 = arith.constant 0 : i32
    %c0_i32_1 = arith.constant 0 : i32
    %c0_i32_2 = arith.constant 0 : i32
    return %get3A_0, %c0_i32, %c0_i32_1 : i32, i32, i32
  }
  func.func @transform_2(%arg0: i32, %arg1: memref<40xi32, #tpu.memory_space<smem>>) -> (i32, i32, i32) {
    %get3A = arith.index_cast %arg0 : i32 to index
    %get3A_0 = memref.load %arg1[%get3A] : memref<40xi32, #tpu.memory_space<smem>>
    %c0_i32 = arith.constant 0 : i32
    %c0_i32_1 = arith.constant 0 : i32
    %c0_i32_2 = arith.constant 0 : i32
    return %get3A_0, %c0_i32, %c0_i32_1 : i32, i32, i32
  }
  func.func @transform_3(%arg0: i32, %arg1: memref<40xi32, #tpu.memory_space<smem>>) -> (i32, i32, i32) {
    %get3A = arith.index_cast %arg0 : i32 to index
    %get3A_0 = memref.load %arg1[%get3A] : memref<40xi32, #tpu.memory_space<smem>>
    %c0_i32 = arith.constant 0 : i32
    %c0_i32_1 = arith.constant 0 : i32
    %c0_i32_2 = arith.constant 0 : i32
    return %get3A_0, %c0_i32, %c0_i32_1 : i32, i32, i32
  }
  func.func @transform_4(%arg0: i32, %arg1: memref<40xi32, #tpu.memory_space<smem>>) -> (i32, i32) {
    %c0_i32 = arith.constant 0 : i32
    %c0_i32_0 = arith.constant 0 : i32
    return %arg0, %c0_i32 : i32, i32
  }
}

module attributes {stable_mosaic.version = 14 : i64} {
  func.func @_shared_body(%arg0: i32, %arg1: memref<256x768xf32, #tpu.memory_space<vmem>>, %arg2: memref<3072x768xf32, #tpu.memory_space<vmem>>, %arg3: memref<1x3072xf32, #tpu.memory_space<vmem>>, %arg4: memref<768x3072xf32, #tpu.memory_space<vmem>>, %arg5: memref<256x768xf32, #tpu.memory_space<vmem>>) attributes {dimension_semantics = [#tpu.dimension_semantics<arbitrary>], iteration_bounds = array<i64: 16>, scalar_prefetch = 0 : i64, scratch_operands = 0 : i64, tpu.core_type = #tpu.core_type<tc>, window_params = [{transform_indices = @transform_0, window_bounds = array<i64: 256, 768>}, {pipeline_mode = #tpu.pipeline_mode<synchronous>, transform_indices = @transform_1, window_bounds = array<i64: 3072, 768>}, {pipeline_mode = #tpu.pipeline_mode<synchronous>, transform_indices = @transform_2, window_bounds = array<i64: 1, 3072>}, {pipeline_mode = #tpu.pipeline_mode<synchronous>, transform_indices = @transform_3, window_bounds = array<i64: 768, 3072>}, {transform_indices = @transform_4, window_bounds = array<i64: 256, 768>}]} {
    %get3A = arith.constant 0 : index
    %get3A_0 = arith.constant 0 : index
    %get3A_1 = vector.load %arg1[%get3A, %get3A_0] : memref<256x768xf32, #tpu.memory_space<vmem>>, vector<256x768xf32>
    %get3A_2 = arith.constant 0 : index
    %get3A_3 = arith.constant 0 : index
    %get3A_4 = vector.load %arg2[%get3A_2, %get3A_3] : memref<3072x768xf32, #tpu.memory_space<vmem>>, vector<3072x768xf32>
    %dot_general3A = arith.constant dense<0.000000e+00> : vector<256x3072xf32>
    %dot_general3A_5 = tpu.matmul %get3A_1, %get3A_4, %dot_general3A {dimension_numbers = #tpu.dot_dimension_numbers<[1], [1], [0], [0], [0, 0, 1, 0], [], []>, transpose_lhs_hint = false} : vector<256x768xf32>, vector<3072x768xf32>, vector<256x3072xf32> -> vector<256x3072xf32>
    %get3A_6 = arith.constant 0 : index
    %get3A_7 = arith.constant 0 : index
    %get3A_8 = vector.load %arg3[%get3A_6, %get3A_7] : memref<1x3072xf32, #tpu.memory_space<vmem>>, vector<1x3072xf32>
    %add3A = vector.broadcast %get3A_8 : vector<1x3072xf32> to vector<256x3072xf32>
    %add3A_9 = arith.addf %dot_general3A_5, %add3A : vector<256x3072xf32>
    %mul3A = arith.constant 5.000000e-01 : f32
    %mul3A_10 = vector.broadcast %mul3A : f32 to vector<256x3072xf32>
    %mul3A_11 = arith.mulf %add3A_9, %mul3A_10 : vector<256x3072xf32>
    %mul3A_12 = arith.constant 0.707106769 : f32
    %mul3A_13 = vector.broadcast %mul3A_12 : f32 to vector<256x3072xf32>
    %mul3A_14 = arith.mulf %add3A_9, %mul3A_13 : vector<256x3072xf32>
    %erf3A = math.erf %mul3A_14 : vector<256x3072xf32>
    %add3A_15 = arith.constant 1.000000e+00 : f32
    %add3A_16 = vector.broadcast %add3A_15 : f32 to vector<256x3072xf32>
    %add3A_17 = arith.addf %add3A_16, %erf3A : vector<256x3072xf32>
    %mul3A_18 = arith.mulf %mul3A_11, %add3A_17 : vector<256x3072xf32>
    %get3A_19 = arith.constant 0 : index
    %get3A_20 = arith.constant 0 : index
    %get3A_21 = vector.load %arg4[%get3A_19, %get3A_20] : memref<768x3072xf32, #tpu.memory_space<vmem>>, vector<768x3072xf32>
    %dot_general3A_22 = arith.constant dense<0.000000e+00> : vector<256x768xf32>
    %dot_general3A_23 = tpu.matmul %mul3A_18, %get3A_21, %dot_general3A_22 {dimension_numbers = #tpu.dot_dimension_numbers<[1], [1], [0], [0], [0, 0, 1, 0], [], []>, transpose_lhs_hint = false} : vector<256x3072xf32>, vector<768x3072xf32>, vector<256x768xf32> -> vector<256x768xf32>
    %swap3A = arith.constant 0 : index
    %swap3A_24 = arith.constant 0 : index
    %swap3A_25 = vector.load %arg5[%swap3A, %swap3A_24] : memref<256x768xf32, #tpu.memory_space<vmem>>, vector<256x768xf32>
    tpu.vector_store %arg5[%swap3A, %swap3A_24], %dot_general3A_23 {strides = array<i32>} : memref<256x768xf32, #tpu.memory_space<vmem>>, vector<256x768xf32>,
    return
  }
  func.func @transform_0(%arg0: i32) -> (i32, i32) {
    %c0_i32 = arith.constant 0 : i32
    %c0_i32_0 = arith.constant 0 : i32
    return %arg0, %c0_i32 : i32, i32
  }
  func.func @transform_1(%arg0: i32) -> (i32, i32) {
    %c0_i32 = arith.constant 0 : i32
    %c0_i32_0 = arith.constant 0 : i32
    %c0_i32_1 = arith.constant 0 : i32
    return %c0_i32, %c0_i32_0 : i32, i32
  }
  func.func @transform_2(%arg0: i32) -> (i32, i32) {
    %c0_i32 = arith.constant 0 : i32
    %c0_i32_0 = arith.constant 0 : i32
    %c0_i32_1 = arith.constant 0 : i32
    return %c0_i32, %c0_i32_0 : i32, i32
  }
  func.func @transform_3(%arg0: i32) -> (i32, i32) {
    %c0_i32 = arith.constant 0 : i32
    %c0_i32_0 = arith.constant 0 : i32
    %c0_i32_1 = arith.constant 0 : i32
    return %c0_i32, %c0_i32_0 : i32, i32
  }
  func.func @transform_4(%arg0: i32) -> (i32, i32) {
    %c0_i32 = arith.constant 0 : i32
    %c0_i32_0 = arith.constant 0 : i32
    return %arg0, %c0_i32 : i32, i32
  }
}

module attributes {stable_mosaic.version = 14 : i64} {
  func.func @_combine_body(%arg0: i32, %arg1: memref<256x768xf32, #tpu.memory_space<vmem>>, %arg2: memref<256x768xf32, #tpu.memory_space<vmem>>, %arg3: memref<1x768xf32, #tpu.memory_space<vmem>>, %arg4: memref<1x1x256xf32, #tpu.memory_space<vmem>>, %arg5: memref<256x768xf32, #tpu.memory_space<vmem>>, %arg6: memref<1x768xf32, #tpu.memory_space<vmem>>, %arg7: memref<1x768xf32, #tpu.memory_space<vmem>>, %arg8: memref<256x768xf32, #tpu.memory_space<vmem>>) attributes {dimension_semantics = [#tpu.dimension_semantics<arbitrary>], iteration_bounds = array<i64: 16>, scalar_prefetch = 0 : i64, scratch_operands = 0 : i64, tpu.core_type = #tpu.core_type<tc>, window_params = [{transform_indices = @transform_0, window_bounds = array<i64: 256, 768>}, {transform_indices = @transform_1, window_bounds = array<i64: 256, 768>}, {pipeline_mode = #tpu.pipeline_mode<synchronous>, transform_indices = @transform_2, window_bounds = array<i64: 1, 768>}, {transform_indices = @transform_3, window_bounds = array<i64: 1, 1, 256>}, {transform_indices = @transform_4, window_bounds = array<i64: 256, 768>}, {pipeline_mode = #tpu.pipeline_mode<synchronous>, transform_indices = @transform_5, window_bounds = array<i64: 1, 768>}, {pipeline_mode = #tpu.pipeline_mode<synchronous>, transform_indices = @transform_6, window_bounds = array<i64: 1, 768>}, {transform_indices = @transform_7, window_bounds = array<i64: 256, 768>}]} {
    %get3A = arith.constant 0 : index
    %get3A_0 = arith.constant 0 : index
    %get3A_1 = vector.load %arg5[%get3A, %get3A_0] : memref<256x768xf32, #tpu.memory_space<vmem>>, vector<256x768xf32>
    %get3A_2 = arith.constant 0 : index
    %get3A_3 = arith.constant 0 : index
    %get3A_4 = vector.load %arg1[%get3A_2, %get3A_3] : memref<256x768xf32, #tpu.memory_space<vmem>>, vector<256x768xf32>
    %get3A_5 = arith.constant 0 : index
    %get3A_6 = arith.constant 0 : index
    %get3A_7 = vector.load %arg2[%get3A_5, %get3A_6] : memref<256x768xf32, #tpu.memory_space<vmem>>, vector<256x768xf32>
    %add3A = arith.addf %get3A_4, %get3A_7 : vector<256x768xf32>
    %get3A_8 = arith.constant 0 : index
    %get3A_9 = arith.constant 0 : index
    %get3A_10 = vector.load %arg3[%get3A_8, %get3A_9] : memref<1x768xf32, #tpu.memory_space<vmem>>, vector<1x768xf32>
    %add3A_11 = vector.broadcast %get3A_10 : vector<1x768xf32> to vector<256x768xf32>
    %add3A_12 = arith.addf %add3A, %add3A_11 : vector<256x768xf32>
    %get3A_13 = arith.constant 0 : index
    %get3A_14 = arith.constant 0 : index
    %get3A_15 = arith.constant 0 : index
    %get3A_16 = vector.load %arg4[%get3A_13, %get3A_14, %get3A_15] : memref<1x1x256xf32, #tpu.memory_space<vmem>>, vector<1x1x256xf32>
    %get3A_17 = vector.shape_cast %get3A_16 : vector<1x1x256xf32> to vector<256xf32>
    %broadcast_in_dim3A = vector.shape_cast %get3A_17 : vector<256xf32> to vector<256x1xf32>
    %mul3A = vector.broadcast %broadcast_in_dim3A : vector<256x1xf32> to vector<256x768xf32>
    %mul3A_18 = arith.mulf %add3A_12, %mul3A : vector<256x768xf32>
    %add3A_19 = arith.addf %mul3A_18, %get3A_1 : vector<256x768xf32>
    %get3A_20 = arith.constant 0 : index
    %get3A_21 = arith.constant 0 : index
    %get3A_22 = vector.load %arg6[%get3A_20, %get3A_21] : memref<1x768xf32, #tpu.memory_space<vmem>>, vector<1x768xf32>
    %get3A_23 = arith.constant 0 : index
    %get3A_24 = arith.constant 0 : index
    %get3A_25 = vector.load %arg7[%get3A_23, %get3A_24] : memref<1x768xf32, #tpu.memory_space<vmem>>, vector<1x768xf32>
    %reduce_sum3A = arith.constant dense<0.000000e+00> : vector<256xf32>
    %reduce_sum3A_26 = vector.multi_reduction <add>, %add3A_19, %reduce_sum3A [1] : vector<256x768xf32> to vector<256xf32>
    %broadcast_in_dim3A_27 = vector.shape_cast %reduce_sum3A_26 : vector<256xf32> to vector<256x1xf32>
    %div3A = arith.constant 7.680000e+02 : f32
    %div3A_28 = vector.broadcast %div3A : f32 to vector<256x1xf32>
    %div3A_29 = arith.divf %broadcast_in_dim3A_27, %div3A_28 : vector<256x1xf32>
    %sub3A = vector.broadcast %div3A_29 : vector<256x1xf32> to vector<256x768xf32>
    %sub3A_30 = arith.subf %add3A_19, %sub3A : vector<256x768xf32>
    %integer_pow3A = arith.mulf %sub3A_30, %sub3A_30 : vector<256x768xf32>
    %reduce_sum3A_31 = arith.constant dense<0.000000e+00> : vector<256xf32>
    %reduce_sum3A_32 = vector.multi_reduction <add>, %integer_pow3A, %reduce_sum3A_31 [1] : vector<256x768xf32> to vector<256xf32>
    %broadcast_in_dim3A_33 = vector.shape_cast %reduce_sum3A_32 : vector<256xf32> to vector<256x1xf32>
    %div3A_34 = arith.constant 7.680000e+02 : f32
    %div3A_35 = vector.broadcast %div3A_34 : f32 to vector<256x1xf32>
    %div3A_36 = arith.divf %broadcast_in_dim3A_33, %div3A_35 : vector<256x1xf32>
    %sub3A_37 = vector.broadcast %div3A_29 : vector<256x1xf32> to vector<256x768xf32>
    %sub3A_38 = arith.subf %add3A_19, %sub3A_37 : vector<256x768xf32>
    %add3A_39 = arith.constant 9.99999974E-6 : f32
    %add3A_40 = vector.broadcast %add3A_39 : f32 to vector<256x1xf32>
    %add3A_41 = arith.addf %div3A_36, %add3A_40 : vector<256x1xf32>
    %sqrt3A = math.sqrt %add3A_41 : vector<256x1xf32>
    %div3A_42 = vector.broadcast %sqrt3A : vector<256x1xf32> to vector<256x768xf32>
    %div3A_43 = arith.divf %sub3A_38, %div3A_42 : vector<256x768xf32>
    %mul3A_44 = vector.broadcast %get3A_22 : vector<1x768xf32> to vector<256x768xf32>
    %mul3A_45 = arith.mulf %div3A_43, %mul3A_44 : vector<256x768xf32>
    %add3A_46 = vector.broadcast %get3A_25 : vector<1x768xf32> to vector<256x768xf32>
    %add3A_47 = arith.addf %mul3A_45, %add3A_46 : vector<256x768xf32>
    %swap3A = arith.constant 0 : index
    %swap3A_48 = arith.constant 0 : index
    %swap3A_49 = vector.load %arg8[%swap3A, %swap3A_48] : memref<256x768xf32, #tpu.memory_space<vmem>>, vector<256x768xf32>
    tpu.vector_store %arg8[%swap3A, %swap3A_48], %add3A_47 {strides = array<i32>} : memref<256x768xf32, #tpu.memory_space<vmem>>, vector<256x768xf32>,
    return
  }
  func.func @transform_0(%arg0: i32) -> (i32, i32) {
    %c0_i32 = arith.constant 0 : i32
    %c0_i32_0 = arith.constant 0 : i32
    return %arg0, %c0_i32 : i32, i32
  }
  func.func @transform_1(%arg0: i32) -> (i32, i32) {
    %c0_i32 = arith.constant 0 : i32
    %c0_i32_0 = arith.constant 0 : i32
    return %arg0, %c0_i32 : i32, i32
  }
  func.func @transform_2(%arg0: i32) -> (i32, i32) {
    %c0_i32 = arith.constant 0 : i32
    %c0_i32_0 = arith.constant 0 : i32
    %c0_i32_1 = arith.constant 0 : i32
    return %c0_i32, %c0_i32_0 : i32, i32
  }
  func.func @transform_3(%arg0: i32) -> (i32, i32, i32) {
    %c0_i32 = arith.constant 0 : i32
    %c0_i32_0 = arith.constant 0 : i32
    %c0_i32_1 = arith.constant 0 : i32
    return %arg0, %c0_i32, %c0_i32_0 : i32, i32, i32
  }
  func.func @transform_4(%arg0: i32) -> (i32, i32) {
    %c0_i32 = arith.constant 0 : i32
    %c0_i32_0 = arith.constant 0 : i32
    return %arg0, %c0_i32 : i32, i32
  }
  func.func @transform_5(%arg0: i32) -> (i32, i32) {
    %c0_i32 = arith.constant 0 : i32
    %c0_i32_0 = arith.constant 0 : i32
    %c0_i32_1 = arith.constant 0 : i32
    return %c0_i32, %c0_i32_0 : i32, i32
  }
  func.func @transform_6(%arg0: i32) -> (i32, i32) {
    %c0_i32 = arith.constant 0 : i32
    %c0_i32_0 = arith.constant 0 : i32
    %c0_i32_1 = arith.constant 0 : i32
    return %c0_i32, %c0_i32_0 : i32, i32
  }
  func.func @transform_7(%arg0: i32) -> (i32, i32) {
    %c0_i32 = arith.constant 0 : i32
    %c0_i32_0 = arith.constant 0 : i32
    return %arg0, %c0_i32 : i32, i32
  }
}

</mosaic_0001>

<sc_bundles>
// kernel: kernel.12.cloned.1.call-start
scs
__scs_entry_jumppad:
0x0: {  	(pc) =	sbr.rel $0x88, $3  }
0x1: {  	(tag) =	ssettag $0x0;
	lr =	simm.s32 $0x1  }
0x2: {  	[smem:$0x3F8A] =	sst lr;
	_ =	strace $0xD0000000  }
0x3: {  	_ = 	snop  }
0x4: {  	_ = 	snop  }
0x5: {  	_ = 	snop  }
0x6: {  	_ = 	snop  }
0x7: {  	_ = 	snop  }
__scs_overlays_trampoline_lowered:
0x8: {  	[smem:$0x3F99] =	sst s0  }
0x9: {  	[smem:$0x3F9A] =	sst s1  }
0xa: {  	[smem:$0x3F9B] =	sst s2  }
0xb: {  	[smem:$0x3F9C] =	sst s3  }
0xc: {  	[smem:$0x3F9D] =	sst s4  }
0xd: {  	[smem:$0x3F9E] =	sst s5  }
0xe: {  	[smem:$0x3F9F] =	sst s6  }
0xf: {  	[smem:$0x3FA0] =	sst s7  }
0x10: {  	[smem:$0x3FA1] =	sst s8  }
0x11: {  	[smem:$0x3FA2] =	sst s9;
	s0 =	simm.s32 @!p0 $0x0  }
0x12: {  	s1 =	sld [smem:$0x3F88];
	s0 =	simm.s32 @p0 $0x1  }
0x13: {  	[smem:$0x3FA3] =	sst s0;
	s0 =	simm.s32 @!p1 $0x0  }
0x14: {  	s2 =	sld [smem:$0x3F87];
	s0 =	simm.s32 @p1 $0x1  }
0x15: {  	[smem:$0x3FA4] =	sst s0;
	s0 =	simm.s32 @!p2 $0x0  }
0x16: {  	s3 =	sld [smem:$0x3FDB];
	s0 =	simm.s32 @p2 $0x1  }
0x17: {  	s4 =	simm.s32 $0x1BF5;
	[smem:$0x3FA6] =	sst s0  }
0x18: {  	s0 =	sld [smem:$0x3F89];
	_ =	swait.ge [sflag:s4], $0x0  }
0x19: {  	s7 =	sld [smem:$0x3F8A]  }
0x1a: {  	s8 =	sadd.s32 $0xFFFFE003, lr  }
0x1b: {  	s9 =	sadd.s32 $0xFFFFFEF7, lr;
	s5 =	simm.s32 $0xFFFFFFFF;
	p2 =	slt.u32 s8, $0xFFFFF086  }
0x1c: {  	p1 =	slt.u32 s9, $0xF7A;
	s5 =	simm.s32 @!p2 $0x0  }
0x1d: {  	s5 =	simm.s32 @p1 $0x1;
	p0 =	seq.s32 s7, s2  }
0x1e: {  	s7 =	smul.u32 @!p0 $0xF7A, s2;
	p2 =	seq.s32 @!p0 s5, $0x0  }
0x1f: {  	s9 =	smul.u32 $0xF7A, s1;
	s8 =	simm.s32 @!p0 $0x1BF5;
	p2 =	por !p2, p0  }
0x20: {  	[sflag:s8] =	ssyncset.s32 @!p0 $0xFFFFF086;
	s6 =	sadd.s32 @!p0 s3, s7;
	s7 =	simm.s32 @!p0 $0x108  }
0x21: {  	s3 =	sadd.s32 s3, s9;
	s6 =	sadd.s32 @!p0 $0x88, s6;
	s7 =	simm.s32 @p2 $0x1082  }
0x22: {  	[simem:s7], [sflag:s8] =	dma.local @!p0 [hbm:s6], $0xF7A  }
0x23: {  	s9 =	sor.u32 $0xD0000000, s2;
	s6 =	simm.s32 $0x108;
	_ =	swait.ge @!p0 [sflag:s8], $0x0  }
0x24: {  	s3 =	sadd.s32 $0x88, s3;
	s6 =	simm.s32 @!p1 $0x1082;
	[sflag:s4] =	ssyncset.s32 $0xFFFFF086  }
0x25: {  	[simem:s6], [sflag:s4] =	dma.local [hbm:s3], $0xF7A  }
0x26: {  	[smem:$0x3F8A] =	sst s1;
	(tag) =	ssettag s2;
	_ =	strace s9  }
0x27: {  	s1 =	sld [smem:$0x3F9A]  }
0x28: {  	s2 =	sld [smem:$0x3F9B]  }
0x29: {  	s4 =	sld [smem:$0x3F9D]  }
0x2a: {  	p0 =	seq.s32 s5, $0x0;
	s5 =	sld [smem:$0x3F9E]  }
0x2b: {  	s6 =	sld [smem:$0x3F9F]  }
0x2c: {  	s7 =	sld [smem:$0x3FA0]  }
0x2d: {  	s3 =	simm.s32 $0x108;
	s8 =	sld [smem:$0x3FA1]  }
0x2e: {  	s3 =	simm.s32 @!p0 $0x1082;
	s9 =	sld [smem:$0x3FA2]  }
0x2f: {  	lr =	sadd.s32 s0, s3;
	s0 =	sld [smem:$0x3F99]  }
0x30: {  	s3 =	sld [smem:$0x3F9C]  }
0x31: {  	[smem:$0x3FA5] =	sst s10  }
0x32: {  	s10 =	sld [smem:$0x3FA3];
	_ =	sdelay $0x3  }
0x33: {  	p0 =	seq.s32 s10, $0x1;
	s10 =	sld [smem:$0x3FA5];
	_ =	sdelay $0x3  }
0x34: {  	[smem:$0x3FA5] =	sst s10  }
0x35: {  	s10 =	sld [smem:$0x3FA4];
	_ =	sdelay $0x3  }
0x36: {  	p1 =	seq.s32 s10, $0x1;
	s10 =	sld [smem:$0x3FA5];
	_ =	sdelay $0x3  }
0x37: {  	[smem:$0x3FA5] =	sst s10  }
0x38: {  	s10 =	sld [smem:$0x3FA6]  }
0x39: {  	_ = 	snop;
	(pc) =	sbr.ind lr, $3  }
0x3a: {  	_ = 	snop  }
0x3b: {  	_ = 	snop  }
0x3c: {  	p2 =	seq.s32 s10, $0x1;
	s10 =	sld [smem:$0x3FA5]  }
0x3d: {  	_ =	shalt  }
0x3e: {  	_ =	shalt  }
0x3f: {  	_ =	shalt  }
0x40: {  	_ =	shalt  }
0x41: {  	_ =	shalt  }
0x42: {  	_ =	shalt  }
0x43: {  	_ =	shalt  }
0x44: {  	_ =	shalt  }
0x45: {  	_ =	shalt  }
0x46: {  	_ =	shalt  }
0x47: {  	_ =	shalt  }
0x48: {  	_ =	shalt  }
0x49: {  	_ =	shalt  }
0x4a: {  	_ =	shalt  }
0x4b: {  	_ =	shalt  }
0x4c: {  	_ =	shalt  }
0x4d: {  	_ =	shalt  }
0x4e: {  	_ =	shalt  }
0x4f: {  	_ =	shalt  }
0x50: {  	_ =	shalt  }
0x51: {  	_ =	shalt  }
0x52: {  	_ =	shalt  }
0x53: {  	_ =	shalt  }
0x54: {  	_ =	shalt  }
0x55: {  	_ =	shalt  }
0x56: {  	_ =	shalt  }
0x57: {  	_ =	shalt  }
0x58: {  	_ =	shalt  }
0x59: {  	_ =	shalt  }
0x5a: {  	_ =	shalt  }
0x5b: {  	_ =	shalt  }
0x5c: {  	_ =	shalt  }
0x5d: {  	_ =	shalt  }
0x5e: {  	_ =	shalt  }
0x5f: {  	_ =	shalt  }
0x60: {  	_ =	shalt  }
0x61: {  	_ =	shalt  }
0x62: {  	_ =	shalt  }
0x63: {  	_ =	shalt  }
0x64: {  	_ =	shalt  }
0x65: {  	_ =	shalt  }
0x66: {  	_ =	shalt  }
0x67: {  	_ =	shalt  }
0x68: {  	_ =	shalt  }
0x69: {  	_ =	shalt  }
0x6a: {  	_ =	shalt  }
0x6b: {  	_ =	shalt  }
0x6c: {  	_ =	shalt  }
0x6d: {  	_ =	shalt  }
0x6e: {  	_ =	shalt  }
0x6f: {  	_ =	shalt  }
0x70: {  	_ =	shalt  }
0x71: {  	_ =	shalt  }
0x72: {  	_ =	shalt  }
0x73: {  	_ =	shalt  }
0x74: {  	_ =	shalt  }
0x75: {  	_ =	shalt  }
0x76: {  	_ =	shalt  }
0x77: {  	_ =	shalt  }
0x78: {  	_ =	shalt  }
0x79: {  	_ =	shalt  }
0x7a: {  	_ =	shalt  }
0x7b: {  	_ =	shalt  }
0x7c: {  	_ =	shalt  }
0x7d: {  	_ =	shalt  }
0x7e: {  	_ =	shalt  }
0x7f: {  	_ =	shalt  }
0x80: {  	_ =	shalt  }
0x81: {  	_ =	shalt  }
0x82: {  	_ =	shalt  }
0x83: {  	_ =	shalt  }
0x84: {  	_ =	shalt  }
0x85: {  	_ =	shalt  }
0x86: {  	_ =	shalt  }
0x87: {  	_ =	shalt  }
.Lfunc_end0:
.L_simem_size_0:
called_computation_lowered:
.L_overlay_start_0:
0x88: {  	s2 =	sld [smem:$0x3FD9]  }
0x89: {  	s3 =	sld [smem:$0x3FFE];
	_ =	sdelay $0x1  }
0x8a: {  	s1 =	srdreg.scid  }
0x8b: {  	s0 =	sand.u32 $0x1, s1  }
0x8c: {  	s16 =	sshll.u32 s0, $0xA;
	s2 =	sadd.s32 s3, s2  }
0x8d: {  	s2 =	sadd.s32 s2, s16  }
0x8e: {  	[smem:$0x3FB1] =	sst s2  }
0x8f: {  	_ = 	snop  }
0x90: {  	(tm) =	ssettm $0x1  }
0x91: {  	s17 =	sld [smem:$0x3FFB];
	_ =	sdelay $0x3  }
0x92: {  	_ =	strace s17  }
0x93: {  	s2 =	sld [smem:$0x3FFC];
	_ =	sdelay $0x3  }
0x94: {  	_ =	strace s2  }
0x95: {  	s2 =	sld [smem:$0x3FFD];
	_ =	sdelay $0x3  }
0x96: {  	_ =	strace s2  }
0x97: {  	_ =	strace $0x8FFFFFFF  }
0x98: {  	s18 =	sld [smem:$0x3FDB];
	_ =	sdelay $0x1  }
0x99: {  	s19 =	simm.s32 $_scs_section_size  }
0x9a: {  	s4 =	simm.s32 $_size__tile_overlayer_lowered;
	s5 =	simm.s32 $_tile_overlayer_lowered  }
0x9b: {  	s22 =	simm.s32 $0x1BFF;
	s21 =	sshll.u32 s5, $0x1;
	s2 =	sadd.s32 s19, s18  }
0x9c: {  	s6 =	simm.s32 $0x0;
	s20 =	sshll.u32 s4, $0x1;
	s4 =	sadd.s32 s21, s2  }
0x9d: {  	[timem:s6], [sflag:s22] =	dma.local [hbm:s4], s20  }
0x9e: {  	_ =	swait.ge [sflag:s22], s20  }
0x9f: {  	s3 =	ssub.s32 $0x0, s20;
	[sflag:s22] =	ssyncset.done $0x0  }
0xa0: {  	[sflag:s22] =	ssyncadd.s32 s3;
	_ =	sdelay $0x1  }
0xa1: {  	s23 =	simm.s32 $0x1B8B  }
0xa2: {  	_ =	swait.ge [sflag:s23], $0x1  }
0xa3: {  	[sflag:s23] =	ssyncset.done $0x0  }
0xa4: {  	s25 =	simm.s32 $0x1B8E;
	s24 =	sld [smem:$0x3FFE];
	[sflag:s23] =	ssyncadd.s32 $0xFFFFFFFF  }
0xa5: {  	s26 =	simm.s32 $execute0_lowered;
	[smem:$0x3FD2] =	sst s25  }
0xa6: {  	s4 =	sshll.u32 s26, $0x1;
	_ =	strace $0x80000046;
	[dreg:$0x1] =	wrdreg $0xFFFFFFFF  }
0xa7: {  	s28 =	simm.s32 $_size_execute0_lowered;
	s2 =	sadd.s32 s2, s4;
	[dreg:$0x0] =	wrdreg $0x0  }
0xa8: {  	s4 =	sshll.u32 s28, $0x1;
	[dreg:$0x2] =	wrdreg s2  }
0xa9: {  	[dreg:$0x3] =	wrdreg s4  }
0xaa: {  	[dreg:$0x4] =	wrdreg $0xC0  }
0xab: {  	_ =	task [dreg:s6], $0x5FFFF  }
0xac: {  	[dreg:$0x1] =	wrdreg $0xFFFFFFFF  }
0xad: {  	[dreg:$0x0] =	wrdreg $0x60  }
0xae: {  	[dreg:$0x2] =	wrdreg s24  }
0xaf: {  	[dreg:$0x3] =	wrdreg $0x9  }
0xb0: {  	_ =	task.clear_ibuf [dreg:s6], $0x4FFFF;
	_ =	strace $0x90000046  }
0xb1: {  	s29 =	simm.s32 $0x9;
	_ =	strace $0x80000048  }
0xb2: {  	_ =	swait.ge [sflag:s29], $0x1  }
0xb3: {  	[sflag:s29] =	ssyncadd.s32 $0xFFFFFFFF  }
0xb4: {  	_ =	strace $0x90000048  }
0xb5: {  	_ =	sfence  }
0xb6: {  	s30 =	sld [smem:$0x0];
	_ =	sdelay $0x2  }
0xb7: {  	s31 =	sshll.u32 s1, $0xD;
	s1 =	sshrl.u32 s1, $0x2  }
0xb8: {  	s3 =	sand.u32 $0x4000, s31;
	s1 =	sadd.s32 s1, s30  }
0xb9: {  	s0 =	sor.u32 s3, s0;
	s1 =	sshll.u32 s1, $0x11  }
0xba: {  	s0 =	sor.u32 s1, s0  }
0xbb: {  	s0 =	sadd.s32 $0x8F2B, s0  }
0xbc: {  	[sflag:s0] =	ssyncadd.remote.s32 $0x1  }
0xbd: {  	_ =	sfence.sel $0xFFFF  }
0xbe: {  	[dreg:$0x0] =	wrdreg $0xFFFFFFFF;
	(pc) =	sbr.abs _section_cstart, $3  }
0xbf: {  	[dreg:$0x1] =	wrdreg $0xFFFFFFFF  }
0xc0: {  	_ =	task.clear_ibuf [dreg:s6], $0x2FFFF;
	_ =	strace $0x9FFFFFFF  }
0xc1: {  	(tm) =	ssettm $0x7FFFFFFF  }
tec
execute0_lowered:
.L_overlay_start_1:
0x0: {  	(tag) =	ssettag $0x1  }
0x1: {  	s0 =	rddreg [dreg:$0x0]  }
0x2: {  	s2 =	srdreg.scid;
	s1 =	stileid.u32  }
0x3: {  	s20 =	simm.s32 $0x80;
	s4 =	sand.u32 $0x1, s2;
	s2 =	simm.s32 $0x0  }
0x4: {  	s21 =	simm.s32 $0x100;
	s22 =	simm.s32 $0x180;
	[smem:$0x7FF] =	sst s2  }
0x5: {  	s23 =	simm.s32 $0xA00;
	_ =	strace $0x80000047;
	[dreg:$0xa] =	wrdreg s20  }
0x6: {  	s24 =	simm.s32 $0x1200;
	s25 =	simm.s32 $0x1A00;
	[dreg:$0xb] =	wrdreg s21  }
0x7: {  	s26 =	simm.s32 $0x2200;
	s28 =	simm.s32 $0x16200;
	[dreg:$0xc] =	wrdreg s22  }
0x8: {  	s29 =	simm.s32 $0x16A00;
	s30 =	simm.s32 $0x17200;
	[dreg:$0xd] =	wrdreg s23  }
0x9: {  	s31 =	simm.s32 $0x17A00;
	s3 =	sshll.u32 s1, $0x5;
	[dreg:$0xe] =	wrdreg s24  }
0xa: {  	s10 =	sadd.s32 $0x63E00, s0;
	s7 =	sadd.s32 $0x3E00, s0;
	[dreg:$0xf] =	wrdreg s25  }
0xb: {  	s1 =	simm.s32 $0x2A00;
	s5 =	sshll.u32 s4, $0x4;
	[dreg:$0x10] =	wrdreg s26  }
0xc: {  	s3 =	sor.u32 s5, s3;
	[dreg:$0x11] =	wrdreg s1;
	s5 =	simm.s32 $0x3200  }
0xd: {  	s4 =	ssub.s32 $0x2, s4;
	s20 =	simm.s32 $0xAA00;
	[dreg:$0x12] =	wrdreg s5  }
0xe: {  	s21 =	simm.s32 $0xB200;
	s22 =	simm.s32 $0xBA00;
	[smem:$0x7F7] =	sst s20  }
0xf: {  	s23 =	simm.s32 $0xCA00;
	s24 =	simm.s32 $0xD200;
	[smem:$0x7F8] =	sst s21  }
0x10: {  	s25 =	simm.s32 $0xDA00;
	s26 =	simm.s32 $0xE200;
	[smem:$0x7F9] =	sst s22  }
0x11: {  	s6 =	smul.u32 $0x300, s3;
	s8 =	sadd.s32 s10, s3;
	[smem:$0x7FA] =	sst s23  }
0x12: {  	s9 =	sor.u32 $0x4, s3;
	s13 =	sor.u32 $0x8, s3;
	[smem:$0x7FB] =	sst s24  }
0x13: {  	s3 =	sor.u32 $0xC, s3;
	s5 =	sadd.s32 $0x64200, s0;
	[smem:$0x7FC] =	sst s25  }
0x14: {  	[smem:$0x7FD] =	sst s26;
	s20 =	simm.s32 $0x12A00;
	s21 =	simm.s32 $0x13200  }
0x15: {  	s22 =	simm.s32 $0x13A00;
	[dreg:$0x2] =	wrdreg s8;
	s12 =	sadd.s32 s10, s9  }
0x16: {  	s23 =	simm.s32 $0x14200;
	s16 =	sadd.s32 s10, s13;
	[dreg:$0x4] =	wrdreg s12  }
0x17: {  	s18 =	smul.u32 $0x300, s3;
	s3 =	sadd.s32 s10, s3;
	[dreg:$0x6] =	wrdreg s16  }
0x18: {  	s24 =	simm.s32 $0x14A00;
	s8 =	simm.s32 $0x4A00;
	[dreg:$0x8] =	wrdreg s3  }
0x19: {  	s11 =	smul.u32 $0x300, s9;
	s9 =	simm.s32 $0x5200;
	[dreg:$0x15] =	wrdreg s8  }
0x1a: {  	s25 =	simm.s32 $0x15200;
	s10 =	simm.s32 $0x5A00;
	[dreg:$0x16] =	wrdreg s9  }
0x1b: {  	s15 =	smul.u32 $0x300, s13;
	s13 =	simm.s32 $0x7A00;
	[dreg:$0x17] =	wrdreg s10  }
0x1c: {  	s26 =	simm.s32 $0x15A00;
	s6 =	sadd.s32 s7, s6;
	[dreg:$0x1a] =	wrdreg s13  }
0x1d: {  	s12 =	simm.s32 $0x7200;
	s3 =	sadd.s32 $0x64000, s0;
	[dreg:$0x3] =	wrdreg s6  }
0x1e: {  	s16 =	sshrl.u32 s4, $0x1;
	s14 =	sadd.s32 s7, s11;
	[dreg:$0x19] =	wrdreg s12  }
0x1f: {  	s8 =	simm.s32 $0x200;
	s17 =	sadd.s32 s7, s15;
	[dreg:$0x5] =	wrdreg s14  }
0x20: {  	s9 =	simm.s32 $0x6200;
	s19 =	sadd.s32 s7, s18;
	[dreg:$0x7] =	wrdreg s17  }
0x21: {  	s10 =	simm.s32 $0xC200;
	s6 =	simm.s32 $0x3A00;
	[dreg:$0x9] =	wrdreg s19  }
0x22: {  	s7 =	simm.s32 $0x4200;
	s11 =	simm.s32 $0x6A00;
	[dreg:$0x13] =	wrdreg s6  }
0x23: {  	s15 =	simm.s32 $0x8A00;
	s18 =	simm.s32 $0x9A00;
	[dreg:$0x14] =	wrdreg s7  }
0x24: {  	s12 =	simm.s32 $0x1;
	[dreg:$0x18] =	wrdreg s11;
	s14 =	simm.s32 $0x8200  }
0x25: {  	[dreg:$0x1c] =	wrdreg s15;
	s17 =	simm.s32 $0x9200;
	s6 =	ssub.s32 s4, s16  }
0x26: {  	s4 =	sadd.s32 $0x64100, s0;
	[dreg:$0x1e] =	wrdreg s18;
	s19 =	simm.s32 $0xA200  }
0x27: {  	s7 =	simm.s32 $0x3;
	s11 =	simm.s32 $0x12200;
	[dreg:$0x1b] =	wrdreg s14  }
0x28: {  	v2 =	vlaneseq.u32;
	s15 =	simm.s32 $0xFA00;
	s16 =	simm.s32 $0x10200;
	[dreg:$0x1d] =	wrdreg s17  }
0x29: {  	vm0 =	vmmov $0xffff;
	v1 =	vshrl.u32 v2, $0x3;
	s18 =	simm.s32 $0x11200;
	s0 =	simm.s32 $0x2;
	[dreg:$0x1f] =	wrdreg s19  }
0x2a: {  	v0 =	vand.u32 $0x7, v2;
	v2 =	vor.u32 $0x8, v2;
	v1 =	vmul.u32 $0x8, v1;
	s6 =	smax.u32 s6, $0x1;
	s17 =	simm.s32 $0x10A00;
	s19 =	simm.s32 $0x11A00  }
.LBB2_1:
0x2b: {  	s1 =	rddreg [dreg:$0x2]  }
0x2c: {  	[tilespmem:s2], [sflag:$0x3] =	stream.linear.gather [hbm4b:s1+s2], $0x20, $0x38;
	[tilespmem:$0x18200] =	vst v63  }
0x2d: {  	_ =	swait.ge [sflag:s7], $0x20  }
0x2e: {  	s1 =	rddreg [dreg:$0x3];
	[sflag:s7] =	ssyncset.done $0x0  }
0x2f: {  	s13 =	rddreg [dreg:$0x4];
	[sflag:s7] =	ssyncadd.s32 $0xFFFFFFE0  }
0x30: {  	[tilespmem:s8], [sflag:$0x1] =	stream.linear.gather [hbm4b:s1+s2], $0x6000, $0x38;
	[tilespmem:$0x18200] =	vst v63  }
0x31: {  	s14 =	rddreg [dreg:$0xa]  }
0x32: {  	[tilespmem:s14], [sflag:$0x3] =	stream.linear.gather [hbm4b:s13+s2], $0x20, $0x38;
	[tilespmem:$0x18200] =	vst v63  }
0x33: {  	_ =	swait.ge [sflag:s7], $0x20  }
0x34: {  	s1 =	rddreg [dreg:$0x5];
	[sflag:s7] =	ssyncset.done $0x0  }
0x35: {  	s13 =	rddreg [dreg:$0x6];
	[sflag:s7] =	ssyncadd.s32 $0xFFFFFFE0  }
0x36: {  	[tilespmem:s9], [sflag:$0x1] =	stream.linear.gather [hbm4b:s1+s2], $0x6000, $0x38;
	[tilespmem:$0x18200] =	vst v63  }
0x37: {  	s14 =	rddreg [dreg:$0xb]  }
0x38: {  	[tilespmem:s14], [sflag:$0x3] =	stream.linear.gather [hbm4b:s13+s2], $0x20, $0x38;
	[tilespmem:$0x18200] =	vst v63  }
0x39: {  	_ =	swait.ge [sflag:s7], $0x20  }
0x3a: {  	s1 =	rddreg [dreg:$0x7];
	[sflag:s7] =	ssyncset.done $0x0  }
0x3b: {  	s13 =	rddreg [dreg:$0x8];
	[sflag:s7] =	ssyncadd.s32 $0xFFFFFFE0  }
0x3c: {  	[tilespmem:s10], [sflag:$0x1] =	stream.linear.gather [hbm4b:s1+s2], $0x6000, $0x38;
	[tilespmem:$0x18200] =	vst v63  }
0x3d: {  	s14 =	rddreg [dreg:$0xc]  }
0x3e: {  	[tilespmem:s14], [sflag:$0x3] =	stream.linear.gather [hbm4b:s13+s2], $0x20, $0x38;
	[tilespmem:$0x18200] =	vst v63  }
0x3f: {  	_ =	swait.ge [sflag:s7], $0x20  }
0x40: {  	[sflag:s7] =	ssyncset.done $0x0  }
0x41: {  	s13 =	rddreg [dreg:$0x9];
	[sflag:s7] =	ssyncadd.s32 $0xFFFFFFE0  }
0x42: {  	[tilespmem:s11], [sflag:$0x1] =	stream.linear.gather [hbm4b:s13+s2], $0x6000, $0x38;
	[tilespmem:$0x18200] =	vst v63  }
0x43: {  	_ =	swait.ge [sflag:s12], $0x6000  }
0x44: {  	[sflag:s12] =	ssyncset.done $0x0  }
0x45: {  	[sflag:s12] =	ssyncadd.s32 $0xFFFFA000  }
0x46: {  	v3 =	vld [tilespmem:$0x0];
	_ =	sdelay $0x4  }
0x47: {  	v4 =	vshrl.u32 v3, $0x3  }
0x48: {  	v4 =	vmul.u32 $0x30, v4  }
0x49: {  	v3 =	vand.u32 $0x7, v3  }
0x4a: {  	v3 =	vor.u32 v3, v4  }
0x4b: {  	v4 =	vperm.xlane v3, v0;
	_ =	sdelay $0x1  }
0x4c: {  	v4 =	vadd.s32 v1, v4;
	_ =	sdelay $0x3  }
0x4d: {  	v3 =	vperm.xlane v3, v2  }
0x4e: {  	[hbm4b:s3+s2] =	stream.indirect_vreg.scatter [tilespmem:s8], [sflag:$0x2], $0x80, v4, vm0, $0xb8;
	[tilespmem:$0x18200] =	vst v63  }
0x4f: {  	s14 =	rddreg [dreg:$0xd];
	v3 =	vadd.s32 v1, v3  }
0x50: {  	[hbm4b:s4+s2] =	stream.indirect_vreg.scatter [tilespmem:s14], [sflag:$0x2], $0x80, v4, vm0, $0xb8;
	[tilespmem:$0x18200] =	vst v63  }
0x51: {  	s13 =	rddreg [dreg:$0xe]  }
0x52: {  	[hbm4b:s5+s2] =	stream.indirect_vreg.scatter [tilespmem:s13], [sflag:$0x2], $0x80, v4, vm0, $0xb8;
	[tilespmem:$0x18200] =	vst v63  }
0x53: {  	s14 =	rddreg [dreg:$0xf]  }
0x54: {  	[hbm4b:s3+s2] =	stream.indirect_vreg.scatter [tilespmem:s14], [sflag:$0x2], $0x80, v3, vm0, $0xb8;
	[tilespmem:$0x18200] =	vst v63  }
0x55: {  	s13 =	rddreg [dreg:$0x10]  }
0x56: {  	[hbm4b:s4+s2] =	stream.indirect_vreg.scatter [tilespmem:s13], [sflag:$0x2], $0x80, v3, vm0, $0xb8;
	[tilespmem:$0x18200] =	vst v63  }
0x57: {  	s14 =	rddreg [dreg:$0x11]  }
0x58: {  	[hbm4b:s5+s2] =	stream.indirect_vreg.scatter [tilespmem:s14], [sflag:$0x2], $0x80, v3, vm0, $0xb8;
	[tilespmem:$0x18200] =	vst v63  }
0x59: {  	v3 =	vld [tilespmem:$0x10];
	_ =	sdelay $0x4  }
0x5a: {  	v57 =	vshrl.u32 v3, $0x3  }
0x5b: {  	v4 =	vmul.u32 $0x30, v57  }
0x5c: {  	v3 =	vand.u32 $0x7, v3  }
0x5d: {  	v3 =	vor.u32 v3, v4  }
0x5e: {  	v4 =	vperm.xlane v3, v0;
	_ =	sdelay $0x1  }
0x5f: {  	v4 =	vadd.s32 v1, v4;
	_ =	sdelay $0x3  }
0x60: {  	s13 =	rddreg [dreg:$0x12];
	v3 =	vperm.xlane v3, v2  }
0x61: {  	[hbm4b:s3+s2] =	stream.indirect_vreg.scatter [tilespmem:s13], [sflag:$0x2], $0x80, v4, vm0, $0xb8;
	[tilespmem:$0x18200] =	vst v63  }
0x62: {  	s14 =	rddreg [dreg:$0x13];
	v3 =	vadd.s32 v1, v3  }
0x63: {  	[hbm4b:s4+s2] =	stream.indirect_vreg.scatter [tilespmem:s14], [sflag:$0x2], $0x80, v4, vm0, $0xb8;
	[tilespmem:$0x18200] =	vst v63  }
0x64: {  	s1 =	rddreg [dreg:$0x14]  }
0x65: {  	[hbm4b:s5+s2] =	stream.indirect_vreg.scatter [tilespmem:s1], [sflag:$0x2], $0x80, v4, vm0, $0xb8;
	[tilespmem:$0x18200] =	vst v63  }
0x66: {  	s14 =	rddreg [dreg:$0x15]  }
0x67: {  	[hbm4b:s3+s2] =	stream.indirect_vreg.scatter [tilespmem:s14], [sflag:$0x2], $0x80, v3, vm0, $0xb8;
	[tilespmem:$0x18200] =	vst v63  }
0x68: {  	s1 =	rddreg [dreg:$0x16]  }
0x69: {  	[hbm4b:s4+s2] =	stream.indirect_vreg.scatter [tilespmem:s1], [sflag:$0x2], $0x80, v3, vm0, $0xb8;
	[tilespmem:$0x18200] =	vst v63  }
0x6a: {  	s14 =	rddreg [dreg:$0x17]  }
0x6b: {  	[hbm4b:s5+s2] =	stream.indirect_vreg.scatter [tilespmem:s14], [sflag:$0x2], $0x80, v3, vm0, $0xb8;
	[tilespmem:$0x18200] =	vst v63  }
0x6c: {  	_ =	swait.ge [sflag:s12], $0x6000  }
0x6d: {  	[sflag:s12] =	ssyncset.done $0x0  }
0x6e: {  	[sflag:s12] =	ssyncadd.s32 $0xFFFFA000  }
0x6f: {  	v3 =	vld [tilespmem:$0x80];
	_ =	sdelay $0x4  }
0x70: {  	v58 =	vshrl.u32 v3, $0x3  }
0x71: {  	v4 =	vmul.u32 $0x30, v58  }
0x72: {  	v3 =	vand.u32 $0x7, v3  }
0x73: {  	v3 =	vor.u32 v3, v4  }
0x74: {  	v4 =	vperm.xlane v3, v0;
	_ =	sdelay $0x1  }
0x75: {  	v4 =	vadd.s32 v1, v4;
	_ =	sdelay $0x3  }
0x76: {  	v3 =	vperm.xlane v3, v2  }
0x77: {  	[hbm4b:s3+s2] =	stream.indirect_vreg.scatter [tilespmem:s9], [sflag:$0x2], $0x80, v4, vm0, $0xb8;
	[tilespmem:$0x18200] =	vst v63  }
0x78: {  	s14 =	rddreg [dreg:$0x18];
	v3 =	vadd.s32 v1, v3  }
0x79: {  	[hbm4b:s4+s2] =	stream.indirect_vreg.scatter [tilespmem:s14], [sflag:$0x2], $0x80, v4, vm0, $0xb8;
	[tilespmem:$0x18200] =	vst v63  }
0x7a: {  	s13 =	rddreg [dreg:$0x19]  }
0x7b: {  	[hbm4b:s5+s2] =	stream.indirect_vreg.scatter [tilespmem:s13], [sflag:$0x2], $0x80, v4, vm0, $0xb8;
	[tilespmem:$0x18200] =	vst v63  }
0x7c: {  	s14 =	rddreg [dreg:$0x1a]  }
0x7d: {  	[hbm4b:s3+s2] =	stream.indirect_vreg.scatter [tilespmem:s14], [sflag:$0x2], $0x80, v3, vm0, $0xb8;
	[tilespmem:$0x18200] =	vst v63  }
0x7e: {  	s13 =	rddreg [dreg:$0x1b]  }
0x7f: {  	[hbm4b:s4+s2] =	stream.indirect_vreg.scatter [tilespmem:s13], [sflag:$0x2], $0x80, v3, vm0, $0xb8;
	[tilespmem:$0x18200] =	vst v63  }
0x80: {  	s14 =	rddreg [dreg:$0x1c]  }
0x81: {  	[hbm4b:s5+s2] =	stream.indirect_vreg.scatter [tilespmem:s14], [sflag:$0x2], $0x80, v3, vm0, $0xb8;
	[tilespmem:$0x18200] =	vst v63  }
0x82: {  	v3 =	vld [tilespmem:$0x90];
	_ =	sdelay $0x4  }
0x83: {  	v59 =	vshrl.u32 v3, $0x3  }
0x84: {  	v4 =	vmul.u32 $0x30, v59  }
0x85: {  	v3 =	vand.u32 $0x7, v3  }
0x86: {  	v3 =	vor.u32 v3, v4  }
0x87: {  	v4 =	vperm.xlane v3, v0;
	_ =	sdelay $0x1  }
0x88: {  	v4 =	vadd.s32 v1, v4;
	_ =	sdelay $0x2  }
0x89: {  	s1 =	rddreg [dreg:$0x1f]  }
0x8a: {  	s13 =	rddreg [dreg:$0x1d];
	v3 =	vperm.xlane v3, v2  }
0x8b: {  	[hbm4b:s3+s2] =	stream.indirect_vreg.scatter [tilespmem:s13], [sflag:$0x2], $0x80, v4, vm0, $0xb8;
	[tilespmem:$0x18200] =	vst v63  }
0x8c: {  	s14 =	rddreg [dreg:$0x1e];
	v3 =	vadd.s32 v1, v3  }
0x8d: {  	[hbm4b:s4+s2] =	stream.indirect_vreg.scatter [tilespmem:s14], [sflag:$0x2], $0x80, v4, vm0, $0xb8;
	[tilespmem:$0x18200] =	vst v63  }
0x8e: {  	s14 =	sld [smem:$0x7F7]  }
0x8f: {  	[hbm4b:s5+s2] =	stream.indirect_vreg.scatter [tilespmem:s1], [sflag:$0x2], $0x80, v4, vm0, $0xb8;
	[tilespmem:$0x18200] =	vst v63  }
0x90: {  	s1 =	sld [smem:$0x7F8]  }
0x91: {  	[hbm4b:s3+s2] =	stream.indirect_vreg.scatter [tilespmem:s14], [sflag:$0x2], $0x80, v3, vm0, $0xb8;
	[tilespmem:$0x18200] =	vst v63  }
0x92: {  	s14 =	sld [smem:$0x7F9]  }
0x93: {  	[hbm4b:s4+s2] =	stream.indirect_vreg.scatter [tilespmem:s1], [sflag:$0x2], $0x80, v3, vm0, $0xb8;
	[tilespmem:$0x18200] =	vst v63  }
0x94: {  	_ = 	snop  }
0x95: {  	[hbm4b:s5+s2] =	stream.indirect_vreg.scatter [tilespmem:s14], [sflag:$0x2], $0x80, v3, vm0, $0xb8;
	[tilespmem:$0x18200] =	vst v63  }
0x96: {  	_ =	swait.ge [sflag:s12], $0x6000  }
0x97: {  	[sflag:s12] =	ssyncset.done $0x0  }
0x98: {  	[sflag:s12] =	ssyncadd.s32 $0xFFFFA000  }
0x99: {  	v3 =	vld [tilespmem:$0x100];
	_ =	sdelay $0x4  }
0x9a: {  	v60 =	vshrl.u32 v3, $0x3  }
0x9b: {  	v4 =	vmul.u32 $0x30, v60  }
0x9c: {  	v3 =	vand.u32 $0x7, v3  }
0x9d: {  	v3 =	vor.u32 v3, v4  }
0x9e: {  	v4 =	vperm.xlane v3, v0;
	_ =	sdelay $0x1  }
0x9f: {  	v4 =	vadd.s32 v1, v4;
	_ =	sdelay $0x3  }
0xa0: {  	s13 =	sld [smem:$0x7FA];
	v3 =	vperm.xlane v3, v2  }
0xa1: {  	[hbm4b:s3+s2] =	stream.indirect_vreg.scatter [tilespmem:s10], [sflag:$0x2], $0x80, v4, vm0, $0xb8;
	[tilespmem:$0x18200] =	vst v63  }
0xa2: {  	s14 =	sld [smem:$0x7FB];
	v3 =	vadd.s32 v1, v3  }
0xa3: {  	[hbm4b:s4+s2] =	stream.indirect_vreg.scatter [tilespmem:s13], [sflag:$0x2], $0x80, v4, vm0, $0xb8;
	[tilespmem:$0x18200] =	vst v63  }
0xa4: {  	s1 =	sld [smem:$0x7FC]  }
0xa5: {  	[hbm4b:s5+s2] =	stream.indirect_vreg.scatter [tilespmem:s14], [sflag:$0x2], $0x80, v4, vm0, $0xb8;
	[tilespmem:$0x18200] =	vst v63  }
0xa6: {  	s14 =	sld [smem:$0x7FD]  }
0xa7: {  	[hbm4b:s3+s2] =	stream.indirect_vreg.scatter [tilespmem:s1], [sflag:$0x2], $0x80, v3, vm0, $0xb8;
	[tilespmem:$0x18200] =	vst v63  }
0xa8: {  	_ = 	snop  }
0xa9: {  	[hbm4b:s4+s2] =	stream.indirect_vreg.scatter [tilespmem:s14], [sflag:$0x2], $0x80, v3, vm0, $0xb8;
	[tilespmem:$0x18200] =	vst v63  }
0xaa: {  	s13 =	simm.s32 $0xEA00  }
0xab: {  	[hbm4b:s5+s2] =	stream.indirect_vreg.scatter [tilespmem:s13], [sflag:$0x2], $0x80, v3, vm0, $0xb8;
	[tilespmem:$0x18200] =	vst v63  }
0xac: {  	v3 =	vld [tilespmem:$0x110];
	_ =	sdelay $0x4  }
0xad: {  	v61 =	vshrl.u32 v3, $0x3  }
0xae: {  	v4 =	vmul.u32 $0x30, v61  }
0xaf: {  	v3 =	vand.u32 $0x7, v3  }
0xb0: {  	v3 =	vor.u32 v3, v4  }
0xb1: {  	v4 =	vperm.xlane v3, v0;
	_ =	sdelay $0x1  }
0xb2: {  	v4 =	vadd.s32 v1, v4;
	_ =	sdelay $0x3  }
0xb3: {  	s14 =	simm.s32 $0xF200;
	v3 =	vperm.xlane v3, v2  }
0xb4: {  	[hbm4b:s3+s2] =	stream.indirect_vreg.scatter [tilespmem:s14], [sflag:$0x2], $0x80, v4, vm0, $0xb8;
	[tilespmem:$0x18200] =	vst v63  }
0xb5: {  	v3 =	vadd.s32 v1, v3  }
0xb6: {  	[hbm4b:s4+s2] =	stream.indirect_vreg.scatter [tilespmem:s15], [sflag:$0x2], $0x80, v4, vm0, $0xb8;
	[tilespmem:$0x18200] =	vst v63  }
0xb7: {  	_ = 	snop  }
0xb8: {  	[hbm4b:s5+s2] =	stream.indirect_vreg.scatter [tilespmem:s16], [sflag:$0x2], $0x80, v4, vm0, $0xb8;
	[tilespmem:$0x18200] =	vst v63  }
0xb9: {  	_ = 	snop  }
0xba: {  	[hbm4b:s3+s2] =	stream.indirect_vreg.scatter [tilespmem:s17], [sflag:$0x2], $0x80, v3, vm0, $0xb8;
	[tilespmem:$0x18200] =	vst v63  }
0xbb: {  	_ = 	snop  }
0xbc: {  	[hbm4b:s4+s2] =	stream.indirect_vreg.scatter [tilespmem:s18], [sflag:$0x2], $0x80, v3, vm0, $0xb8;
	[tilespmem:$0x18200] =	vst v63  }
0xbd: {  	_ = 	snop  }
0xbe: {  	[hbm4b:s5+s2] =	stream.indirect_vreg.scatter [tilespmem:s19], [sflag:$0x2], $0x80, v3, vm0, $0xb8;
	[tilespmem:$0x18200] =	vst v63  }
0xbf: {  	_ =	swait.ge [sflag:s12], $0x6000  }
0xc0: {  	[sflag:s12] =	ssyncset.done $0x0  }
0xc1: {  	[sflag:s12] =	ssyncadd.s32 $0xFFFFA000  }
0xc2: {  	v3 =	vld [tilespmem:$0x180];
	_ =	sdelay $0x4  }
0xc3: {  	v62 =	vshrl.u32 v3, $0x3  }
0xc4: {  	v4 =	vmul.u32 $0x30, v62  }
0xc5: {  	v3 =	vand.u32 $0x7, v3  }
0xc6: {  	v3 =	vor.u32 v3, v4  }
0xc7: {  	v4 =	vperm.xlane v3, v0;
	_ =	sdelay $0x1  }
0xc8: {  	v4 =	vadd.s32 v1, v4;
	_ =	sdelay $0x3  }
0xc9: {  	v3 =	vperm.xlane v3, v2  }
0xca: {  	[hbm4b:s3+s2] =	stream.indirect_vreg.scatter [tilespmem:s11], [sflag:$0x2], $0x80, v4, vm0, $0xb8;
	[tilespmem:$0x18200] =	vst v63  }
0xcb: {  	v3 =	vadd.s32 v1, v3  }
0xcc: {  	[hbm4b:s4+s2] =	stream.indirect_vreg.scatter [tilespmem:s20], [sflag:$0x2], $0x80, v4, vm0, $0xb8;
	[tilespmem:$0x18200] =	vst v63  }
0xcd: {  	_ = 	snop  }
0xce: {  	[hbm4b:s5+s2] =	stream.indirect_vreg.scatter [tilespmem:s21], [sflag:$0x2], $0x80, v4, vm0, $0xb8;
	[tilespmem:$0x18200] =	vst v63  }
0xcf: {  	_ = 	snop  }
0xd0: {  	[hbm4b:s3+s2] =	stream.indirect_vreg.scatter [tilespmem:s22], [sflag:$0x2], $0x80, v3, vm0, $0xb8;
	[tilespmem:$0x18200] =	vst v63  }
0xd1: {  	_ = 	snop  }
0xd2: {  	[hbm4b:s4+s2] =	stream.indirect_vreg.scatter [tilespmem:s23], [sflag:$0x2], $0x80, v3, vm0, $0xb8;
	[tilespmem:$0x18200] =	vst v63  }
0xd3: {  	_ = 	snop  }
0xd4: {  	[hbm4b:s5+s2] =	stream.indirect_vreg.scatter [tilespmem:s24], [sflag:$0x2], $0x80, v3, vm0, $0xb8;
	[tilespmem:$0x18200] =	vst v63  }
0xd5: {  	v3 =	vld [tilespmem:$0x190];
	_ =	sdelay $0x4  }
0xd6: {  	v63 =	vshrl.u32 v3, $0x3  }
0xd7: {  	v4 =	vmul.u32 $0x30, v63  }
0xd8: {  	v3 =	vand.u32 $0x7, v3  }
0xd9: {  	v3 =	vor.u32 v3, v4  }
0xda: {  	v4 =	vperm.xlane v3, v0;
	_ =	sdelay $0x1  }
0xdb: {  	v4 =	vadd.s32 v1, v4;
	_ =	sdelay $0x3  }
0xdc: {  	v3 =	vperm.xlane v3, v2  }
0xdd: {  	[hbm4b:s3+s2] =	stream.indirect_vreg.scatter [tilespmem:s25], [sflag:$0x2], $0x80, v4, vm0, $0xb8;
	[tilespmem:$0x18200] =	vst v63  }
0xde: {  	v3 =	vadd.s32 v1, v3  }
0xdf: {  	[hbm4b:s4+s2] =	stream.indirect_vreg.scatter [tilespmem:s26], [sflag:$0x2], $0x80, v4, vm0, $0xb8;
	[tilespmem:$0x18200] =	vst v63  }
0xe0: {  	_ = 	snop  }
0xe1: {  	[hbm4b:s5+s2] =	stream.indirect_vreg.scatter [tilespmem:s28], [sflag:$0x2], $0x80, v4, vm0, $0xb8;
	[tilespmem:$0x18200] =	vst v63  }
0xe2: {  	_ = 	snop  }
0xe3: {  	[hbm4b:s3+s2] =	stream.indirect_vreg.scatter [tilespmem:s29], [sflag:$0x2], $0x80, v3, vm0, $0xb8;
	[tilespmem:$0x18200] =	vst v63  }
0xe4: {  	_ = 	snop  }
0xe5: {  	[hbm4b:s4+s2] =	stream.indirect_vreg.scatter [tilespmem:s30], [sflag:$0x2], $0x80, v3, vm0, $0xb8;
	[tilespmem:$0x18200] =	vst v63  }
0xe6: {  	_ = 	snop  }
0xe7: {  	[hbm4b:s5+s2] =	stream.indirect_vreg.scatter [tilespmem:s31], [sflag:$0x2], $0x80, v3, vm0, $0xb8;
	[tilespmem:$0x18200] =	vst v63  }
0xe8: {  	_ =	swait.ge [sflag:s0], $0x6000  }
0xe9: {  	[sflag:s0] =	ssyncset.done $0x0  }
0xea: {  	[sflag:s0] =	ssyncadd.s32 $0xFFFFA000  }
0xeb: {  	_ =	swait.ge [sflag:s0], $0x6000  }
0xec: {  	[sflag:s0] =	ssyncset.done $0x0  }
0xed: {  	[sflag:s0] =	ssyncadd.s32 $0xFFFFA000  }
0xee: {  	p0 =	sne.s32 s6, $0x1;
	_ =	swait.ge [sflag:s0], $0x6000  }
.Ltmp0:
0xef: {  	[sflag:s0] =	ssyncset.done $0x0;
	(pc) =	sbr.rel @p0 .LBB2_1-.Ltmp0, $4  }
0xf0: {  	[sflag:s0] =	ssyncadd.s32 $0xFFFFA000  }
0xf1: {  	_ =	swait.ge [sflag:s0], $0x6000  }
0xf2: {  	[sflag:s0] =	ssyncset.done $0x0  }
0xf3: {  	s6 =	sadd.s32 $0xFFFFFFFF, s6;
	[sflag:s0] =	ssyncadd.s32 $0xFFFFA000  }
0xf4: {  	_ =	sfence.sel $0x180000  }
0xf5: {  	[bflag:$0x0] =	sbarrier.arrive $0xFFFF  }
0xf6: {  	_ =	strace $0x90000047  }
0xf7: {  	s0 =	stileid.u32;
	[bflag:$0x2] =	sbarrier.arrive $0xFFFF  }
0xf8: {  	p0 =	sne.s32 s0, $0x0;
	s0 =	rddreg [dreg:$0x1]  }
0xf9: {  	s0 =	sadd.s32 @!p0 $0x100000, s0  }
0xfa: {  	[sflag:s0] =	ssyncadd.tile.s32 @!p0 $0x1;
	_ =	shalt  }
.Lfunc_end2:
_tile_overlayer_lowered:
.L_overlay_start_2:
0xfb: {  	(tag) =	ssettag $0x2  }
0xfc: {  	s0 =	rddreg [dreg:$0x0];
	s2 =	stileid.u32  }
0xfd: {  	s1 =	rddreg [dreg:$0x1];
	p0 =	sne.s32 s2, $0x0  }
0xfe: {  	s3 =	rddreg [dreg:$0x2];
	[bflag:$0x3] =	sbarrier.arrive $0xFFFF;
	s2 =	simm.s32 @!p0 $0x1C03  }
0xff: {  	[timem:s3], [sflag:s2] =	dma.local @!p0 [hbm:s0], s1  }
0x100: {  	s0 =	simm.s32 @!p0 $0x3  }
0x101: {  	_ =	swait.ge @!p0 [sflag:s0], s1  }
0x102: {  	s1 =	ssub.s32 @!p0 $0x0, s1;
	[sflag:s0] =	ssyncset.done @!p0 $0x0  }
0x103: {  	[sflag:s0] =	ssyncadd.s32 @!p0 s1  }
0x104: {  	[bflag:$0x3] =	sbarrier.arrive $0xFFFF  }
0x105: {  	_ =	shalt  }

// kernel: kernel.15.cloned.1.call-start
scs
__scs_entry_jumppad:
0x0: {  	(pc) =	sbr.rel $0x88, $3  }
0x1: {  	(tag) =	ssettag $0x0;
	lr =	simm.s32 $0x1  }
0x2: {  	[smem:$0x3F8A] =	sst lr;
	_ =	strace $0xD0000000  }
0x3: {  	_ = 	snop  }
0x4: {  	_ = 	snop  }
0x5: {  	_ = 	snop  }
0x6: {  	_ = 	snop  }
0x7: {  	_ = 	snop  }
__scs_overlays_trampoline_lowered:
0x8: {  	[smem:$0x3F99] =	sst s0  }
0x9: {  	[smem:$0x3F9A] =	sst s1  }
0xa: {  	[smem:$0x3F9B] =	sst s2  }
0xb: {  	[smem:$0x3F9C] =	sst s3  }
0xc: {  	[smem:$0x3F9D] =	sst s4  }
0xd: {  	[smem:$0x3F9E] =	sst s5  }
0xe: {  	[smem:$0x3F9F] =	sst s6  }
0xf: {  	[smem:$0x3FA0] =	sst s7  }
0x10: {  	[smem:$0x3FA1] =	sst s8  }
0x11: {  	[smem:$0x3FA2] =	sst s9;
	s0 =	simm.s32 @!p0 $0x0  }
0x12: {  	s1 =	sld [smem:$0x3F88];
	s0 =	simm.s32 @p0 $0x1  }
0x13: {  	[smem:$0x3FA3] =	sst s0;
	s0 =	simm.s32 @!p1 $0x0  }
0x14: {  	s2 =	sld [smem:$0x3F87];
	s0 =	simm.s32 @p1 $0x1  }
0x15: {  	[smem:$0x3FA4] =	sst s0;
	s0 =	simm.s32 @!p2 $0x0  }
0x16: {  	s3 =	sld [smem:$0x3FDB];
	s0 =	simm.s32 @p2 $0x1  }
0x17: {  	s4 =	simm.s32 $0x1BF5;
	[smem:$0x3FA6] =	sst s0  }
0x18: {  	s0 =	sld [smem:$0x3F89];
	_ =	swait.ge [sflag:s4], $0x0  }
0x19: {  	s7 =	sld [smem:$0x3F8A]  }
0x1a: {  	s8 =	sadd.s32 $0xFFFFE003, lr  }
0x1b: {  	s9 =	sadd.s32 $0xFFFFFEF7, lr;
	s5 =	simm.s32 $0xFFFFFFFF;
	p2 =	slt.u32 s8, $0xFFFFF086  }
0x1c: {  	p1 =	slt.u32 s9, $0xF7A;
	s5 =	simm.s32 @!p2 $0x0  }
0x1d: {  	s5 =	simm.s32 @p1 $0x1;
	p0 =	seq.s32 s7, s2  }
0x1e: {  	s7 =	smul.u32 @!p0 $0xF7A, s2;
	p2 =	seq.s32 @!p0 s5, $0x0  }
0x1f: {  	s9 =	smul.u32 $0xF7A, s1;
	s8 =	simm.s32 @!p0 $0x1BF5;
	p2 =	por !p2, p0  }
0x20: {  	[sflag:s8] =	ssyncset.s32 @!p0 $0xFFFFF086;
	s6 =	sadd.s32 @!p0 s3, s7;
	s7 =	simm.s32 @!p0 $0x108  }
0x21: {  	s3 =	sadd.s32 s3, s9;
	s6 =	sadd.s32 @!p0 $0x88, s6;
	s7 =	simm.s32 @p2 $0x1082  }
0x22: {  	[simem:s7], [sflag:s8] =	dma.local @!p0 [hbm:s6], $0xF7A  }
0x23: {  	s9 =	sor.u32 $0xD0000000, s2;
	s6 =	simm.s32 $0x108;
	_ =	swait.ge @!p0 [sflag:s8], $0x0  }
0x24: {  	s3 =	sadd.s32 $0x88, s3;
	s6 =	simm.s32 @!p1 $0x1082;
	[sflag:s4] =	ssyncset.s32 $0xFFFFF086  }
0x25: {  	[simem:s6], [sflag:s4] =	dma.local [hbm:s3], $0xF7A  }
0x26: {  	[smem:$0x3F8A] =	sst s1;
	(tag) =	ssettag s2;
	_ =	strace s9  }
0x27: {  	s1 =	sld [smem:$0x3F9A]  }
0x28: {  	s2 =	sld [smem:$0x3F9B]  }
0x29: {  	s4 =	sld [smem:$0x3F9D]  }
0x2a: {  	p0 =	seq.s32 s5, $0x0;
	s5 =	sld [smem:$0x3F9E]  }
0x2b: {  	s6 =	sld [smem:$0x3F9F]  }
0x2c: {  	s7 =	sld [smem:$0x3FA0]  }
0x2d: {  	s3 =	simm.s32 $0x108;
	s8 =	sld [smem:$0x3FA1]  }
0x2e: {  	s3 =	simm.s32 @!p0 $0x1082;
	s9 =	sld [smem:$0x3FA2]  }
0x2f: {  	lr =	sadd.s32 s0, s3;
	s0 =	sld [smem:$0x3F99]  }
0x30: {  	s3 =	sld [smem:$0x3F9C]  }
0x31: {  	[smem:$0x3FA5] =	sst s10  }
0x32: {  	s10 =	sld [smem:$0x3FA3];
	_ =	sdelay $0x3  }
0x33: {  	p0 =	seq.s32 s10, $0x1;
	s10 =	sld [smem:$0x3FA5];
	_ =	sdelay $0x3  }
0x34: {  	[smem:$0x3FA5] =	sst s10  }
0x35: {  	s10 =	sld [smem:$0x3FA4];
	_ =	sdelay $0x3  }
0x36: {  	p1 =	seq.s32 s10, $0x1;
	s10 =	sld [smem:$0x3FA5];
	_ =	sdelay $0x3  }
0x37: {  	[smem:$0x3FA5] =	sst s10  }
0x38: {  	s10 =	sld [smem:$0x3FA6]  }
0x39: {  	_ = 	snop;
	(pc) =	sbr.ind lr, $3  }
0x3a: {  	_ = 	snop  }
0x3b: {  	_ = 	snop  }
0x3c: {  	p2 =	seq.s32 s10, $0x1;
	s10 =	sld [smem:$0x3FA5]  }
0x3d: {  	_ =	shalt  }
0x3e: {  	_ =	shalt  }
0x3f: {  	_ =	shalt  }
0x40: {  	_ =	shalt  }
0x41: {  	_ =	shalt  }
0x42: {  	_ =	shalt  }
0x43: {  	_ =	shalt  }
0x44: {  	_ =	shalt  }
0x45: {  	_ =	shalt  }
0x46: {  	_ =	shalt  }
0x47: {  	_ =	shalt  }
0x48: {  	_ =	shalt  }
0x49: {  	_ =	shalt  }
0x4a: {  	_ =	shalt  }
0x4b: {  	_ =	shalt  }
0x4c: {  	_ =	shalt  }
0x4d: {  	_ =	shalt  }
0x4e: {  	_ =	shalt  }
0x4f: {  	_ =	shalt  }
0x50: {  	_ =	shalt  }
0x51: {  	_ =	shalt  }
0x52: {  	_ =	shalt  }
0x53: {  	_ =	shalt  }
0x54: {  	_ =	shalt  }
0x55: {  	_ =	shalt  }
0x56: {  	_ =	shalt  }
0x57: {  	_ =	shalt  }
0x58: {  	_ =	shalt  }
0x59: {  	_ =	shalt  }
0x5a: {  	_ =	shalt  }
0x5b: {  	_ =	shalt  }
0x5c: {  	_ =	shalt  }
0x5d: {  	_ =	shalt  }
0x5e: {  	_ =	shalt  }
0x5f: {  	_ =	shalt  }
0x60: {  	_ =	shalt  }
0x61: {  	_ =	shalt  }
0x62: {  	_ =	shalt  }
0x63: {  	_ =	shalt  }
0x64: {  	_ =	shalt  }
0x65: {  	_ =	shalt  }
0x66: {  	_ =	shalt  }
0x67: {  	_ =	shalt  }
0x68: {  	_ =	shalt  }
0x69: {  	_ =	shalt  }
0x6a: {  	_ =	shalt  }
0x6b: {  	_ =	shalt  }
0x6c: {  	_ =	shalt  }
0x6d: {  	_ =	shalt  }
0x6e: {  	_ =	shalt  }
0x6f: {  	_ =	shalt  }
0x70: {  	_ =	shalt  }
0x71: {  	_ =	shalt  }
0x72: {  	_ =	shalt  }
0x73: {  	_ =	shalt  }
0x74: {  	_ =	shalt  }
0x75: {  	_ =	shalt  }
0x76: {  	_ =	shalt  }
0x77: {  	_ =	shalt  }
0x78: {  	_ =	shalt  }
0x79: {  	_ =	shalt  }
0x7a: {  	_ =	shalt  }
0x7b: {  	_ =	shalt  }
0x7c: {  	_ =	shalt  }
0x7d: {  	_ =	shalt  }
0x7e: {  	_ =	shalt  }
0x7f: {  	_ =	shalt  }
0x80: {  	_ =	shalt  }
0x81: {  	_ =	shalt  }
0x82: {  	_ =	shalt  }
0x83: {  	_ =	shalt  }
0x84: {  	_ =	shalt  }
0x85: {  	_ =	shalt  }
0x86: {  	_ =	shalt  }
0x87: {  	_ =	shalt  }
.Lfunc_end0:
.L_simem_size_0:
called_computation.1_lowered:
.L_overlay_start_0:
0x88: {  	s2 =	sld [smem:$0x3FD9]  }
0x89: {  	s3 =	sld [smem:$0x3FFE];
	_ =	sdelay $0x1  }
0x8a: {  	s1 =	srdreg.scid  }
0x8b: {  	s0 =	sand.u32 $0x1, s1  }
0x8c: {  	s16 =	sshll.u32 s0, $0xA;
	s2 =	sadd.s32 s3, s2  }
0x8d: {  	s2 =	sadd.s32 s2, s16  }
0x8e: {  	[smem:$0x3FB1] =	sst s2  }
0x8f: {  	_ = 	snop  }
0x90: {  	(tm) =	ssettm $0x1  }
0x91: {  	s17 =	sld [smem:$0x3FFB];
	_ =	sdelay $0x3  }
0x92: {  	_ =	strace s17  }
0x93: {  	s2 =	sld [smem:$0x3FFC];
	_ =	sdelay $0x3  }
0x94: {  	_ =	strace s2  }
0x95: {  	s2 =	sld [smem:$0x3FFD];
	_ =	sdelay $0x3  }
0x96: {  	_ =	strace s2  }
0x97: {  	_ =	strace $0x8FFFFFFF  }
0x98: {  	s18 =	sld [smem:$0x3FDB];
	_ =	sdelay $0x1  }
0x99: {  	s19 =	simm.s32 $_scs_section_size  }
0x9a: {  	s4 =	simm.s32 $_size__tile_overlayer_lowered;
	s5 =	simm.s32 $_tile_overlayer_lowered  }
0x9b: {  	s22 =	simm.s32 $0x1BFF;
	s21 =	sshll.u32 s5, $0x1;
	s2 =	sadd.s32 s19, s18  }
0x9c: {  	s6 =	simm.s32 $0x0;
	s20 =	sshll.u32 s4, $0x1;
	s4 =	sadd.s32 s21, s2  }
0x9d: {  	[timem:s6], [sflag:s22] =	dma.local [hbm:s4], s20  }
0x9e: {  	_ =	swait.ge [sflag:s22], s20  }
0x9f: {  	s3 =	ssub.s32 $0x0, s20;
	[sflag:s22] =	ssyncset.done $0x0  }
0xa0: {  	[sflag:s22] =	ssyncadd.s32 s3;
	_ =	sdelay $0x1  }
0xa1: {  	s23 =	simm.s32 $0x1B8B  }
0xa2: {  	_ =	swait.ge [sflag:s23], $0x1  }
0xa3: {  	[sflag:s23] =	ssyncset.done $0x0  }
0xa4: {  	s25 =	simm.s32 $0x1B8E;
	s24 =	sld [smem:$0x3FFE];
	[sflag:s23] =	ssyncadd.s32 $0xFFFFFFFF  }
0xa5: {  	s26 =	simm.s32 $execute0_lowered;
	[smem:$0x3FD2] =	sst s25  }
0xa6: {  	s4 =	sshll.u32 s26, $0x1;
	_ =	strace $0x80000049;
	[dreg:$0x1] =	wrdreg $0xFFFFFFFF  }
0xa7: {  	s28 =	simm.s32 $_size_execute0_lowered;
	s2 =	sadd.s32 s2, s4;
	[dreg:$0x0] =	wrdreg $0x0  }
0xa8: {  	s4 =	sshll.u32 s28, $0x1;
	[dreg:$0x2] =	wrdreg s2  }
0xa9: {  	[dreg:$0x3] =	wrdreg s4  }
0xaa: {  	[dreg:$0x4] =	wrdreg $0xC0  }
0xab: {  	_ =	task [dreg:s6], $0x5FFFF  }
0xac: {  	[dreg:$0x1] =	wrdreg $0xFFFFFFFF  }
0xad: {  	[dreg:$0x0] =	wrdreg $0x60  }
0xae: {  	[dreg:$0x2] =	wrdreg s24  }
0xaf: {  	[dreg:$0x3] =	wrdreg $0x9  }
0xb0: {  	_ =	task.clear_ibuf [dreg:s6], $0x4FFFF;
	_ =	strace $0x90000049  }
0xb1: {  	s29 =	simm.s32 $0x9;
	_ =	strace $0x8000004B  }
0xb2: {  	_ =	swait.ge [sflag:s29], $0x1  }
0xb3: {  	[sflag:s29] =	ssyncadd.s32 $0xFFFFFFFF  }
0xb4: {  	_ =	strace $0x9000004B  }
0xb5: {  	_ =	sfence  }
0xb6: {  	s30 =	sld [smem:$0x0];
	_ =	sdelay $0x2  }
0xb7: {  	s31 =	sshll.u32 s1, $0xD;
	s1 =	sshrl.u32 s1, $0x2  }
0xb8: {  	s3 =	sand.u32 $0x4000, s31;
	s1 =	sadd.s32 s1, s30  }
0xb9: {  	s0 =	sor.u32 s3, s0;
	s1 =	sshll.u32 s1, $0x11  }
0xba: {  	s0 =	sor.u32 s1, s0  }
0xbb: {  	s0 =	sadd.s32 $0x8F2B, s0  }
0xbc: {  	[sflag:s0] =	ssyncadd.remote.s32 $0x1  }
0xbd: {  	_ =	sfence.sel $0xFFFF  }
0xbe: {  	[dreg:$0x0] =	wrdreg $0xFFFFFFFF;
	(pc) =	sbr.abs _section_cstart, $3  }
0xbf: {  	[dreg:$0x1] =	wrdreg $0xFFFFFFFF  }
0xc0: {  	_ =	task.clear_ibuf [dreg:s6], $0x2FFFF;
	_ =	strace $0x9FFFFFFF  }
0xc1: {  	(tm) =	ssettm $0x7FFFFFFF  }
tec
execute0_lowered:
.L_overlay_start_1:
0x0: {  	(tag) =	ssettag $0x1  }
0x1: {  	s1 =	srdreg.scid  }
0x2: {  	s0 =	stileid.u32;
	s5 =	sand.u32 $0x1, s1  }
0x3: {  	s2 =	sshll.u32 s0, $0x5;
	s3 =	sshll.u32 s5, $0x4  }
0x4: {  	s1 =	rddreg [dreg:$0x0];
	s3 =	sor.u32 s3, s2;
	s2 =	simm.s32 $0x0  }
0x5: {  	s21 =	simm.s32 $0x880;
	[smem:$0x7FF] =	sst s2  }
0x6: {  	s22 =	simm.s32 $0x1080;
	_ =	strace $0x8000004A;
	[dreg:$0x6] =	wrdreg s21  }
0x7: {  	s23 =	simm.s32 $0x1880;
	[dreg:$0x7] =	wrdreg s22  }
0x8: {  	s24 =	simm.s32 $0x2080;
	[dreg:$0x8] =	wrdreg s23  }
0x9: {  	s25 =	simm.s32 $0x2880;
	[dreg:$0x9] =	wrdreg s24  }
0xa: {  	s26 =	simm.s32 $0x3080;
	s9 =	simm.s32 $0x5880;
	[dreg:$0xa] =	wrdreg s25  }
0xb: {  	s10 =	simm.s32 $0x6880;
	s0 =	simm.s32 $0x3880;
	[dreg:$0xb] =	wrdreg s26  }
0xc: {  	s11 =	simm.s32 $0x7080;
	s12 =	simm.s32 $0x7880;
	[dreg:$0xc] =	wrdreg s0  }
0xd: {  	s13 =	simm.s32 $0x8080;
	s14 =	simm.s32 $0x8880;
	[dreg:$0x10] =	wrdreg s9  }
0xe: {  	s15 =	simm.s32 $0x9080;
	s16 =	simm.s32 $0x9880;
	[dreg:$0x11] =	wrdreg s10  }
0xf: {  	s28 =	simm.s32 $0x16880;
	s29 =	simm.s32 $0x17080;
	[dreg:$0x12] =	wrdreg s11  }
0x10: {  	s30 =	simm.s32 $0x17880;
	s31 =	simm.s32 $0x1;
	[dreg:$0x13] =	wrdreg s12  }
0x11: {  	s7 =	sadd.s32 $0xDC000, s1;
	s5 =	ssub.s32 $0x2, s5;
	[dreg:$0x14] =	wrdreg s13  }
0x12: {  	s17 =	sshrl.u32 s5, $0x1;
	s4 =	smul.u32 $0x300, s3;
	[dreg:$0x15] =	wrdreg s14  }
0x13: {  	s6 =	smul.u32 $0x1800, s3;
	s3 =	sadd.s32 s3, s1;
	[dreg:$0x16] =	wrdreg s15  }
0x14: {  	s8 =	sadd.s32 $0x63E00, s3;
	[dreg:$0x17] =	wrdreg s16;
	s21 =	simm.s32 $0xB880  }
0x15: {  	s22 =	simm.s32 $0xC880;
	s23 =	simm.s32 $0xD080;
	s9 =	simm.s32 $0x80  }
0x16: {  	s24 =	simm.s32 $0xD880;
	s10 =	simm.s32 $0x6080;
	[dreg:$0x2] =	wrdreg s8  }
0x17: {  	s25 =	simm.s32 $0xE080;
	s11 =	simm.s32 $0xC080;
	[dreg:$0x1b] =	wrdreg s21  }
0x18: {  	s26 =	simm.s32 $0xE880;
	s13 =	simm.s32 $0xF880;
	[dreg:$0x1c] =	wrdreg s22  }
0x19: {  	s14 =	simm.s32 $0x10080;
	s15 =	simm.s32 $0x10880;
	[dreg:$0x1d] =	wrdreg s23  }
0x1a: {  	s16 =	simm.s32 $0x11080;
	s3 =	sadd.s32 s7, s4;
	[dreg:$0x1e] =	wrdreg s24  }
0x1b: {  	s18 =	sshrl.u32 s6, $0x3;
	s6 =	simm.s32 $0x4080;
	[dreg:$0x1f] =	wrdreg s25  }
0x1c: {  	s8 =	simm.s32 $0x5080;
	[smem:$0x7FD] =	sst s26;
	s21 =	simm.s32 $0x13880  }
0x1d: {  	s22 =	simm.s32 $0x14080;
	s23 =	simm.s32 $0x14880;
	s24 =	simm.s32 $0x15080  }
0x1e: {  	s25 =	simm.s32 $0x15880;
	s26 =	simm.s32 $0x16080;
	[dreg:$0xd] =	wrdreg s6  }
0x1f: {  	s19 =	sadd.s32 $0xC00, s3;
	s4 =	sadd.s32 s7, s18;
	[dreg:$0xf] =	wrdreg s8  }
0x20: {  	s7 =	simm.s32 $0x4880;
	s18 =	simm.s32 $0xA080;
	[dreg:$0x3] =	wrdreg s19  }
0x21: {  	s6 =	sadd.s32 $0x64200, s1;
	s8 =	simm.s32 $0x3;
	[dreg:$0xe] =	wrdreg s7  }
0x22: {  	s20 =	sadd.s32 $0x1800, s4;
	s4 =	sadd.s32 $0x2400, s4;
	[dreg:$0x18] =	wrdreg s18  }
0x23: {  	s7 =	ssub.s32 s5, s17;
	s19 =	simm.s32 $0xA880;
	[dreg:$0x4] =	wrdreg s20  }
0x24: {  	s5 =	sadd.s32 $0x64100, s1;
	s17 =	simm.s32 $0x11880;
	[dreg:$0x5] =	wrdreg s4  }
0x25: {  	v2 =	vlaneseq.u32;
	s18 =	simm.s32 $0x12080;
	s4 =	sadd.s32 $0x64000, s1;
	[dreg:$0x19] =	wrdreg s19  }
0x26: {  	vm0 =	vmmov $0xffff;
	v1 =	vshrl.u32 v2, $0x3;
	s20 =	simm.s32 $0xB080;
	s7 =	smax.u32 s7, $0x1;
	s19 =	simm.s32 $0x12880  }
0x27: {  	v0 =	vand.u32 $0x7, v2;
	v2 =	vor.u32 $0x8, v2;
	v1 =	vmul.u32 $0x8, v1;
	s1 =	simm.s32 $0x2;
	[dreg:$0x1a] =	wrdreg s20;
	s20 =	simm.s32 $0x13080  }
.LBB2_1:
0x28: {  	s0 =	rddreg [dreg:$0x2]  }
0x29: {  	[tilespmem:s2], [sflag:$0x3] =	stream.linear.gather [hbm4b:s0+s2], $0x80, $0x38;
	[tilespmem:$0x18080] =	vst v63  }
0x2a: {  	_ =	swait.ge [sflag:s8], $0x80  }
0x2b: {  	[sflag:s8] =	ssyncset.done $0x0  }
0x2c: {  	[sflag:s8] =	ssyncadd.s32 $0xFFFFFF80  }
0x2d: {  	v3 =	vld [tilespmem:$0x0];
	_ =	sdelay $0x4  }
0x2e: {  	v4 =	vshrl.u32 v3, $0x3  }
0x2f: {  	v4 =	vmul.u32 $0x30, v4  }
0x30: {  	v3 =	vand.u32 $0x7, v3  }
0x31: {  	v3 =	vor.u32 v3, v4  }
0x32: {  	v4 =	vperm.xlane v3, v0;
	_ =	sdelay $0x1  }
0x33: {  	v4 =	vadd.s32 v1, v4;
	_ =	sdelay $0x3  }
0x34: {  	v3 =	vperm.xlane v3, v2  }
0x35: {  	[tilespmem:s9], [sflag:$0x1] =	stream.indirect_vreg.gather [hbm4b:s4+s2], $0x80, v4, vm0, $0xb8;
	[tilespmem:$0x18080] =	vst v63  }
0x36: {  	s0 =	rddreg [dreg:$0x6];
	v3 =	vadd.s32 v1, v3  }
0x37: {  	[tilespmem:s0], [sflag:$0x1] =	stream.indirect_vreg.gather [hbm4b:s5+s2], $0x80, v4, vm0, $0xb8;
	[tilespmem:$0x18080] =	vst v63  }
0x38: {  	s12 =	rddreg [dreg:$0x7]  }
0x39: {  	[tilespmem:s12], [sflag:$0x1] =	stream.indirect_vreg.gather [hbm4b:s6+s2], $0x80, v4, vm0, $0xb8;
	[tilespmem:$0x18080] =	vst v63  }
0x3a: {  	s0 =	rddreg [dreg:$0x8]  }
0x3b: {  	[tilespmem:s0], [sflag:$0x1] =	stream.indirect_vreg.gather [hbm4b:s4+s2], $0x80, v3, vm0, $0xb8;
	[tilespmem:$0x18080] =	vst v63  }
0x3c: {  	s12 =	rddreg [dreg:$0x9]  }
0x3d: {  	[tilespmem:s12], [sflag:$0x1] =	stream.indirect_vreg.gather [hbm4b:s5+s2], $0x80, v3, vm0, $0xb8;
	[tilespmem:$0x18080] =	vst v63  }
0x3e: {  	s0 =	rddreg [dreg:$0xa]  }
0x3f: {  	[tilespmem:s0], [sflag:$0x1] =	stream.indirect_vreg.gather [hbm4b:s6+s2], $0x80, v3, vm0, $0xb8;
	[tilespmem:$0x18080] =	vst v63  }
0x40: {  	v3 =	vld [tilespmem:$0x10];
	_ =	sdelay $0x4  }
0x41: {  	v57 =	vshrl.u32 v3, $0x3  }
0x42: {  	v4 =	vmul.u32 $0x30, v57  }
0x43: {  	v3 =	vand.u32 $0x7, v3  }
0x44: {  	v3 =	vor.u32 v3, v4  }
0x45: {  	v4 =	vperm.xlane v3, v0;
	_ =	sdelay $0x1  }
0x46: {  	v4 =	vadd.s32 v1, v4;
	_ =	sdelay $0x3  }
0x47: {  	s0 =	rddreg [dreg:$0xb];
	v3 =	vperm.xlane v3, v2  }
0x48: {  	[tilespmem:s0], [sflag:$0x1] =	stream.indirect_vreg.gather [hbm4b:s4+s2], $0x80, v4, vm0, $0xb8;
	[tilespmem:$0x18080] =	vst v63  }
0x49: {  	s12 =	rddreg [dreg:$0xc];
	v3 =	vadd.s32 v1, v3  }
0x4a: {  	[tilespmem:s12], [sflag:$0x1] =	stream.indirect_vreg.gather [hbm4b:s5+s2], $0x80, v4, vm0, $0xb8;
	[tilespmem:$0x18080] =	vst v63  }
0x4b: {  	s0 =	rddreg [dreg:$0xd]  }
0x4c: {  	[tilespmem:s0], [sflag:$0x1] =	stream.indirect_vreg.gather [hbm4b:s6+s2], $0x80, v4, vm0, $0xb8;
	[tilespmem:$0x18080] =	vst v63  }
0x4d: {  	s12 =	rddreg [dreg:$0xe]  }
0x4e: {  	[tilespmem:s12], [sflag:$0x1] =	stream.indirect_vreg.gather [hbm4b:s4+s2], $0x80, v3, vm0, $0xb8;
	[tilespmem:$0x18080] =	vst v63  }
0x4f: {  	s0 =	rddreg [dreg:$0xf]  }
0x50: {  	[tilespmem:s0], [sflag:$0x1] =	stream.indirect_vreg.gather [hbm4b:s5+s2], $0x80, v3, vm0, $0xb8;
	[tilespmem:$0x18080] =	vst v63  }
0x51: {  	s12 =	rddreg [dreg:$0x10]  }
0x52: {  	[tilespmem:s12], [sflag:$0x1] =	stream.indirect_vreg.gather [hbm4b:s6+s2], $0x80, v3, vm0, $0xb8;
	[tilespmem:$0x18080] =	vst v63  }
0x53: {  	v3 =	vld [tilespmem:$0x20];
	_ =	sdelay $0x4  }
0x54: {  	v58 =	vshrl.u32 v3, $0x3  }
0x55: {  	v4 =	vmul.u32 $0x30, v58  }
0x56: {  	v3 =	vand.u32 $0x7, v3  }
0x57: {  	v3 =	vor.u32 v3, v4  }
0x58: {  	v4 =	vperm.xlane v3, v0;
	_ =	sdelay $0x1  }
0x59: {  	v4 =	vadd.s32 v1, v4;
	_ =	sdelay $0x3  }
0x5a: {  	v3 =	vperm.xlane v3, v2  }
0x5b: {  	[tilespmem:s10], [sflag:$0x1] =	stream.indirect_vreg.gather [hbm4b:s4+s2], $0x80, v4, vm0, $0xb8;
	[tilespmem:$0x18080] =	vst v63  }
0x5c: {  	s0 =	rddreg [dreg:$0x11];
	v3 =	vadd.s32 v1, v3  }
0x5d: {  	[tilespmem:s0], [sflag:$0x1] =	stream.indirect_vreg.gather [hbm4b:s5+s2], $0x80, v4, vm0, $0xb8;
	[tilespmem:$0x18080] =	vst v63  }
0x5e: {  	s12 =	rddreg [dreg:$0x12]  }
0x5f: {  	[tilespmem:s12], [sflag:$0x1] =	stream.indirect_vreg.gather [hbm4b:s6+s2], $0x80, v4, vm0, $0xb8;
	[tilespmem:$0x18080] =	vst v63  }
0x60: {  	s0 =	rddreg [dreg:$0x13]  }
0x61: {  	[tilespmem:s0], [sflag:$0x1] =	stream.indirect_vreg.gather [hbm4b:s4+s2], $0x80, v3, vm0, $0xb8;
	[tilespmem:$0x18080] =	vst v63  }
0x62: {  	s12 =	rddreg [dreg:$0x14]  }
0x63: {  	[tilespmem:s12], [sflag:$0x1] =	stream.indirect_vreg.gather [hbm4b:s5+s2], $0x80, v3, vm0, $0xb8;
	[tilespmem:$0x18080] =	vst v63  }
0x64: {  	s0 =	rddreg [dreg:$0x15]  }
0x65: {  	[tilespmem:s0], [sflag:$0x1] =	stream.indirect_vreg.gather [hbm4b:s6+s2], $0x80, v3, vm0, $0xb8;
	[tilespmem:$0x18080] =	vst v63  }
0x66: {  	v3 =	vld [tilespmem:$0x30];
	_ =	sdelay $0x4  }
0x67: {  	v59 =	vshrl.u32 v3, $0x3  }
0x68: {  	v4 =	vmul.u32 $0x30, v59  }
0x69: {  	v3 =	vand.u32 $0x7, v3  }
0x6a: {  	v3 =	vor.u32 v3, v4  }
0x6b: {  	v4 =	vperm.xlane v3, v0;
	_ =	sdelay $0x1  }
0x6c: {  	v4 =	vadd.s32 v1, v4;
	_ =	sdelay $0x3  }
0x6d: {  	s0 =	rddreg [dreg:$0x16];
	v3 =	vperm.xlane v3, v2  }
0x6e: {  	[tilespmem:s0], [sflag:$0x1] =	stream.indirect_vreg.gather [hbm4b:s4+s2], $0x80, v4, vm0, $0xb8;
	[tilespmem:$0x18080] =	vst v63  }
0x6f: {  	s12 =	rddreg [dreg:$0x17];
	v3 =	vadd.s32 v1, v3  }
0x70: {  	[tilespmem:s12], [sflag:$0x1] =	stream.indirect_vreg.gather [hbm4b:s5+s2], $0x80, v4, vm0, $0xb8;
	[tilespmem:$0x18080] =	vst v63  }
0x71: {  	s0 =	rddreg [dreg:$0x18]  }
0x72: {  	[tilespmem:s0], [sflag:$0x1] =	stream.indirect_vreg.gather [hbm4b:s6+s2], $0x80, v4, vm0, $0xb8;
	[tilespmem:$0x18080] =	vst v63  }
0x73: {  	s12 =	rddreg [dreg:$0x19]  }
0x74: {  	[tilespmem:s12], [sflag:$0x1] =	stream.indirect_vreg.gather [hbm4b:s4+s2], $0x80, v3, vm0, $0xb8;
	[tilespmem:$0x18080] =	vst v63  }
0x75: {  	s0 =	rddreg [dreg:$0x1a]  }
0x76: {  	[tilespmem:s0], [sflag:$0x1] =	stream.indirect_vreg.gather [hbm4b:s5+s2], $0x80, v3, vm0, $0xb8;
	[tilespmem:$0x18080] =	vst v63  }
0x77: {  	s12 =	rddreg [dreg:$0x1b]  }
0x78: {  	[tilespmem:s12], [sflag:$0x1] =	stream.indirect_vreg.gather [hbm4b:s6+s2], $0x80, v3, vm0, $0xb8;
	[tilespmem:$0x18080] =	vst v63  }
0x79: {  	v3 =	vld [tilespmem:$0x40];
	_ =	sdelay $0x4  }
0x7a: {  	v60 =	vshrl.u32 v3, $0x3  }
0x7b: {  	v4 =	vmul.u32 $0x30, v60  }
0x7c: {  	v3 =	vand.u32 $0x7, v3  }
0x7d: {  	v3 =	vor.u32 v3, v4  }
0x7e: {  	v4 =	vperm.xlane v3, v0;
	_ =	sdelay $0x1  }
0x7f: {  	v4 =	vadd.s32 v1, v4;
	_ =	sdelay $0x3  }
0x80: {  	s0 =	rddreg [dreg:$0x1c];
	v3 =	vperm.xlane v3, v2  }
0x81: {  	[tilespmem:s11], [sflag:$0x1] =	stream.indirect_vreg.gather [hbm4b:s4+s2], $0x80, v4, vm0, $0xb8;
	[tilespmem:$0x18080] =	vst v63  }
0x82: {  	s12 =	rddreg [dreg:$0x1d];
	v3 =	vadd.s32 v1, v3  }
0x83: {  	[tilespmem:s0], [sflag:$0x1] =	stream.indirect_vreg.gather [hbm4b:s5+s2], $0x80, v4, vm0, $0xb8;
	[tilespmem:$0x18080] =	vst v63  }
0x84: {  	s0 =	rddreg [dreg:$0x1e]  }
0x85: {  	[tilespmem:s12], [sflag:$0x1] =	stream.indirect_vreg.gather [hbm4b:s6+s2], $0x80, v4, vm0, $0xb8;
	[tilespmem:$0x18080] =	vst v63  }
0x86: {  	s12 =	rddreg [dreg:$0x1f]  }
0x87: {  	[tilespmem:s0], [sflag:$0x1] =	stream.indirect_vreg.gather [hbm4b:s4+s2], $0x80, v3, vm0, $0xb8;
	[tilespmem:$0x18080] =	vst v63  }
0x88: {  	s0 =	sld [smem:$0x7FD]  }
0x89: {  	[tilespmem:s12], [sflag:$0x1] =	stream.indirect_vreg.gather [hbm4b:s5+s2], $0x80, v3, vm0, $0xb8;
	[tilespmem:$0x18080] =	vst v63  }
0x8a: {  	_ = 	snop  }
0x8b: {  	[tilespmem:s0], [sflag:$0x1] =	stream.indirect_vreg.gather [hbm4b:s6+s2], $0x80, v3, vm0, $0xb8;
	[tilespmem:$0x18080] =	vst v63  }
0x8c: {  	v3 =	vld [tilespmem:$0x50];
	_ =	sdelay $0x4  }
0x8d: {  	v61 =	vshrl.u32 v3, $0x3  }
0x8e: {  	v4 =	vmul.u32 $0x30, v61  }
0x8f: {  	v3 =	vand.u32 $0x7, v3  }
0x90: {  	v3 =	vor.u32 v3, v4  }
0x91: {  	v4 =	vperm.xlane v3, v0;
	_ =	sdelay $0x1  }
0x92: {  	v4 =	vadd.s32 v1, v4;
	_ =	sdelay $0x3  }
0x93: {  	s12 =	simm.s32 $0xF080;
	v3 =	vperm.xlane v3, v2  }
0x94: {  	[tilespmem:s12], [sflag:$0x1] =	stream.indirect_vreg.gather [hbm4b:s4+s2], $0x80, v4, vm0, $0xb8;
	[tilespmem:$0x18080] =	vst v63  }
0x95: {  	v3 =	vadd.s32 v1, v3  }
0x96: {  	[tilespmem:s13], [sflag:$0x1] =	stream.indirect_vreg.gather [hbm4b:s5+s2], $0x80, v4, vm0, $0xb8;
	[tilespmem:$0x18080] =	vst v63  }
0x97: {  	_ = 	snop  }
0x98: {  	[tilespmem:s14], [sflag:$0x1] =	stream.indirect_vreg.gather [hbm4b:s6+s2], $0x80, v4, vm0, $0xb8;
	[tilespmem:$0x18080] =	vst v63  }
0x99: {  	_ = 	snop  }
0x9a: {  	[tilespmem:s15], [sflag:$0x1] =	stream.indirect_vreg.gather [hbm4b:s4+s2], $0x80, v3, vm0, $0xb8;
	[tilespmem:$0x18080] =	vst v63  }
0x9b: {  	_ = 	snop  }
0x9c: {  	[tilespmem:s16], [sflag:$0x1] =	stream.indirect_vreg.gather [hbm4b:s5+s2], $0x80, v3, vm0, $0xb8;
	[tilespmem:$0x18080] =	vst v63  }
0x9d: {  	_ = 	snop  }
0x9e: {  	[tilespmem:s17], [sflag:$0x1] =	stream.indirect_vreg.gather [hbm4b:s6+s2], $0x80, v3, vm0, $0xb8;
	[tilespmem:$0x18080] =	vst v63  }
0x9f: {  	v3 =	vld [tilespmem:$0x60];
	_ =	sdelay $0x4  }
0xa0: {  	v62 =	vshrl.u32 v3, $0x3  }
0xa1: {  	v4 =	vmul.u32 $0x30, v62  }
0xa2: {  	v3 =	vand.u32 $0x7, v3  }
0xa3: {  	v3 =	vor.u32 v3, v4  }
0xa4: {  	v4 =	vperm.xlane v3, v0;
	_ =	sdelay $0x1  }
0xa5: {  	v4 =	vadd.s32 v1, v4;
	_ =	sdelay $0x3  }
0xa6: {  	v3 =	vperm.xlane v3, v2  }
0xa7: {  	[tilespmem:s18], [sflag:$0x1] =	stream.indirect_vreg.gather [hbm4b:s4+s2], $0x80, v4, vm0, $0xb8;
	[tilespmem:$0x18080] =	vst v63  }
0xa8: {  	v3 =	vadd.s32 v1, v3  }
0xa9: {  	[tilespmem:s19], [sflag:$0x1] =	stream.indirect_vreg.gather [hbm4b:s5+s2], $0x80, v4, vm0, $0xb8;
	[tilespmem:$0x18080] =	vst v63  }
0xaa: {  	_ = 	snop  }
0xab: {  	[tilespmem:s20], [sflag:$0x1] =	stream.indirect_vreg.gather [hbm4b:s6+s2], $0x80, v4, vm0, $0xb8;
	[tilespmem:$0x18080] =	vst v63  }
0xac: {  	_ = 	snop  }
0xad: {  	[tilespmem:s21], [sflag:$0x1] =	stream.indirect_vreg.gather [hbm4b:s4+s2], $0x80, v3, vm0, $0xb8;
	[tilespmem:$0x18080] =	vst v63  }
0xae: {  	_ = 	snop  }
0xaf: {  	[tilespmem:s22], [sflag:$0x1] =	stream.indirect_vreg.gather [hbm4b:s5+s2], $0x80, v3, vm0, $0xb8;
	[tilespmem:$0x18080] =	vst v63  }
0xb0: {  	_ = 	snop  }
0xb1: {  	[tilespmem:s23], [sflag:$0x1] =	stream.indirect_vreg.gather [hbm4b:s6+s2], $0x80, v3, vm0, $0xb8;
	[tilespmem:$0x18080] =	vst v63  }
0xb2: {  	v3 =	vld [tilespmem:$0x70];
	_ =	sdelay $0x4  }
0xb3: {  	v63 =	vshrl.u32 v3, $0x3  }
0xb4: {  	v4 =	vmul.u32 $0x30, v63  }
0xb5: {  	v3 =	vand.u32 $0x7, v3  }
0xb6: {  	v3 =	vor.u32 v3, v4  }
0xb7: {  	v4 =	vperm.xlane v3, v0;
	_ =	sdelay $0x1  }
0xb8: {  	v4 =	vadd.s32 v1, v4;
	_ =	sdelay $0x3  }
0xb9: {  	v3 =	vperm.xlane v3, v2  }
0xba: {  	[tilespmem:s24], [sflag:$0x1] =	stream.indirect_vreg.gather [hbm4b:s4+s2], $0x80, v4, vm0, $0xb8;
	[tilespmem:$0x18080] =	vst v63  }
0xbb: {  	v3 =	vadd.s32 v1, v3  }
0xbc: {  	[tilespmem:s25], [sflag:$0x1] =	stream.indirect_vreg.gather [hbm4b:s5+s2], $0x80, v4, vm0, $0xb8;
	[tilespmem:$0x18080] =	vst v63  }
0xbd: {  	_ = 	snop  }
0xbe: {  	[tilespmem:s26], [sflag:$0x1] =	stream.indirect_vreg.gather [hbm4b:s6+s2], $0x80, v4, vm0, $0xb8;
	[tilespmem:$0x18080] =	vst v63  }
0xbf: {  	_ = 	snop  }
0xc0: {  	[tilespmem:s28], [sflag:$0x1] =	stream.indirect_vreg.gather [hbm4b:s4+s2], $0x80, v3, vm0, $0xb8;
	[tilespmem:$0x18080] =	vst v63  }
0xc1: {  	_ = 	snop  }
0xc2: {  	[tilespmem:s29], [sflag:$0x1] =	stream.indirect_vreg.gather [hbm4b:s5+s2], $0x80, v3, vm0, $0xb8;
	[tilespmem:$0x18080] =	vst v63  }
0xc3: {  	_ = 	snop  }
0xc4: {  	[tilespmem:s30], [sflag:$0x1] =	stream.indirect_vreg.gather [hbm4b:s6+s2], $0x80, v3, vm0, $0xb8;
	[tilespmem:$0x18080] =	vst v63  }
0xc5: {  	_ =	swait.ge [sflag:s31], $0x6000  }
0xc6: {  	[sflag:s31] =	ssyncset.done $0x0  }
0xc7: {  	[sflag:s31] =	ssyncadd.s32 $0xFFFFA000  }
0xc8: {  	[hbm4b:s3+s2] =	stream.linear.scatter [tilespmem:s9], [sflag:$0x2], $0x6000, $0x38;
	[tilespmem:$0x18080] =	vst v63  }
0xc9: {  	_ =	swait.ge [sflag:s31], $0x6000  }
0xca: {  	[sflag:s31] =	ssyncset.done $0x0  }
0xcb: {  	s12 =	rddreg [dreg:$0x3];
	[sflag:s31] =	ssyncadd.s32 $0xFFFFA000  }
0xcc: {  	[hbm4b:s12+s2] =	stream.linear.scatter [tilespmem:s10], [sflag:$0x2], $0x6000, $0x38;
	[tilespmem:$0x18080] =	vst v63  }
0xcd: {  	_ =	swait.ge [sflag:s31], $0x6000  }
0xce: {  	[sflag:s31] =	ssyncset.done $0x0  }
0xcf: {  	s12 =	rddreg [dreg:$0x4];
	[sflag:s31] =	ssyncadd.s32 $0xFFFFA000  }
0xd0: {  	[hbm4b:s12+s2] =	stream.linear.scatter [tilespmem:s11], [sflag:$0x2], $0x6000, $0x38;
	[tilespmem:$0x18080] =	vst v63  }
0xd1: {  	_ =	swait.ge [sflag:s31], $0x6000  }
0xd2: {  	[sflag:s31] =	ssyncset.done $0x0  }
0xd3: {  	s12 =	rddreg [dreg:$0x5];
	[sflag:s31] =	ssyncadd.s32 $0xFFFFA000  }
0xd4: {  	[hbm4b:s12+s2] =	stream.linear.scatter [tilespmem:s18], [sflag:$0x2], $0x6000, $0x38;
	[tilespmem:$0x18080] =	vst v63  }
0xd5: {  	_ =	swait.ge [sflag:s1], $0x6000  }
0xd6: {  	[sflag:s1] =	ssyncset.done $0x0  }
0xd7: {  	[sflag:s1] =	ssyncadd.s32 $0xFFFFA000  }
0xd8: {  	_ =	swait.ge [sflag:s1], $0x6000  }
0xd9: {  	[sflag:s1] =	ssyncset.done $0x0  }
0xda: {  	[sflag:s1] =	ssyncadd.s32 $0xFFFFA000  }
0xdb: {  	p0 =	sne.s32 s7, $0x1;
	_ =	swait.ge [sflag:s1], $0x6000  }
.Ltmp0:
0xdc: {  	[sflag:s1] =	ssyncset.done $0x0;
	(pc) =	sbr.rel @p0 .LBB2_1-.Ltmp0, $4  }
0xdd: {  	[sflag:s1] =	ssyncadd.s32 $0xFFFFA000  }
0xde: {  	_ =	swait.ge [sflag:s1], $0x6000  }
0xdf: {  	[sflag:s1] =	ssyncset.done $0x0  }
0xe0: {  	s7 =	sadd.s32 $0xFFFFFFFF, s7;
	[sflag:s1] =	ssyncadd.s32 $0xFFFFA000  }
0xe1: {  	_ =	sfence.sel $0x180000  }
0xe2: {  	[bflag:$0x0] =	sbarrier.arrive $0xFFFF  }
0xe3: {  	_ =	strace $0x9000004A  }
0xe4: {  	s0 =	stileid.u32;
	[bflag:$0x2] =	sbarrier.arrive $0xFFFF  }
0xe5: {  	p0 =	sne.s32 s0, $0x0;
	s0 =	rddreg [dreg:$0x1]  }
0xe6: {  	s0 =	sadd.s32 @!p0 $0x100000, s0  }
0xe7: {  	[sflag:s0] =	ssyncadd.tile.s32 @!p0 $0x1;
	_ =	shalt  }
.Lfunc_end2:
_tile_overlayer_lowered:
.L_overlay_start_2:
0xe8: {  	(tag) =	ssettag $0x2  }
0xe9: {  	s0 =	rddreg [dreg:$0x0];
	s2 =	stileid.u32  }
0xea: {  	s1 =	rddreg [dreg:$0x1];
	p0 =	sne.s32 s2, $0x0  }
0xeb: {  	s3 =	rddreg [dreg:$0x2];
	[bflag:$0x3] =	sbarrier.arrive $0xFFFF;
	s2 =	simm.s32 @!p0 $0x1C03  }
0xec: {  	[timem:s3], [sflag:s2] =	dma.local @!p0 [hbm:s0], s1  }
0xed: {  	s0 =	simm.s32 @!p0 $0x3  }
0xee: {  	_ =	swait.ge @!p0 [sflag:s0], s1  }
0xef: {  	s1 =	ssub.s32 @!p0 $0x0, s1;
	[sflag:s0] =	ssyncset.done @!p0 $0x0  }
0xf0: {  	[sflag:s0] =	ssyncadd.s32 @!p0 s1  }
0xf1: {  	[bflag:$0x3] =	sbarrier.arrive $0xFFFF  }
0xf2: {  	_ =	shalt  }

</sc_bundles>
